<compile_context>
chip_gen: v7x
topology: tpu7x:2x2x1
jax: 0.10.2.dev20260603
libtpu: 0.0.44.dev20260713+nightly
codegen_flags: <defaults>
</compile_context>

<pallas_src>
import functools

import jax
import jax.numpy as jnp
from jax import lax
from jax.experimental import pallas as pl
from jax.experimental.pallas import tpu as pltpu
from jax.experimental.pallas import tpu_sc as plsc

N = 10000
E = 320000
D = 128
DE = 16
EPS = 1e-07

L = 16
NC = 2
NS = 16
HALF = D // 2
E_PAD = 321536
EDGES_PER_TILE = E_PAD // NS
CHUNK = 64
NCHUNK = EDGES_PER_TILE // CHUNK
N_PAD = 10112
ROWS_PER_SUB = N_PAD // NS

BE = 2048
BN = 1000


def _edge_enc_body(ea_ref, we_ref, be_ref, out_ref):
    emb = jnp.dot(ea_ref[...], we_ref[...], preferred_element_type=jnp.float32)
    emb = emb + be_ref[...]
    out_ref[0] = emb[:, :HALF]
    out_ref[1] = emb[:, HALF:]


def _edge_encode(edge_attr, W_edge, b_edge2d):
    return pl.pallas_call(
        _edge_enc_body,
        grid=(E_PAD // BE,),
        in_specs=[
            pl.BlockSpec((BE, DE), lambda i: (i, 0)),
            pl.BlockSpec((DE, D), lambda i: (0, 0)),
            pl.BlockSpec((1, D), lambda i: (0, 0)),
        ],
        out_specs=pl.BlockSpec((2, BE, HALF), lambda i: (0, i, 0)),
        out_shape=jax.ShapeDtypeStruct((2, E_PAD, HALF), jnp.float32),
    )(edge_attr, W_edge, b_edge2d)


def _sc_body(x_hbm, ee_hbm, src_hbm, dst_hbm, out_hbm,
             srcb, dstb, dsts, xg, ee, sc, acc_sh,
             gs0, gs1, es0, es1, ss0, ss1, isem):
    c = lax.axis_index("c")
    s = lax.axis_index("s")
    base = s * EDGES_PER_TILE
    lane0 = c * HALF
    gsem = (gs0, gs1)
    esem = (es0, es1)
    ssem = (ss0, ss1)

    zero = jnp.zeros((L,), jnp.float32)

    def zrow(r, carry):
        for j in range(D // L):
            sc[0, r, pl.ds(j * L, L)] = zero
        return carry

    lax.fori_loop(0, CHUNK, zrow, 0)
    for k in range(ROWS_PER_SUB // CHUNK):
        pltpu.sync_copy(
            sc.at[0], acc_sh.at[pl.ds(s * ROWS_PER_SUB + k * CHUNK, CHUNK)])
    _rem = ROWS_PER_SUB % CHUNK
    if _rem:
        pltpu.sync_copy(
            sc.at[0].at[pl.ds(0, _rem)],
            acc_sh.at[pl.ds(
                s * ROWS_PER_SUB + (ROWS_PER_SUB // CHUNK) * CHUNK, _rem)])
    plsc.subcore_barrier()

    def issue_idx(j, b):
        e0 = base + j * CHUNK
        pltpu.async_copy(src_hbm.at[pl.ds(e0, CHUNK)], srcb.at[b], isem)
        pltpu.async_copy(dst_hbm.at[pl.ds(e0, CHUNK)], dstb.at[b], isem)

    def wait_idx(j, b):
        e0 = base + j * CHUNK
        pltpu.make_async_copy(
            src_hbm.at[pl.ds(e0, CHUNK)], srcb.at[b], isem).wait()
        pltpu.make_async_copy(
            dst_hbm.at[pl.ds(e0, CHUNK)], dstb.at[b], isem).wait()

    def issue_gather(b):
        pltpu.async_copy(x_hbm.at[srcb.at[b]], xg.at[b], gsem[b])

    def wait_gather(b):
        pltpu.make_async_copy(x_hbm.at[srcb.at[b]], xg.at[b], gsem[b]).wait()

    def issue_ee(j, b):
        pltpu.async_copy(
            ee_hbm.at[pl.ds(c * E_PAD + base + j * CHUNK, CHUNK)],
            ee.at[b], esem[b])

    def wait_ee(j, b):
        pltpu.make_async_copy(
            ee_hbm.at[pl.ds(c * E_PAD + base + j * CHUNK, CHUNK)],
            ee.at[b], esem[b]).wait()

    def issue_scatter(b):
        pltpu.async_copy(sc.at[b], acc_sh.at[dsts.at[b]], ssem[b], add=True)

    def wait_scatter(b):
        pltpu.make_async_copy(sc.at[b], acc_sh.at[dsts.at[b]], ssem[b]).wait()

    def compute(b):
        @plsc.parallel_loop(0, CHUNK, unroll=8)
        def _(e):
            for j in range(HALF // L):
                sl = pl.ds(j * L, L)
                m = jnp.maximum(
                    xg[b, e, pl.ds(lane0 + j * L, L)] + ee[b, e, sl],
                    0.0) + EPS
                ex = jnp.exp(m)
                sc[b, e, sl] = ex
                sc[b, e, pl.ds(HALF + j * L, L)] = m * ex

    issue_idx(0, 0)
    wait_idx(0, 0)
    issue_gather(0)
    issue_ee(0, 0)
    issue_idx(1, 1)

    def step(t, carry):
        for b in (0, 1):
            jj = 2 * t + b

            def slot(jj=jj, b=b):
                @pl.when(jj + 1 < NCHUNK)
                def _():
                    wait_idx(jj + 1, 1 - b)
                    issue_gather(1 - b)
                    issue_ee(jj + 1, 1 - b)

                @pl.when(jj >= 2)
                def _():
                    wait_scatter(b)

                for k in range(CHUNK // L):
                    sl = pl.ds(k * L, L)
                    dsts[b, sl] = dstb[b, sl]

                wait_gather(b)

                @pl.when(jj + 2 < NCHUNK)
                def _():
                    issue_idx(jj + 2, b)

                wait_ee(jj, b)
                compute(b)
                issue_scatter(b)

            if b == 0 or NCHUNK % 2 == 0:
                slot()
            else:
                pl.when(jj < NCHUNK)(slot)
        return carry

    lax.fori_loop(0, (NCHUNK + 1) // 2, step, 0)

    wait_scatter(0)
    wait_scatter(1)

    plsc.subcore_barrier()
    pltpu.sync_copy(
        acc_sh.at[pl.ds(s * ROWS_PER_SUB, ROWS_PER_SUB)],
        out_hbm.at[pl.ds(c * N_PAD + s * ROWS_PER_SUB, ROWS_PER_SUB)])


@functools.cache
def _sc_aggregate_fn():
    mesh = plsc.VectorSubcoreMesh(
        core_axis_name="c", subcore_axis_name="s",
        num_cores=NC, num_subcores=NS)
    return pl.kernel(
        _sc_body,
        mesh=mesh,
        out_type=jax.ShapeDtypeStruct((NC * N_PAD, D), jnp.float32),
        scratch_types=[
            pltpu.VMEM((2, CHUNK), jnp.int32),
            pltpu.VMEM((2, CHUNK), jnp.int32),
            pltpu.VMEM((2, CHUNK), jnp.int32),
            pltpu.VMEM((2, CHUNK, D), jnp.float32),
            pltpu.VMEM((2, CHUNK, HALF), jnp.float32),
            pltpu.VMEM((2, CHUNK, D), jnp.float32),
            pltpu.VMEM_SHARED((N_PAD, D), jnp.float32),
            pltpu.SemaphoreType.DMA,
            pltpu.SemaphoreType.DMA,
            pltpu.SemaphoreType.DMA,
            pltpu.SemaphoreType.DMA,
            pltpu.SemaphoreType.DMA,
            pltpu.SemaphoreType.DMA,
            pltpu.SemaphoreType.DMA,
        ],
    )


def _node_mlp_body(acc_ref, x2_ref, w1_ref, b1_ref, g_ref, bt_ref,
                   w2_ref, b2_ref, out_ref):
    a0 = acc_ref[0]
    a1 = acc_ref[1]
    agg0 = a0[:, HALF:] / (a0[:, :HALF] + 1e-16)
    agg1 = a1[:, HALF:] / (a1[:, :HALF] + 1e-16)
    h0 = x2_ref[0] + agg0
    h1 = x2_ref[1] + agg1
    t = jnp.dot(h0, w1_ref[:HALF, :], preferred_element_type=jnp.float32)
    t = t + jnp.dot(h1, w1_ref[HALF:, :], preferred_element_type=jnp.float32)
    t = t + b1_ref[...]
    t = jnp.maximum(g_ref[...] * t + bt_ref[...], 0.0)
    out = jnp.dot(t, w2_ref[...], preferred_element_type=jnp.float32)
    out_ref[...] = out + b2_ref[...]


def _node_mlp(acc3, x3, W1, b1_2d, gamma2d, beta2d, W2, b2_2d):
    return pl.pallas_call(
        _node_mlp_body,
        grid=(N // BN,),
        in_specs=[
            pl.BlockSpec((2, BN, D), lambda i: (0, i, 0)),
            pl.BlockSpec((2, BN, HALF), lambda i: (0, i, 0)),
            pl.BlockSpec((D, 2 * D), lambda i: (0, 0)),
            pl.BlockSpec((1, 2 * D), lambda i: (0, 0)),
            pl.BlockSpec((1, 2 * D), lambda i: (0, 0)),
            pl.BlockSpec((1, 2 * D), lambda i: (0, 0)),
            pl.BlockSpec((2 * D, D), lambda i: (0, 0)),
            pl.BlockSpec((1, D), lambda i: (0, 0)),
        ],
        out_specs=pl.BlockSpec((BN, D), lambda i: (i, 0)),
        out_shape=jax.ShapeDtypeStruct((N, D), jnp.float32),
    )(acc3, x3, W1, b1_2d, gamma2d, beta2d, W2, b2_2d)


def kernel(x, edge_index, edge_attr, W_edge, b_edge, W1, b1, gamma, beta,
           W2, b2):
    pad = E_PAD - E
    src = jnp.concatenate(
        [edge_index[0], jnp.arange(pad, dtype=jnp.int32) % N])
    dst = jnp.concatenate(
        [edge_index[1], jnp.full((pad,), N, dtype=jnp.int32)])
    ea_p = jnp.concatenate(
        [edge_attr, jnp.zeros((pad, DE), dtype=jnp.float32)])
    ee2 = _edge_encode(ea_p, W_edge, b_edge.reshape(1, D))
    x2 = jnp.concatenate([x[:, :HALF], x[:, HALF:]], axis=0)
    acc = _sc_aggregate_fn()(x, ee2.reshape(NC * E_PAD, HALF), src, dst)
    return _node_mlp(acc.reshape(NC, N_PAD, D), x2.reshape(NC, N, HALF),
                     W1, b1.reshape(1, 2 * D), gamma.reshape(1, 2 * D),
                     beta.reshape(1, 2 * D), W2, b2.reshape(1, D))

# --- scband reference (transcript-rebuilt; emitter-appended) ---
"""Pipeline reference for scband-deeper-gcn-24232205484640 (READ-ONLY COPY).

The authoritative reference and input builder live on the scoring server;
editing this copy changes nothing except your own understanding.
"""

import jax, jax.numpy as jnp
import numpy as np

N = 10000
E = 320000
D = 128
DE = 16
T = 1.0
EPS = 1e-07


def setup_inputs(seed: int = 0) -> dict:
    key = jax.random.key(seed)
    ks = jax.random.split(key, 12)
    x = jax.random.normal(ks[0], (N, D), dtype=jnp.float32)
    edge_index = jax.random.randint(ks[1], (2, E), 0, N)
    edge_attr = jax.random.normal(ks[2], (E, DE), dtype=jnp.float32)
    # edge encoder (encode_edge=True, linear): Linear(DE, D)
    W_edge = jax.random.normal(ks[3], (DE, D), dtype=jnp.float32) * (1.0 / np.sqrt(DE))
    b_edge = jnp.zeros((D,), dtype=jnp.float32)
    # MLP (mlp_layers=2): Linear(D, 2D) -> BatchNorm -> ReLU -> Linear(2D, D)
    W1 = jax.random.normal(ks[4], (D, 2 * D), dtype=jnp.float32) * (1.0 / np.sqrt(D))
    b1 = jnp.zeros((2 * D,), dtype=jnp.float32)
    gamma = jnp.ones((2 * D,), dtype=jnp.float32)
    beta = jnp.zeros((2 * D,), dtype=jnp.float32)
    W2 = jax.random.normal(ks[5], (2 * D, D), dtype=jnp.float32) * (1.0 / np.sqrt(2 * D))
    b2 = jnp.zeros((D,), dtype=jnp.float32)
    return {"x": x, "edge_index": edge_index, "edge_attr": edge_attr,
            "W_edge": W_edge, "b_edge": b_edge, "W1": W1, "b1": b1,
            "gamma": gamma, "beta": beta, "W2": W2, "b2": b2}


def reference(x, edge_index, edge_attr, W_edge, b_edge, W1, b1, gamma, beta, W2, b2):
    src = edge_index[0]
    dst = edge_index[1]
    # edge encoder
    edge_emb = edge_attr @ W_edge + b_edge
    # message: relu(x_j + edge_emb) + eps
    msg = jax.nn.relu(x[src] + edge_emb) + EPS
    # softmax aggregation (scatter_softmax over dst, per channel)
    logits = msg * T
    seg_max = jax.ops.segment_max(logits, dst, num_segments=N)
    seg_max = jnp.where(jnp.isfinite(seg_max), seg_max, 0.0)
    seg_max = jax.lax.stop_gradient(seg_max)
    ex = jnp.exp(logits - seg_max[dst])
    denom = jax.ops.segment_sum(ex, dst, num_segments=N)
    alpha = ex / (denom[dst] + 1e-16)
    agg = jax.ops.segment_sum(msg * alpha, dst, num_segments=N)
    # residual + MLP
    h = x + agg
    h1 = h @ W1 + b1
    # batch norm in inference form with fresh running stats (mean=0, var=1)
    h1 = gamma * h1 + beta
    h1 = jax.nn.relu(h1)
    out = h1 @ W2 + b2
    return out

if __name__ == "__main__":
    import jax
    _d = setup_inputs()
    print(jax.jit(kernel)(*tuple(_d.values())))

</pallas_src>

<mosaic_0001>
#map = affine_map<(d0, d1) -> (0, 0)>
#map1 = affine_map<(d0, d1) -> (0)>
module attributes {stable_mosaic.version = 14 : i64} {
  func.func @_sc_body(%arg0: i32, %arg1: i32, %arg2: memref<10000x128xf32, #tpu.memory_space<hbm>>, %arg3: memref<643072x64xf32, #tpu.memory_space<hbm>>, %arg4: memref<321536xi32, #tpu.memory_space<hbm>>, %arg5: memref<321536xi32, #tpu.memory_space<hbm>>, %arg6: memref<20224x128xf32, #tpu.memory_space<hbm>>, %arg7: memref<2x64xi32, #tpu.memory_space<vmem>>, %arg8: memref<2x64xi32, #tpu.memory_space<vmem>>, %arg9: memref<2x64xi32, #tpu.memory_space<vmem>>, %arg10: memref<2x64x128xf32, #tpu.memory_space<vmem>>, %arg11: memref<2x64x64xf32, #tpu.memory_space<vmem>>, %arg12: memref<2x64x128xf32, #tpu.memory_space<vmem>>, %arg13: memref<10112x128xf32, #tpu.memory_space<vmem_shared>>, %arg14: memref<!tpu.dma_semaphore, #tpu.memory_space<semaphore_mem>>, %arg15: memref<!tpu.dma_semaphore, #tpu.memory_space<semaphore_mem>>, %arg16: memref<!tpu.dma_semaphore, #tpu.memory_space<semaphore_mem>>, %arg17: memref<!tpu.dma_semaphore, #tpu.memory_space<semaphore_mem>>, %arg18: memref<!tpu.dma_semaphore, #tpu.memory_space<semaphore_mem>>, %arg19: memref<!tpu.dma_semaphore, #tpu.memory_space<semaphore_mem>>, %arg20: memref<!tpu.dma_semaphore, #tpu.memory_space<semaphore_mem>>) attributes {dimension_semantics = [#tpu.dimension_semantics<core_parallel>, #tpu.dimension_semantics<subcore_parallel>], iteration_bounds = array<i64: 2, 16>, scalar_prefetch = 0 : i64, scratch_operands = 14 : i64, tpu.core_type = #tpu.core_type<sc_vector_subcore>, window_params = [{transform_indices = #map}, {transform_indices = #map}, {transform_indices = #map1}, {transform_indices = #map1}, {transform_indices = #map}]} {
    %mul3A = arith.constant 20096 : i32
    %mul3A_0 = arith.muli %arg1, %mul3A : i32
    %mul3A_1 = arith.constant 64 : i32
    %mul3A_2 = arith.muli %arg0, %mul3A_1 : i32
    %broadcast_in_dim3A = arith.constant 0.000000e+00 : f32
    %broadcast_in_dim3A_3 = vector.broadcast %broadcast_in_dim3A : f32 to vector<16xf32>
    %scan3A = arith.constant 0 : i32
    %scan3A_4 = arith.constant 0 : i32
    %scan3A_5 = arith.constant 64 : i32
    %scan3A_6 = arith.addi %scan3A_4, %scan3A_5 : i32
    %scan3A_7 = arith.constant 1 : i32
    scf.for %scan3A_183 = %scan3A_4 to %scan3A_6 step %scan3A_7  : i32 {
      %swap3A = arith.constant 0 : i32
      %swap3A_184 = arith.index_cast %swap3A : i32 to index
      %swap3A_185 = arith.index_cast %scan3A_183 : i32 to index
      %swap3A_186 = arith.constant 0 : index
      %swap3A_187 = tpu.vector_load %arg12[%swap3A_184, %swap3A_185, %swap3A_186] {strides = array<i32>} : memref<2x64x128xf32, #tpu.memory_space<vmem>>, vector<1x1x16xf32>,
      %swap3A_188 = vector.shape_cast %swap3A_187 : vector<1x1x16xf32> to vector<16xf32>
      %swap3A_189 = vector.shape_cast %broadcast_in_dim3A_3 : vector<16xf32> to vector<1x1x16xf32>
      tpu.vector_store %arg12[%swap3A_184, %swap3A_185, %swap3A_186], %swap3A_189 {strides = array<i32>} : memref<2x64x128xf32, #tpu.memory_space<vmem>>, vector<1x1x16xf32>,
      %swap3A_190 = arith.constant 0 : i32
      %swap3A_191 = arith.index_cast %swap3A_190 : i32 to index
      %swap3A_192 = arith.index_cast %scan3A_183 : i32 to index
      %swap3A_193 = arith.constant 16 : index
      %swap3A_194 = tpu.vector_load %arg12[%swap3A_191, %swap3A_192, %swap3A_193] {strides = array<i32>} : memref<2x64x128xf32, #tpu.memory_space<vmem>>, vector<1x1x16xf32>,
      %swap3A_195 = vector.shape_cast %swap3A_194 : vector<1x1x16xf32> to vector<16xf32>
      %swap3A_196 = vector.shape_cast %broadcast_in_dim3A_3 : vector<16xf32> to vector<1x1x16xf32>
      tpu.vector_store %arg12[%swap3A_191, %swap3A_192, %swap3A_193], %swap3A_196 {strides = array<i32>} : memref<2x64x128xf32, #tpu.memory_space<vmem>>, vector<1x1x16xf32>,
      %swap3A_197 = arith.constant 0 : i32
      %swap3A_198 = arith.index_cast %swap3A_197 : i32 to index
      %swap3A_199 = arith.index_cast %scan3A_183 : i32 to index
      %swap3A_200 = arith.constant 32 : index
      %swap3A_201 = tpu.vector_load %arg12[%swap3A_198, %swap3A_199, %swap3A_200] {strides = array<i32>} : memref<2x64x128xf32, #tpu.memory_space<vmem>>, vector<1x1x16xf32>,
      %swap3A_202 = vector.shape_cast %swap3A_201 : vector<1x1x16xf32> to vector<16xf32>
      %swap3A_203 = vector.shape_cast %broadcast_in_dim3A_3 : vector<16xf32> to vector<1x1x16xf32>
      tpu.vector_store %arg12[%swap3A_198, %swap3A_199, %swap3A_200], %swap3A_203 {strides = array<i32>} : memref<2x64x128xf32, #tpu.memory_space<vmem>>, vector<1x1x16xf32>,
      %swap3A_204 = arith.constant 0 : i32
      %swap3A_205 = arith.index_cast %swap3A_204 : i32 to index
      %swap3A_206 = arith.index_cast %scan3A_183 : i32 to index
      %swap3A_207 = arith.constant 48 : index
      %swap3A_208 = tpu.vector_load %arg12[%swap3A_205, %swap3A_206, %swap3A_207] {strides = array<i32>} : memref<2x64x128xf32, #tpu.memory_space<vmem>>, vector<1x1x16xf32>,
      %swap3A_209 = vector.shape_cast %swap3A_208 : vector<1x1x16xf32> to vector<16xf32>
      %swap3A_210 = vector.shape_cast %broadcast_in_dim3A_3 : vector<16xf32> to vector<1x1x16xf32>
      tpu.vector_store %arg12[%swap3A_205, %swap3A_206, %swap3A_207], %swap3A_210 {strides = array<i32>} : memref<2x64x128xf32, #tpu.memory_space<vmem>>, vector<1x1x16xf32>,
      %swap3A_211 = arith.constant 0 : i32
      %swap3A_212 = arith.index_cast %swap3A_211 : i32 to index
      %swap3A_213 = arith.index_cast %scan3A_183 : i32 to index
      %swap3A_214 = arith.constant 64 : index
      %swap3A_215 = tpu.vector_load %arg12[%swap3A_212, %swap3A_213, %swap3A_214] {strides = array<i32>} : memref<2x64x128xf32, #tpu.memory_space<vmem>>, vector<1x1x16xf32>,
      %swap3A_216 = vector.shape_cast %swap3A_215 : vector<1x1x16xf32> to vector<16xf32>
      %swap3A_217 = vector.shape_cast %broadcast_in_dim3A_3 : vector<16xf32> to vector<1x1x16xf32>
      tpu.vector_store %arg12[%swap3A_212, %swap3A_213, %swap3A_214], %swap3A_217 {strides = array<i32>} : memref<2x64x128xf32, #tpu.memory_space<vmem>>, vector<1x1x16xf32>,
      %swap3A_218 = arith.constant 0 : i32
      %swap3A_219 = arith.index_cast %swap3A_218 : i32 to index
      %swap3A_220 = arith.index_cast %scan3A_183 : i32 to index
      %swap3A_221 = arith.constant 80 : index
      %swap3A_222 = tpu.vector_load %arg12[%swap3A_219, %swap3A_220, %swap3A_221] {strides = array<i32>} : memref<2x64x128xf32, #tpu.memory_space<vmem>>, vector<1x1x16xf32>,
      %swap3A_223 = vector.shape_cast %swap3A_222 : vector<1x1x16xf32> to vector<16xf32>
      %swap3A_224 = vector.shape_cast %broadcast_in_dim3A_3 : vector<16xf32> to vector<1x1x16xf32>
      tpu.vector_store %arg12[%swap3A_219, %swap3A_220, %swap3A_221], %swap3A_224 {strides = array<i32>} : memref<2x64x128xf32, #tpu.memory_space<vmem>>, vector<1x1x16xf32>,
      %swap3A_225 = arith.constant 0 : i32
      %swap3A_226 = arith.index_cast %swap3A_225 : i32 to index
      %swap3A_227 = arith.index_cast %scan3A_183 : i32 to index
      %swap3A_228 = arith.constant 96 : index
      %swap3A_229 = tpu.vector_load %arg12[%swap3A_226, %swap3A_227, %swap3A_228] {strides = array<i32>} : memref<2x64x128xf32, #tpu.memory_space<vmem>>, vector<1x1x16xf32>,
      %swap3A_230 = vector.shape_cast %swap3A_229 : vector<1x1x16xf32> to vector<16xf32>
      %swap3A_231 = vector.shape_cast %broadcast_in_dim3A_3 : vector<16xf32> to vector<1x1x16xf32>
      tpu.vector_store %arg12[%swap3A_226, %swap3A_227, %swap3A_228], %swap3A_231 {strides = array<i32>} : memref<2x64x128xf32, #tpu.memory_space<vmem>>, vector<1x1x16xf32>,
      %swap3A_232 = arith.constant 0 : i32
      %swap3A_233 = arith.index_cast %swap3A_232 : i32 to index
      %swap3A_234 = arith.index_cast %scan3A_183 : i32 to index
      %swap3A_235 = arith.constant 112 : index
      %swap3A_236 = tpu.vector_load %arg12[%swap3A_233, %swap3A_234, %swap3A_235] {strides = array<i32>} : memref<2x64x128xf32, #tpu.memory_space<vmem>>, vector<1x1x16xf32>,
      %swap3A_237 = vector.shape_cast %swap3A_236 : vector<1x1x16xf32> to vector<16xf32>
      %swap3A_238 = vector.shape_cast %broadcast_in_dim3A_3 : vector<16xf32> to vector<1x1x16xf32>
      tpu.vector_store %arg12[%swap3A_233, %swap3A_234, %swap3A_235], %swap3A_238 {strides = array<i32>} : memref<2x64x128xf32, #tpu.memory_space<vmem>>, vector<1x1x16xf32>,
    }
    %scan3A_8 = arith.constant 64 : i32
    %mul3A_9 = arith.constant 632 : i32
    %mul3A_10 = arith.muli %arg1, %mul3A_9 : i32
    %add3A = arith.constant 0 : i32
    %add3A_11 = arith.addi %mul3A_10, %add3A : i32
    %run_scoped3A = arith.constant 0 : i32
    "tpu.region"() ({
      %run_scoped3A_183 = tpu.sem_alloc : memref<!tpu.dma_semaphore, #tpu.memory_space<semaphore_mem>>
      %dma_start3A_184 = arith.constant 0 : i32
      %dma_start3A_185 = arith.constant 0 : i32
      %dma_start3A_186 = tpu.memref_slice %arg12[%run_scoped3A, %dma_start3A_184, %dma_start3A_185] : memref<2x64x128xf32, #tpu.memory_space<vmem>> -> memref<1x64x128xf32, #tpu.memory_space<vmem>>
      %dma_start3A_187 = tpu.memref_squeeze %dma_start3A_186 : memref<1x64x128xf32, #tpu.memory_space<vmem>> -> memref<64x128xf32, #tpu.memory_space<vmem>>
      %dma_start3A_188 = arith.constant 0 : i32
      %dma_start3A_189 = tpu.memref_slice %arg13[%add3A_11, %dma_start3A_188] : memref<10112x128xf32, #tpu.memory_space<vmem_shared>> -> memref<64x128xf32, #tpu.memory_space<vmem_shared>>
      %dma_start3A_190 = arith.constant 0 : i32
      %dma_start3A_191 = tpu.memref_slice %arg13[%add3A_11, %dma_start3A_190] : memref<10112x128xf32, #tpu.memory_space<vmem_shared>> -> memref<64x128xf32, #tpu.memory_space<vmem_shared>>
      %dma_start3A_192 = arith.constant 0 : i32
      %dma_start3A_193 = arith.constant 0 : i32
      %dma_start3A_194 = tpu.memref_slice %arg12[%run_scoped3A, %dma_start3A_192, %dma_start3A_193] : memref<2x64x128xf32, #tpu.memory_space<vmem>> -> memref<1x64x128xf32, #tpu.memory_space<vmem>>
      %dma_start3A_195 = tpu.memref_squeeze %dma_start3A_194 : memref<1x64x128xf32, #tpu.memory_space<vmem>> -> memref<64x128xf32, #tpu.memory_space<vmem>>
      tpu.enqueue_dma source(%dma_start3A_195 : memref<64x128xf32, #tpu.memory_space<vmem>>) target(%dma_start3A_191 : memref<64x128xf32, #tpu.memory_space<vmem_shared>>) target_semaphore(%run_scoped3A_183 : memref<!tpu.dma_semaphore, #tpu.memory_space<semaphore_mem>>)
      %dma_wait3A_196 = arith.constant 0 : i32
      %dma_wait3A_197 = arith.constant 0 : i32
      %dma_wait3A_198 = tpu.memref_slice %arg12[%run_scoped3A, %dma_wait3A_196, %dma_wait3A_197] : memref<2x64x128xf32, #tpu.memory_space<vmem>> -> memref<1x64x128xf32, #tpu.memory_space<vmem>>
      %dma_wait3A_199 = tpu.memref_squeeze %dma_wait3A_198 : memref<1x64x128xf32, #tpu.memory_space<vmem>> -> memref<64x128xf32, #tpu.memory_space<vmem>>
      %dma_wait3A_200 = arith.constant 0 : i32
      %dma_wait3A_201 = tpu.memref_slice %arg13[%add3A_11, %dma_wait3A_200] : memref<10112x128xf32, #tpu.memory_space<vmem_shared>> -> memref<64x128xf32, #tpu.memory_space<vmem_shared>>
      %dma_wait3A_202 = arith.constant 0 : i32
      %dma_wait3A_203 = tpu.memref_slice %arg13[%add3A_11, %dma_wait3A_202] : memref<10112x128xf32, #tpu.memory_space<vmem_shared>> -> memref<64x128xf32, #tpu.memory_space<vmem_shared>>
      %dma_wait3A_204 = arith.constant 0 : i32
      %dma_wait3A_205 = arith.constant 0 : i32
      %dma_wait3A_206 = tpu.memref_slice %arg12[%run_scoped3A, %dma_wait3A_204, %dma_wait3A_205] : memref<2x64x128xf32, #tpu.memory_space<vmem>> -> memref<1x64x128xf32, #tpu.memory_space<vmem>>
      %dma_wait3A_207 = tpu.memref_squeeze %dma_wait3A_206 : memref<1x64x128xf32, #tpu.memory_space<vmem>> -> memref<64x128xf32, #tpu.memory_space<vmem>>
      tpu.wait_dma2 semaphore(%run_scoped3A_183 : memref<!tpu.dma_semaphore, #tpu.memory_space<semaphore_mem>>) src(%dma_wait3A_207 : memref<64x128xf32, #tpu.memory_space<vmem>>) dst(%dma_wait3A_203 : memref<64x128xf32, #tpu.memory_space<vmem_shared>>)
      tpu.yield
    }) : () -> ()
    %mul3A_12 = arith.constant 632 : i32
    %mul3A_13 = arith.muli %arg1, %mul3A_12 : i32
    %add3A_14 = arith.constant 64 : i32
    %add3A_15 = arith.addi %mul3A_13, %add3A_14 : i32
    %run_scoped3A_16 = arith.constant 0 : i32
    "tpu.region"() ({
      %run_scoped3A_183 = tpu.sem_alloc : memref<!tpu.dma_semaphore, #tpu.memory_space<semaphore_mem>>
      %dma_start3A_184 = arith.constant 0 : i32
      %dma_start3A_185 = arith.constant 0 : i32
      %dma_start3A_186 = tpu.memref_slice %arg12[%run_scoped3A_16, %dma_start3A_184, %dma_start3A_185] : memref<2x64x128xf32, #tpu.memory_space<vmem>> -> memref<1x64x128xf32, #tpu.memory_space<vmem>>
      %dma_start3A_187 = tpu.memref_squeeze %dma_start3A_186 : memref<1x64x128xf32, #tpu.memory_space<vmem>> -> memref<64x128xf32, #tpu.memory_space<vmem>>
      %dma_start3A_188 = arith.constant 0 : i32
      %dma_start3A_189 = tpu.memref_slice %arg13[%add3A_15, %dma_start3A_188] : memref<10112x128xf32, #tpu.memory_space<vmem_shared>> -> memref<64x128xf32, #tpu.memory_space<vmem_shared>>
      %dma_start3A_190 = arith.constant 0 : i32
      %dma_start3A_191 = tpu.memref_slice %arg13[%add3A_15, %dma_start3A_190] : memref<10112x128xf32, #tpu.memory_space<vmem_shared>> -> memref<64x128xf32, #tpu.memory_space<vmem_shared>>
      %dma_start3A_192 = arith.constant 0 : i32
      %dma_start3A_193 = arith.constant 0 : i32
      %dma_start3A_194 = tpu.memref_slice %arg12[%run_scoped3A_16, %dma_start3A_192, %dma_start3A_193] : memref<2x64x128xf32, #tpu.memory_space<vmem>> -> memref<1x64x128xf32, #tpu.memory_space<vmem>>
      %dma_start3A_195 = tpu.memref_squeeze %dma_start3A_194 : memref<1x64x128xf32, #tpu.memory_space<vmem>> -> memref<64x128xf32, #tpu.memory_space<vmem>>
      tpu.enqueue_dma source(%dma_start3A_195 : memref<64x128xf32, #tpu.memory_space<vmem>>) target(%dma_start3A_191 : memref<64x128xf32, #tpu.memory_space<vmem_shared>>) target_semaphore(%run_scoped3A_183 : memref<!tpu.dma_semaphore, #tpu.memory_space<semaphore_mem>>)
      %dma_wait3A_196 = arith.constant 0 : i32
      %dma_wait3A_197 = arith.constant 0 : i32
      %dma_wait3A_198 = tpu.memref_slice %arg12[%run_scoped3A_16, %dma_wait3A_196, %dma_wait3A_197] : memref<2x64x128xf32, #tpu.memory_space<vmem>> -> memref<1x64x128xf32, #tpu.memory_space<vmem>>
      %dma_wait3A_199 = tpu.memref_squeeze %dma_wait3A_198 : memref<1x64x128xf32, #tpu.memory_space<vmem>> -> memref<64x128xf32, #tpu.memory_space<vmem>>
      %dma_wait3A_200 = arith.constant 0 : i32
      %dma_wait3A_201 = tpu.memref_slice %arg13[%add3A_15, %dma_wait3A_200] : memref<10112x128xf32, #tpu.memory_space<vmem_shared>> -> memref<64x128xf32, #tpu.memory_space<vmem_shared>>
      %dma_wait3A_202 = arith.constant 0 : i32
      %dma_wait3A_203 = tpu.memref_slice %arg13[%add3A_15, %dma_wait3A_202] : memref<10112x128xf32, #tpu.memory_space<vmem_shared>> -> memref<64x128xf32, #tpu.memory_space<vmem_shared>>
      %dma_wait3A_204 = arith.constant 0 : i32
      %dma_wait3A_205 = arith.constant 0 : i32
      %dma_wait3A_206 = tpu.memref_slice %arg12[%run_scoped3A_16, %dma_wait3A_204, %dma_wait3A_205] : memref<2x64x128xf32, #tpu.memory_space<vmem>> -> memref<1x64x128xf32, #tpu.memory_space<vmem>>
      %dma_wait3A_207 = tpu.memref_squeeze %dma_wait3A_206 : memref<1x64x128xf32, #tpu.memory_space<vmem>> -> memref<64x128xf32, #tpu.memory_space<vmem>>
      tpu.wait_dma2 semaphore(%run_scoped3A_183 : memref<!tpu.dma_semaphore, #tpu.memory_space<semaphore_mem>>) src(%dma_wait3A_207 : memref<64x128xf32, #tpu.memory_space<vmem>>) dst(%dma_wait3A_203 : memref<64x128xf32, #tpu.memory_space<vmem_shared>>)
      tpu.yield
    }) : () -> ()
    %mul3A_17 = arith.constant 632 : i32
    %mul3A_18 = arith.muli %arg1, %mul3A_17 : i32
    %add3A_19 = arith.constant 128 : i32
    %add3A_20 = arith.addi %mul3A_18, %add3A_19 : i32
    %run_scoped3A_21 = arith.constant 0 : i32
    "tpu.region"() ({
      %run_scoped3A_183 = tpu.sem_alloc : memref<!tpu.dma_semaphore, #tpu.memory_space<semaphore_mem>>
      %dma_start3A_184 = arith.constant 0 : i32
      %dma_start3A_185 = arith.constant 0 : i32
      %dma_start3A_186 = tpu.memref_slice %arg12[%run_scoped3A_21, %dma_start3A_184, %dma_start3A_185] : memref<2x64x128xf32, #tpu.memory_space<vmem>> -> memref<1x64x128xf32, #tpu.memory_space<vmem>>
      %dma_start3A_187 = tpu.memref_squeeze %dma_start3A_186 : memref<1x64x128xf32, #tpu.memory_space<vmem>> -> memref<64x128xf32, #tpu.memory_space<vmem>>
      %dma_start3A_188 = arith.constant 0 : i32
      %dma_start3A_189 = tpu.memref_slice %arg13[%add3A_20, %dma_start3A_188] : memref<10112x128xf32, #tpu.memory_space<vmem_shared>> -> memref<64x128xf32, #tpu.memory_space<vmem_shared>>
      %dma_start3A_190 = arith.constant 0 : i32
      %dma_start3A_191 = tpu.memref_slice %arg13[%add3A_20, %dma_start3A_190] : memref<10112x128xf32, #tpu.memory_space<vmem_shared>> -> memref<64x128xf32, #tpu.memory_space<vmem_shared>>
      %dma_start3A_192 = arith.constant 0 : i32
      %dma_start3A_193 = arith.constant 0 : i32
      %dma_start3A_194 = tpu.memref_slice %arg12[%run_scoped3A_21, %dma_start3A_192, %dma_start3A_193] : memref<2x64x128xf32, #tpu.memory_space<vmem>> -> memref<1x64x128xf32, #tpu.memory_space<vmem>>
      %dma_start3A_195 = tpu.memref_squeeze %dma_start3A_194 : memref<1x64x128xf32, #tpu.memory_space<vmem>> -> memref<64x128xf32, #tpu.memory_space<vmem>>
      tpu.enqueue_dma source(%dma_start3A_195 : memref<64x128xf32, #tpu.memory_space<vmem>>) target(%dma_start3A_191 : memref<64x128xf32, #tpu.memory_space<vmem_shared>>) target_semaphore(%run_scoped3A_183 : memref<!tpu.dma_semaphore, #tpu.memory_space<semaphore_mem>>)
      %dma_wait3A_196 = arith.constant 0 : i32
      %dma_wait3A_197 = arith.constant 0 : i32
      %dma_wait3A_198 = tpu.memref_slice %arg12[%run_scoped3A_21, %dma_wait3A_196, %dma_wait3A_197] : memref<2x64x128xf32, #tpu.memory_space<vmem>> -> memref<1x64x128xf32, #tpu.memory_space<vmem>>
      %dma_wait3A_199 = tpu.memref_squeeze %dma_wait3A_198 : memref<1x64x128xf32, #tpu.memory_space<vmem>> -> memref<64x128xf32, #tpu.memory_space<vmem>>
      %dma_wait3A_200 = arith.constant 0 : i32
      %dma_wait3A_201 = tpu.memref_slice %arg13[%add3A_20, %dma_wait3A_200] : memref<10112x128xf32, #tpu.memory_space<vmem_shared>> -> memref<64x128xf32, #tpu.memory_space<vmem_shared>>
      %dma_wait3A_202 = arith.constant 0 : i32
      %dma_wait3A_203 = tpu.memref_slice %arg13[%add3A_20, %dma_wait3A_202] : memref<10112x128xf32, #tpu.memory_space<vmem_shared>> -> memref<64x128xf32, #tpu.memory_space<vmem_shared>>
      %dma_wait3A_204 = arith.constant 0 : i32
      %dma_wait3A_205 = arith.constant 0 : i32
      %dma_wait3A_206 = tpu.memref_slice %arg12[%run_scoped3A_21, %dma_wait3A_204, %dma_wait3A_205] : memref<2x64x128xf32, #tpu.memory_space<vmem>> -> memref<1x64x128xf32, #tpu.memory_space<vmem>>
      %dma_wait3A_207 = tpu.memref_squeeze %dma_wait3A_206 : memref<1x64x128xf32, #tpu.memory_space<vmem>> -> memref<64x128xf32, #tpu.memory_space<vmem>>
      tpu.wait_dma2 semaphore(%run_scoped3A_183 : memref<!tpu.dma_semaphore, #tpu.memory_space<semaphore_mem>>) src(%dma_wait3A_207 : memref<64x128xf32, #tpu.memory_space<vmem>>) dst(%dma_wait3A_203 : memref<64x128xf32, #tpu.memory_space<vmem_shared>>)
      tpu.yield
    }) : () -> ()
    %mul3A_22 = arith.constant 632 : i32
    %mul3A_23 = arith.muli %arg1, %mul3A_22 : i32
    %add3A_24 = arith.constant 192 : i32
    %add3A_25 = arith.addi %mul3A_23, %add3A_24 : i32
    %run_scoped3A_26 = arith.constant 0 : i32
    "tpu.region"() ({
      %run_scoped3A_183 = tpu.sem_alloc : memref<!tpu.dma_semaphore, #tpu.memory_space<semaphore_mem>>
      %dma_start3A_184 = arith.constant 0 : i32
      %dma_start3A_185 = arith.constant 0 : i32
      %dma_start3A_186 = tpu.memref_slice %arg12[%run_scoped3A_26, %dma_start3A_184, %dma_start3A_185] : memref<2x64x128xf32, #tpu.memory_space<vmem>> -> memref<1x64x128xf32, #tpu.memory_space<vmem>>
      %dma_start3A_187 = tpu.memref_squeeze %dma_start3A_186 : memref<1x64x128xf32, #tpu.memory_space<vmem>> -> memref<64x128xf32, #tpu.memory_space<vmem>>
      %dma_start3A_188 = arith.constant 0 : i32
      %dma_start3A_189 = tpu.memref_slice %arg13[%add3A_25, %dma_start3A_188] : memref<10112x128xf32, #tpu.memory_space<vmem_shared>> -> memref<64x128xf32, #tpu.memory_space<vmem_shared>>
      %dma_start3A_190 = arith.constant 0 : i32
      %dma_start3A_191 = tpu.memref_slice %arg13[%add3A_25, %dma_start3A_190] : memref<10112x128xf32, #tpu.memory_space<vmem_shared>> -> memref<64x128xf32, #tpu.memory_space<vmem_shared>>
      %dma_start3A_192 = arith.constant 0 : i32
      %dma_start3A_193 = arith.constant 0 : i32
      %dma_start3A_194 = tpu.memref_slice %arg12[%run_scoped3A_26, %dma_start3A_192, %dma_start3A_193] : memref<2x64x128xf32, #tpu.memory_space<vmem>> -> memref<1x64x128xf32, #tpu.memory_space<vmem>>
      %dma_start3A_195 = tpu.memref_squeeze %dma_start3A_194 : memref<1x64x128xf32, #tpu.memory_space<vmem>> -> memref<64x128xf32, #tpu.memory_space<vmem>>
      tpu.enqueue_dma source(%dma_start3A_195 : memref<64x128xf32, #tpu.memory_space<vmem>>) target(%dma_start3A_191 : memref<64x128xf32, #tpu.memory_space<vmem_shared>>) target_semaphore(%run_scoped3A_183 : memref<!tpu.dma_semaphore, #tpu.memory_space<semaphore_mem>>)
      %dma_wait3A_196 = arith.constant 0 : i32
      %dma_wait3A_197 = arith.constant 0 : i32
      %dma_wait3A_198 = tpu.memref_slice %arg12[%run_scoped3A_26, %dma_wait3A_196, %dma_wait3A_197] : memref<2x64x128xf32, #tpu.memory_space<vmem>> -> memref<1x64x128xf32, #tpu.memory_space<vmem>>
      %dma_wait3A_199 = tpu.memref_squeeze %dma_wait3A_198 : memref<1x64x128xf32, #tpu.memory_space<vmem>> -> memref<64x128xf32, #tpu.memory_space<vmem>>
      %dma_wait3A_200 = arith.constant 0 : i32
      %dma_wait3A_201 = tpu.memref_slice %arg13[%add3A_25, %dma_wait3A_200] : memref<10112x128xf32, #tpu.memory_space<vmem_shared>> -> memref<64x128xf32, #tpu.memory_space<vmem_shared>>
      %dma_wait3A_202 = arith.constant 0 : i32
      %dma_wait3A_203 = tpu.memref_slice %arg13[%add3A_25, %dma_wait3A_202] : memref<10112x128xf32, #tpu.memory_space<vmem_shared>> -> memref<64x128xf32, #tpu.memory_space<vmem_shared>>
      %dma_wait3A_204 = arith.constant 0 : i32
      %dma_wait3A_205 = arith.constant 0 : i32
      %dma_wait3A_206 = tpu.memref_slice %arg12[%run_scoped3A_26, %dma_wait3A_204, %dma_wait3A_205] : memref<2x64x128xf32, #tpu.memory_space<vmem>> -> memref<1x64x128xf32, #tpu.memory_space<vmem>>
      %dma_wait3A_207 = tpu.memref_squeeze %dma_wait3A_206 : memref<1x64x128xf32, #tpu.memory_space<vmem>> -> memref<64x128xf32, #tpu.memory_space<vmem>>
      tpu.wait_dma2 semaphore(%run_scoped3A_183 : memref<!tpu.dma_semaphore, #tpu.memory_space<semaphore_mem>>) src(%dma_wait3A_207 : memref<64x128xf32, #tpu.memory_space<vmem>>) dst(%dma_wait3A_203 : memref<64x128xf32, #tpu.memory_space<vmem_shared>>)
      tpu.yield
    }) : () -> ()
    %mul3A_27 = arith.constant 632 : i32
    %mul3A_28 = arith.muli %arg1, %mul3A_27 : i32
    %add3A_29 = arith.constant 256 : i32
    %add3A_30 = arith.addi %mul3A_28, %add3A_29 : i32
    %run_scoped3A_31 = arith.constant 0 : i32
    "tpu.region"() ({
      %run_scoped3A_183 = tpu.sem_alloc : memref<!tpu.dma_semaphore, #tpu.memory_space<semaphore_mem>>
      %dma_start3A_184 = arith.constant 0 : i32
      %dma_start3A_185 = arith.constant 0 : i32
      %dma_start3A_186 = tpu.memref_slice %arg12[%run_scoped3A_31, %dma_start3A_184, %dma_start3A_185] : memref<2x64x128xf32, #tpu.memory_space<vmem>> -> memref<1x64x128xf32, #tpu.memory_space<vmem>>
      %dma_start3A_187 = tpu.memref_squeeze %dma_start3A_186 : memref<1x64x128xf32, #tpu.memory_space<vmem>> -> memref<64x128xf32, #tpu.memory_space<vmem>>
      %dma_start3A_188 = arith.constant 0 : i32
      %dma_start3A_189 = tpu.memref_slice %arg13[%add3A_30, %dma_start3A_188] : memref<10112x128xf32, #tpu.memory_space<vmem_shared>> -> memref<64x128xf32, #tpu.memory_space<vmem_shared>>
      %dma_start3A_190 = arith.constant 0 : i32
      %dma_start3A_191 = tpu.memref_slice %arg13[%add3A_30, %dma_start3A_190] : memref<10112x128xf32, #tpu.memory_space<vmem_shared>> -> memref<64x128xf32, #tpu.memory_space<vmem_shared>>
      %dma_start3A_192 = arith.constant 0 : i32
      %dma_start3A_193 = arith.constant 0 : i32
      %dma_start3A_194 = tpu.memref_slice %arg12[%run_scoped3A_31, %dma_start3A_192, %dma_start3A_193] : memref<2x64x128xf32, #tpu.memory_space<vmem>> -> memref<1x64x128xf32, #tpu.memory_space<vmem>>
      %dma_start3A_195 = tpu.memref_squeeze %dma_start3A_194 : memref<1x64x128xf32, #tpu.memory_space<vmem>> -> memref<64x128xf32, #tpu.memory_space<vmem>>
      tpu.enqueue_dma source(%dma_start3A_195 : memref<64x128xf32, #tpu.memory_space<vmem>>) target(%dma_start3A_191 : memref<64x128xf32, #tpu.memory_space<vmem_shared>>) target_semaphore(%run_scoped3A_183 : memref<!tpu.dma_semaphore, #tpu.memory_space<semaphore_mem>>)
      %dma_wait3A_196 = arith.constant 0 : i32
      %dma_wait3A_197 = arith.constant 0 : i32
      %dma_wait3A_198 = tpu.memref_slice %arg12[%run_scoped3A_31, %dma_wait3A_196, %dma_wait3A_197] : memref<2x64x128xf32, #tpu.memory_space<vmem>> -> memref<1x64x128xf32, #tpu.memory_space<vmem>>
      %dma_wait3A_199 = tpu.memref_squeeze %dma_wait3A_198 : memref<1x64x128xf32, #tpu.memory_space<vmem>> -> memref<64x128xf32, #tpu.memory_space<vmem>>
      %dma_wait3A_200 = arith.constant 0 : i32
      %dma_wait3A_201 = tpu.memref_slice %arg13[%add3A_30, %dma_wait3A_200] : memref<10112x128xf32, #tpu.memory_space<vmem_shared>> -> memref<64x128xf32, #tpu.memory_space<vmem_shared>>
      %dma_wait3A_202 = arith.constant 0 : i32
      %dma_wait3A_203 = tpu.memref_slice %arg13[%add3A_30, %dma_wait3A_202] : memref<10112x128xf32, #tpu.memory_space<vmem_shared>> -> memref<64x128xf32, #tpu.memory_space<vmem_shared>>
      %dma_wait3A_204 = arith.constant 0 : i32
      %dma_wait3A_205 = arith.constant 0 : i32
      %dma_wait3A_206 = tpu.memref_slice %arg12[%run_scoped3A_31, %dma_wait3A_204, %dma_wait3A_205] : memref<2x64x128xf32, #tpu.memory_space<vmem>> -> memref<1x64x128xf32, #tpu.memory_space<vmem>>
      %dma_wait3A_207 = tpu.memref_squeeze %dma_wait3A_206 : memref<1x64x128xf32, #tpu.memory_space<vmem>> -> memref<64x128xf32, #tpu.memory_space<vmem>>
      tpu.wait_dma2 semaphore(%run_scoped3A_183 : memref<!tpu.dma_semaphore, #tpu.memory_space<semaphore_mem>>) src(%dma_wait3A_207 : memref<64x128xf32, #tpu.memory_space<vmem>>) dst(%dma_wait3A_203 : memref<64x128xf32, #tpu.memory_space<vmem_shared>>)
      tpu.yield
    }) : () -> ()
    %mul3A_32 = arith.constant 632 : i32
    %mul3A_33 = arith.muli %arg1, %mul3A_32 : i32
    %add3A_34 = arith.constant 320 : i32
    %add3A_35 = arith.addi %mul3A_33, %add3A_34 : i32
    %run_scoped3A_36 = arith.constant 0 : i32
    "tpu.region"() ({
      %run_scoped3A_183 = tpu.sem_alloc : memref<!tpu.dma_semaphore, #tpu.memory_space<semaphore_mem>>
      %dma_start3A_184 = arith.constant 0 : i32
      %dma_start3A_185 = arith.constant 0 : i32
      %dma_start3A_186 = tpu.memref_slice %arg12[%run_scoped3A_36, %dma_start3A_184, %dma_start3A_185] : memref<2x64x128xf32, #tpu.memory_space<vmem>> -> memref<1x64x128xf32, #tpu.memory_space<vmem>>
      %dma_start3A_187 = tpu.memref_squeeze %dma_start3A_186 : memref<1x64x128xf32, #tpu.memory_space<vmem>> -> memref<64x128xf32, #tpu.memory_space<vmem>>
      %dma_start3A_188 = arith.constant 0 : i32
      %dma_start3A_189 = tpu.memref_slice %arg13[%add3A_35, %dma_start3A_188] : memref<10112x128xf32, #tpu.memory_space<vmem_shared>> -> memref<64x128xf32, #tpu.memory_space<vmem_shared>>
      %dma_start3A_190 = arith.constant 0 : i32
      %dma_start3A_191 = tpu.memref_slice %arg13[%add3A_35, %dma_start3A_190] : memref<10112x128xf32, #tpu.memory_space<vmem_shared>> -> memref<64x128xf32, #tpu.memory_space<vmem_shared>>
      %dma_start3A_192 = arith.constant 0 : i32
      %dma_start3A_193 = arith.constant 0 : i32
      %dma_start3A_194 = tpu.memref_slice %arg12[%run_scoped3A_36, %dma_start3A_192, %dma_start3A_193] : memref<2x64x128xf32, #tpu.memory_space<vmem>> -> memref<1x64x128xf32, #tpu.memory_space<vmem>>
      %dma_start3A_195 = tpu.memref_squeeze %dma_start3A_194 : memref<1x64x128xf32, #tpu.memory_space<vmem>> -> memref<64x128xf32, #tpu.memory_space<vmem>>
      tpu.enqueue_dma source(%dma_start3A_195 : memref<64x128xf32, #tpu.memory_space<vmem>>) target(%dma_start3A_191 : memref<64x128xf32, #tpu.memory_space<vmem_shared>>) target_semaphore(%run_scoped3A_183 : memref<!tpu.dma_semaphore, #tpu.memory_space<semaphore_mem>>)
      %dma_wait3A_196 = arith.constant 0 : i32
      %dma_wait3A_197 = arith.constant 0 : i32
      %dma_wait3A_198 = tpu.memref_slice %arg12[%run_scoped3A_36, %dma_wait3A_196, %dma_wait3A_197] : memref<2x64x128xf32, #tpu.memory_space<vmem>> -> memref<1x64x128xf32, #tpu.memory_space<vmem>>
      %dma_wait3A_199 = tpu.memref_squeeze %dma_wait3A_198 : memref<1x64x128xf32, #tpu.memory_space<vmem>> -> memref<64x128xf32, #tpu.memory_space<vmem>>
      %dma_wait3A_200 = arith.constant 0 : i32
      %dma_wait3A_201 = tpu.memref_slice %arg13[%add3A_35, %dma_wait3A_200] : memref<10112x128xf32, #tpu.memory_space<vmem_shared>> -> memref<64x128xf32, #tpu.memory_space<vmem_shared>>
      %dma_wait3A_202 = arith.constant 0 : i32
      %dma_wait3A_203 = tpu.memref_slice %arg13[%add3A_35, %dma_wait3A_202] : memref<10112x128xf32, #tpu.memory_space<vmem_shared>> -> memref<64x128xf32, #tpu.memory_space<vmem_shared>>
      %dma_wait3A_204 = arith.constant 0 : i32
      %dma_wait3A_205 = arith.constant 0 : i32
      %dma_wait3A_206 = tpu.memref_slice %arg12[%run_scoped3A_36, %dma_wait3A_204, %dma_wait3A_205] : memref<2x64x128xf32, #tpu.memory_space<vmem>> -> memref<1x64x128xf32, #tpu.memory_space<vmem>>
      %dma_wait3A_207 = tpu.memref_squeeze %dma_wait3A_206 : memref<1x64x128xf32, #tpu.memory_space<vmem>> -> memref<64x128xf32, #tpu.memory_space<vmem>>
      tpu.wait_dma2 semaphore(%run_scoped3A_183 : memref<!tpu.dma_semaphore, #tpu.memory_space<semaphore_mem>>) src(%dma_wait3A_207 : memref<64x128xf32, #tpu.memory_space<vmem>>) dst(%dma_wait3A_203 : memref<64x128xf32, #tpu.memory_space<vmem_shared>>)
      tpu.yield
    }) : () -> ()
    %mul3A_37 = arith.constant 632 : i32
    %mul3A_38 = arith.muli %arg1, %mul3A_37 : i32
    %add3A_39 = arith.constant 384 : i32
    %add3A_40 = arith.addi %mul3A_38, %add3A_39 : i32
    %run_scoped3A_41 = arith.constant 0 : i32
    "tpu.region"() ({
      %run_scoped3A_183 = tpu.sem_alloc : memref<!tpu.dma_semaphore, #tpu.memory_space<semaphore_mem>>
      %dma_start3A_184 = arith.constant 0 : i32
      %dma_start3A_185 = arith.constant 0 : i32
      %dma_start3A_186 = tpu.memref_slice %arg12[%run_scoped3A_41, %dma_start3A_184, %dma_start3A_185] : memref<2x64x128xf32, #tpu.memory_space<vmem>> -> memref<1x64x128xf32, #tpu.memory_space<vmem>>
      %dma_start3A_187 = tpu.memref_squeeze %dma_start3A_186 : memref<1x64x128xf32, #tpu.memory_space<vmem>> -> memref<64x128xf32, #tpu.memory_space<vmem>>
      %dma_start3A_188 = arith.constant 0 : i32
      %dma_start3A_189 = tpu.memref_slice %arg13[%add3A_40, %dma_start3A_188] : memref<10112x128xf32, #tpu.memory_space<vmem_shared>> -> memref<64x128xf32, #tpu.memory_space<vmem_shared>>
      %dma_start3A_190 = arith.constant 0 : i32
      %dma_start3A_191 = tpu.memref_slice %arg13[%add3A_40, %dma_start3A_190] : memref<10112x128xf32, #tpu.memory_space<vmem_shared>> -> memref<64x128xf32, #tpu.memory_space<vmem_shared>>
      %dma_start3A_192 = arith.constant 0 : i32
      %dma_start3A_193 = arith.constant 0 : i32
      %dma_start3A_194 = tpu.memref_slice %arg12[%run_scoped3A_41, %dma_start3A_192, %dma_start3A_193] : memref<2x64x128xf32, #tpu.memory_space<vmem>> -> memref<1x64x128xf32, #tpu.memory_space<vmem>>
      %dma_start3A_195 = tpu.memref_squeeze %dma_start3A_194 : memref<1x64x128xf32, #tpu.memory_space<vmem>> -> memref<64x128xf32, #tpu.memory_space<vmem>>
      tpu.enqueue_dma source(%dma_start3A_195 : memref<64x128xf32, #tpu.memory_space<vmem>>) target(%dma_start3A_191 : memref<64x128xf32, #tpu.memory_space<vmem_shared>>) target_semaphore(%run_scoped3A_183 : memref<!tpu.dma_semaphore, #tpu.memory_space<semaphore_mem>>)
      %dma_wait3A_196 = arith.constant 0 : i32
      %dma_wait3A_197 = arith.constant 0 : i32
      %dma_wait3A_198 = tpu.memref_slice %arg12[%run_scoped3A_41, %dma_wait3A_196, %dma_wait3A_197] : memref<2x64x128xf32, #tpu.memory_space<vmem>> -> memref<1x64x128xf32, #tpu.memory_space<vmem>>
      %dma_wait3A_199 = tpu.memref_squeeze %dma_wait3A_198 : memref<1x64x128xf32, #tpu.memory_space<vmem>> -> memref<64x128xf32, #tpu.memory_space<vmem>>
      %dma_wait3A_200 = arith.constant 0 : i32
      %dma_wait3A_201 = tpu.memref_slice %arg13[%add3A_40, %dma_wait3A_200] : memref<10112x128xf32, #tpu.memory_space<vmem_shared>> -> memref<64x128xf32, #tpu.memory_space<vmem_shared>>
      %dma_wait3A_202 = arith.constant 0 : i32
      %dma_wait3A_203 = tpu.memref_slice %arg13[%add3A_40, %dma_wait3A_202] : memref<10112x128xf32, #tpu.memory_space<vmem_shared>> -> memref<64x128xf32, #tpu.memory_space<vmem_shared>>
      %dma_wait3A_204 = arith.constant 0 : i32
      %dma_wait3A_205 = arith.constant 0 : i32
      %dma_wait3A_206 = tpu.memref_slice %arg12[%run_scoped3A_41, %dma_wait3A_204, %dma_wait3A_205] : memref<2x64x128xf32, #tpu.memory_space<vmem>> -> memref<1x64x128xf32, #tpu.memory_space<vmem>>
      %dma_wait3A_207 = tpu.memref_squeeze %dma_wait3A_206 : memref<1x64x128xf32, #tpu.memory_space<vmem>> -> memref<64x128xf32, #tpu.memory_space<vmem>>
      tpu.wait_dma2 semaphore(%run_scoped3A_183 : memref<!tpu.dma_semaphore, #tpu.memory_space<semaphore_mem>>) src(%dma_wait3A_207 : memref<64x128xf32, #tpu.memory_space<vmem>>) dst(%dma_wait3A_203 : memref<64x128xf32, #tpu.memory_space<vmem_shared>>)
      tpu.yield
    }) : () -> ()
    %mul3A_42 = arith.constant 632 : i32
    %mul3A_43 = arith.muli %arg1, %mul3A_42 : i32
    %add3A_44 = arith.constant 448 : i32
    %add3A_45 = arith.addi %mul3A_43, %add3A_44 : i32
    %run_scoped3A_46 = arith.constant 0 : i32
    "tpu.region"() ({
      %run_scoped3A_183 = tpu.sem_alloc : memref<!tpu.dma_semaphore, #tpu.memory_space<semaphore_mem>>
      %dma_start3A_184 = arith.constant 0 : i32
      %dma_start3A_185 = arith.constant 0 : i32
      %dma_start3A_186 = tpu.memref_slice %arg12[%run_scoped3A_46, %dma_start3A_184, %dma_start3A_185] : memref<2x64x128xf32, #tpu.memory_space<vmem>> -> memref<1x64x128xf32, #tpu.memory_space<vmem>>
      %dma_start3A_187 = tpu.memref_squeeze %dma_start3A_186 : memref<1x64x128xf32, #tpu.memory_space<vmem>> -> memref<64x128xf32, #tpu.memory_space<vmem>>
      %dma_start3A_188 = arith.constant 0 : i32
      %dma_start3A_189 = tpu.memref_slice %arg13[%add3A_45, %dma_start3A_188] : memref<10112x128xf32, #tpu.memory_space<vmem_shared>> -> memref<64x128xf32, #tpu.memory_space<vmem_shared>>
      %dma_start3A_190 = arith.constant 0 : i32
      %dma_start3A_191 = tpu.memref_slice %arg13[%add3A_45, %dma_start3A_190] : memref<10112x128xf32, #tpu.memory_space<vmem_shared>> -> memref<64x128xf32, #tpu.memory_space<vmem_shared>>
      %dma_start3A_192 = arith.constant 0 : i32
      %dma_start3A_193 = arith.constant 0 : i32
      %dma_start3A_194 = tpu.memref_slice %arg12[%run_scoped3A_46, %dma_start3A_192, %dma_start3A_193] : memref<2x64x128xf32, #tpu.memory_space<vmem>> -> memref<1x64x128xf32, #tpu.memory_space<vmem>>
      %dma_start3A_195 = tpu.memref_squeeze %dma_start3A_194 : memref<1x64x128xf32, #tpu.memory_space<vmem>> -> memref<64x128xf32, #tpu.memory_space<vmem>>
      tpu.enqueue_dma source(%dma_start3A_195 : memref<64x128xf32, #tpu.memory_space<vmem>>) target(%dma_start3A_191 : memref<64x128xf32, #tpu.memory_space<vmem_shared>>) target_semaphore(%run_scoped3A_183 : memref<!tpu.dma_semaphore, #tpu.memory_space<semaphore_mem>>)
      %dma_wait3A_196 = arith.constant 0 : i32
      %dma_wait3A_197 = arith.constant 0 : i32
      %dma_wait3A_198 = tpu.memref_slice %arg12[%run_scoped3A_46, %dma_wait3A_196, %dma_wait3A_197] : memref<2x64x128xf32, #tpu.memory_space<vmem>> -> memref<1x64x128xf32, #tpu.memory_space<vmem>>
      %dma_wait3A_199 = tpu.memref_squeeze %dma_wait3A_198 : memref<1x64x128xf32, #tpu.memory_space<vmem>> -> memref<64x128xf32, #tpu.memory_space<vmem>>
      %dma_wait3A_200 = arith.constant 0 : i32
      %dma_wait3A_201 = tpu.memref_slice %arg13[%add3A_45, %dma_wait3A_200] : memref<10112x128xf32, #tpu.memory_space<vmem_shared>> -> memref<64x128xf32, #tpu.memory_space<vmem_shared>>
      %dma_wait3A_202 = arith.constant 0 : i32
      %dma_wait3A_203 = tpu.memref_slice %arg13[%add3A_45, %dma_wait3A_202] : memref<10112x128xf32, #tpu.memory_space<vmem_shared>> -> memref<64x128xf32, #tpu.memory_space<vmem_shared>>
      %dma_wait3A_204 = arith.constant 0 : i32
      %dma_wait3A_205 = arith.constant 0 : i32
      %dma_wait3A_206 = tpu.memref_slice %arg12[%run_scoped3A_46, %dma_wait3A_204, %dma_wait3A_205] : memref<2x64x128xf32, #tpu.memory_space<vmem>> -> memref<1x64x128xf32, #tpu.memory_space<vmem>>
      %dma_wait3A_207 = tpu.memref_squeeze %dma_wait3A_206 : memref<1x64x128xf32, #tpu.memory_space<vmem>> -> memref<64x128xf32, #tpu.memory_space<vmem>>
      tpu.wait_dma2 semaphore(%run_scoped3A_183 : memref<!tpu.dma_semaphore, #tpu.memory_space<semaphore_mem>>) src(%dma_wait3A_207 : memref<64x128xf32, #tpu.memory_space<vmem>>) dst(%dma_wait3A_203 : memref<64x128xf32, #tpu.memory_space<vmem_shared>>)
      tpu.yield
    }) : () -> ()
    %mul3A_47 = arith.constant 632 : i32
    %mul3A_48 = arith.muli %arg1, %mul3A_47 : i32
    %add3A_49 = arith.constant 512 : i32
    %add3A_50 = arith.addi %mul3A_48, %add3A_49 : i32
    %run_scoped3A_51 = arith.constant 0 : i32
    "tpu.region"() ({
      %run_scoped3A_183 = tpu.sem_alloc : memref<!tpu.dma_semaphore, #tpu.memory_space<semaphore_mem>>
      %dma_start3A_184 = arith.constant 0 : i32
      %dma_start3A_185 = arith.constant 0 : i32
      %dma_start3A_186 = tpu.memref_slice %arg12[%run_scoped3A_51, %dma_start3A_184, %dma_start3A_185] : memref<2x64x128xf32, #tpu.memory_space<vmem>> -> memref<1x64x128xf32, #tpu.memory_space<vmem>>
      %dma_start3A_187 = tpu.memref_squeeze %dma_start3A_186 : memref<1x64x128xf32, #tpu.memory_space<vmem>> -> memref<64x128xf32, #tpu.memory_space<vmem>>
      %dma_start3A_188 = arith.constant 0 : i32
      %dma_start3A_189 = tpu.memref_slice %arg13[%add3A_50, %dma_start3A_188] : memref<10112x128xf32, #tpu.memory_space<vmem_shared>> -> memref<64x128xf32, #tpu.memory_space<vmem_shared>>
      %dma_start3A_190 = arith.constant 0 : i32
      %dma_start3A_191 = tpu.memref_slice %arg13[%add3A_50, %dma_start3A_190] : memref<10112x128xf32, #tpu.memory_space<vmem_shared>> -> memref<64x128xf32, #tpu.memory_space<vmem_shared>>
      %dma_start3A_192 = arith.constant 0 : i32
      %dma_start3A_193 = arith.constant 0 : i32
      %dma_start3A_194 = tpu.memref_slice %arg12[%run_scoped3A_51, %dma_start3A_192, %dma_start3A_193] : memref<2x64x128xf32, #tpu.memory_space<vmem>> -> memref<1x64x128xf32, #tpu.memory_space<vmem>>
      %dma_start3A_195 = tpu.memref_squeeze %dma_start3A_194 : memref<1x64x128xf32, #tpu.memory_space<vmem>> -> memref<64x128xf32, #tpu.memory_space<vmem>>
      tpu.enqueue_dma source(%dma_start3A_195 : memref<64x128xf32, #tpu.memory_space<vmem>>) target(%dma_start3A_191 : memref<64x128xf32, #tpu.memory_space<vmem_shared>>) target_semaphore(%run_scoped3A_183 : memref<!tpu.dma_semaphore, #tpu.memory_space<semaphore_mem>>)
      %dma_wait3A_196 = arith.constant 0 : i32
      %dma_wait3A_197 = arith.constant 0 : i32
      %dma_wait3A_198 = tpu.memref_slice %arg12[%run_scoped3A_51, %dma_wait3A_196, %dma_wait3A_197] : memref<2x64x128xf32, #tpu.memory_space<vmem>> -> memref<1x64x128xf32, #tpu.memory_space<vmem>>
      %dma_wait3A_199 = tpu.memref_squeeze %dma_wait3A_198 : memref<1x64x128xf32, #tpu.memory_space<vmem>> -> memref<64x128xf32, #tpu.memory_space<vmem>>
      %dma_wait3A_200 = arith.constant 0 : i32
      %dma_wait3A_201 = tpu.memref_slice %arg13[%add3A_50, %dma_wait3A_200] : memref<10112x128xf32, #tpu.memory_space<vmem_shared>> -> memref<64x128xf32, #tpu.memory_space<vmem_shared>>
      %dma_wait3A_202 = arith.constant 0 : i32
      %dma_wait3A_203 = tpu.memref_slice %arg13[%add3A_50, %dma_wait3A_202] : memref<10112x128xf32, #tpu.memory_space<vmem_shared>> -> memref<64x128xf32, #tpu.memory_space<vmem_shared>>
      %dma_wait3A_204 = arith.constant 0 : i32
      %dma_wait3A_205 = arith.constant 0 : i32
      %dma_wait3A_206 = tpu.memref_slice %arg12[%run_scoped3A_51, %dma_wait3A_204, %dma_wait3A_205] : memref<2x64x128xf32, #tpu.memory_space<vmem>> -> memref<1x64x128xf32, #tpu.memory_space<vmem>>
      %dma_wait3A_207 = tpu.memref_squeeze %dma_wait3A_206 : memref<1x64x128xf32, #tpu.memory_space<vmem>> -> memref<64x128xf32, #tpu.memory_space<vmem>>
      tpu.wait_dma2 semaphore(%run_scoped3A_183 : memref<!tpu.dma_semaphore, #tpu.memory_space<semaphore_mem>>) src(%dma_wait3A_207 : memref<64x128xf32, #tpu.memory_space<vmem>>) dst(%dma_wait3A_203 : memref<64x128xf32, #tpu.memory_space<vmem_shared>>)
      tpu.yield
    }) : () -> ()
    %mul3A_52 = arith.constant 632 : i32
    %mul3A_53 = arith.muli %arg1, %mul3A_52 : i32
    %add3A_54 = arith.constant 576 : i32
    %add3A_55 = arith.addi %mul3A_53, %add3A_54 : i32
    %run_scoped3A_56 = arith.constant 0 : i32
    "tpu.region"() ({
      %run_scoped3A_183 = tpu.sem_alloc : memref<!tpu.dma_semaphore, #tpu.memory_space<semaphore_mem>>
      %dma_start3A_184 = arith.constant 0 : i32
      %dma_start3A_185 = arith.constant 0 : i32
      %dma_start3A_186 = tpu.memref_slice %arg12[%run_scoped3A_56, %dma_start3A_184, %dma_start3A_185] : memref<2x64x128xf32, #tpu.memory_space<vmem>> -> memref<1x64x128xf32, #tpu.memory_space<vmem>>
      %dma_start3A_187 = tpu.memref_squeeze %dma_start3A_186 : memref<1x64x128xf32, #tpu.memory_space<vmem>> -> memref<64x128xf32, #tpu.memory_space<vmem>>
      %dma_start3A_188 = arith.constant 0 : i32
      %dma_start3A_189 = arith.constant 0 : i32
      %dma_start3A_190 = tpu.memref_slice %dma_start3A_187[%dma_start3A_188, %dma_start3A_189] : memref<64x128xf32, #tpu.memory_space<vmem>> -> memref<56x128xf32, #tpu.memory_space<vmem>>
      %dma_start3A_191 = arith.constant 0 : i32
      %dma_start3A_192 = tpu.memref_slice %arg13[%add3A_55, %dma_start3A_191] : memref<10112x128xf32, #tpu.memory_space<vmem_shared>> -> memref<56x128xf32, #tpu.memory_space<vmem_shared>>
      %dma_start3A_193 = arith.constant 0 : i32
      %dma_start3A_194 = tpu.memref_slice %arg13[%add3A_55, %dma_start3A_193] : memref<10112x128xf32, #tpu.memory_space<vmem_shared>> -> memref<56x128xf32, #tpu.memory_space<vmem_shared>>
      %dma_start3A_195 = arith.constant 0 : i32
      %dma_start3A_196 = arith.constant 0 : i32
      %dma_start3A_197 = tpu.memref_slice %arg12[%run_scoped3A_56, %dma_start3A_195, %dma_start3A_196] : memref<2x64x128xf32, #tpu.memory_space<vmem>> -> memref<1x64x128xf32, #tpu.memory_space<vmem>>
      %dma_start3A_198 = tpu.memref_squeeze %dma_start3A_197 : memref<1x64x128xf32, #tpu.memory_space<vmem>> -> memref<64x128xf32, #tpu.memory_space<vmem>>
      %dma_start3A_199 = arith.constant 0 : i32
      %dma_start3A_200 = arith.constant 0 : i32
      %dma_start3A_201 = tpu.memref_slice %dma_start3A_198[%dma_start3A_199, %dma_start3A_200] : memref<64x128xf32, #tpu.memory_space<vmem>> -> memref<56x128xf32, #tpu.memory_space<vmem>>
      tpu.enqueue_dma source(%dma_start3A_201 : memref<56x128xf32, #tpu.memory_space<vmem>>) target(%dma_start3A_194 : memref<56x128xf32, #tpu.memory_space<vmem_shared>>) target_semaphore(%run_scoped3A_183 : memref<!tpu.dma_semaphore, #tpu.memory_space<semaphore_mem>>)
      %dma_wait3A_202 = arith.constant 0 : i32
      %dma_wait3A_203 = arith.constant 0 : i32
      %dma_wait3A_204 = tpu.memref_slice %arg12[%run_scoped3A_56, %dma_wait3A_202, %dma_wait3A_203] : memref<2x64x128xf32, #tpu.memory_space<vmem>> -> memref<1x64x128xf32, #tpu.memory_space<vmem>>
      %dma_wait3A_205 = tpu.memref_squeeze %dma_wait3A_204 : memref<1x64x128xf32, #tpu.memory_space<vmem>> -> memref<64x128xf32, #tpu.memory_space<vmem>>
      %dma_wait3A_206 = arith.constant 0 : i32
      %dma_wait3A_207 = arith.constant 0 : i32
      %dma_wait3A_208 = tpu.memref_slice %dma_wait3A_205[%dma_wait3A_206, %dma_wait3A_207] : memref<64x128xf32, #tpu.memory_space<vmem>> -> memref<56x128xf32, #tpu.memory_space<vmem>>
      %dma_wait3A_209 = arith.constant 0 : i32
      %dma_wait3A_210 = tpu.memref_slice %arg13[%add3A_55, %dma_wait3A_209] : memref<10112x128xf32, #tpu.memory_space<vmem_shared>> -> memref<56x128xf32, #tpu.memory_space<vmem_shared>>
      %dma_wait3A_211 = arith.constant 0 : i32
      %dma_wait3A_212 = tpu.memref_slice %arg13[%add3A_55, %dma_wait3A_211] : memref<10112x128xf32, #tpu.memory_space<vmem_shared>> -> memref<56x128xf32, #tpu.memory_space<vmem_shared>>
      %dma_wait3A_213 = arith.constant 0 : i32
      %dma_wait3A_214 = arith.constant 0 : i32
      %dma_wait3A_215 = tpu.memref_slice %arg12[%run_scoped3A_56, %dma_wait3A_213, %dma_wait3A_214] : memref<2x64x128xf32, #tpu.memory_space<vmem>> -> memref<1x64x128xf32, #tpu.memory_space<vmem>>
      %dma_wait3A_216 = tpu.memref_squeeze %dma_wait3A_215 : memref<1x64x128xf32, #tpu.memory_space<vmem>> -> memref<64x128xf32, #tpu.memory_space<vmem>>
      %dma_wait3A_217 = arith.constant 0 : i32
      %dma_wait3A_218 = arith.constant 0 : i32
      %dma_wait3A_219 = tpu.memref_slice %dma_wait3A_216[%dma_wait3A_217, %dma_wait3A_218] : memref<64x128xf32, #tpu.memory_space<vmem>> -> memref<56x128xf32, #tpu.memory_space<vmem>>
      tpu.wait_dma2 semaphore(%run_scoped3A_183 : memref<!tpu.dma_semaphore, #tpu.memory_space<semaphore_mem>>) src(%dma_wait3A_219 : memref<56x128xf32, #tpu.memory_space<vmem>>) dst(%dma_wait3A_212 : memref<56x128xf32, #tpu.memory_space<vmem_shared>>)
      tpu.yield
    }) : () -> ()
    %barrier3A = arith.constant 0 : index
    tpu.barrier barrier_id(%barrier3A)
    %add3A_57 = arith.constant 0 : i32
    %add3A_58 = arith.addi %mul3A_0, %add3A_57 : i32
    %dma_start3A = arith.constant 0 : i32
    %dma_start3A_59 = arith.constant 0 : i32
    %dma_start3A_60 = tpu.memref_slice %arg7[%dma_start3A, %dma_start3A_59] : memref<2x64xi32, #tpu.memory_space<vmem>> -> memref<1x64xi32, #tpu.memory_space<vmem>>
    %dma_start3A_61 = tpu.memref_squeeze %dma_start3A_60 : memref<1x64xi32, #tpu.memory_space<vmem>> -> memref<64xi32, #tpu.memory_space<vmem>>
    %dma_start3A_62 = tpu.memref_slice %arg4[%add3A_58] : memref<321536xi32, #tpu.memory_space<hbm>> -> memref<64xi32, #tpu.memory_space<hbm>>
    %dma_start3A_63 = arith.constant 0 : i32
    %dma_start3A_64 = tpu.memref_slice %arg7[%dma_start3A, %dma_start3A_63] : memref<2x64xi32, #tpu.memory_space<vmem>> -> memref<1x64xi32, #tpu.memory_space<vmem>>
    %dma_start3A_65 = tpu.memref_squeeze %dma_start3A_64 : memref<1x64xi32, #tpu.memory_space<vmem>> -> memref<64xi32, #tpu.memory_space<vmem>>
    %dma_start3A_66 = tpu.memref_slice %arg4[%add3A_58] : memref<321536xi32, #tpu.memory_space<hbm>> -> memref<64xi32, #tpu.memory_space<hbm>>
    tpu.enqueue_dma source(%dma_start3A_66 : memref<64xi32, #tpu.memory_space<hbm>>) target(%dma_start3A_65 : memref<64xi32, #tpu.memory_space<vmem>>) target_semaphore(%arg20 : memref<!tpu.dma_semaphore, #tpu.memory_space<semaphore_mem>>)
    %dma_start3A_67 = arith.constant 0 : i32
    %dma_start3A_68 = arith.constant 0 : i32
    %dma_start3A_69 = tpu.memref_slice %arg8[%dma_start3A_67, %dma_start3A_68] : memref<2x64xi32, #tpu.memory_space<vmem>> -> memref<1x64xi32, #tpu.memory_space<vmem>>
    %dma_start3A_70 = tpu.memref_squeeze %dma_start3A_69 : memref<1x64xi32, #tpu.memory_space<vmem>> -> memref<64xi32, #tpu.memory_space<vmem>>
    %dma_start3A_71 = tpu.memref_slice %arg5[%add3A_58] : memref<321536xi32, #tpu.memory_space<hbm>> -> memref<64xi32, #tpu.memory_space<hbm>>
    %dma_start3A_72 = arith.constant 0 : i32
    %dma_start3A_73 = tpu.memref_slice %arg8[%dma_start3A_67, %dma_start3A_72] : memref<2x64xi32, #tpu.memory_space<vmem>> -> memref<1x64xi32, #tpu.memory_space<vmem>>
    %dma_start3A_74 = tpu.memref_squeeze %dma_start3A_73 : memref<1x64xi32, #tpu.memory_space<vmem>> -> memref<64xi32, #tpu.memory_space<vmem>>
    %dma_start3A_75 = tpu.memref_slice %arg5[%add3A_58] : memref<321536xi32, #tpu.memory_space<hbm>> -> memref<64xi32, #tpu.memory_space<hbm>>
    tpu.enqueue_dma source(%dma_start3A_75 : memref<64xi32, #tpu.memory_space<hbm>>) target(%dma_start3A_74 : memref<64xi32, #tpu.memory_space<vmem>>) target_semaphore(%arg20 : memref<!tpu.dma_semaphore, #tpu.memory_space<semaphore_mem>>)
    %add3A_76 = arith.constant 0 : i32
    %add3A_77 = arith.addi %mul3A_0, %add3A_76 : i32
    %dma_wait3A = arith.constant 0 : i32
    %dma_wait3A_78 = arith.constant 0 : i32
    %dma_wait3A_79 = tpu.memref_slice %arg7[%dma_wait3A, %dma_wait3A_78] : memref<2x64xi32, #tpu.memory_space<vmem>> -> memref<1x64xi32, #tpu.memory_space<vmem>>
    %dma_wait3A_80 = tpu.memref_squeeze %dma_wait3A_79 : memref<1x64xi32, #tpu.memory_space<vmem>> -> memref<64xi32, #tpu.memory_space<vmem>>
    %dma_wait3A_81 = tpu.memref_slice %arg4[%add3A_77] : memref<321536xi32, #tpu.memory_space<hbm>> -> memref<64xi32, #tpu.memory_space<hbm>>
    %dma_wait3A_82 = arith.constant 0 : i32
    %dma_wait3A_83 = tpu.memref_slice %arg7[%dma_wait3A, %dma_wait3A_82] : memref<2x64xi32, #tpu.memory_space<vmem>> -> memref<1x64xi32, #tpu.memory_space<vmem>>
    %dma_wait3A_84 = tpu.memref_squeeze %dma_wait3A_83 : memref<1x64xi32, #tpu.memory_space<vmem>> -> memref<64xi32, #tpu.memory_space<vmem>>
    %dma_wait3A_85 = tpu.memref_slice %arg4[%add3A_77] : memref<321536xi32, #tpu.memory_space<hbm>> -> memref<64xi32, #tpu.memory_space<hbm>>
    tpu.wait_dma2 semaphore(%arg20 : memref<!tpu.dma_semaphore, #tpu.memory_space<semaphore_mem>>) src(%dma_wait3A_85 : memref<64xi32, #tpu.memory_space<hbm>>) dst(%dma_wait3A_84 : memref<64xi32, #tpu.memory_space<vmem>>)
    %dma_wait3A_86 = arith.constant 0 : i32
    %dma_wait3A_87 = arith.constant 0 : i32
    %dma_wait3A_88 = tpu.memref_slice %arg8[%dma_wait3A_86, %dma_wait3A_87] : memref<2x64xi32, #tpu.memory_space<vmem>> -> memref<1x64xi32, #tpu.memory_space<vmem>>
    %dma_wait3A_89 = tpu.memref_squeeze %dma_wait3A_88 : memref<1x64xi32, #tpu.memory_space<vmem>> -> memref<64xi32, #tpu.memory_space<vmem>>
    %dma_wait3A_90 = tpu.memref_slice %arg5[%add3A_77] : memref<321536xi32, #tpu.memory_space<hbm>> -> memref<64xi32, #tpu.memory_space<hbm>>
    %dma_wait3A_91 = arith.constant 0 : i32
    %dma_wait3A_92 = tpu.memref_slice %arg8[%dma_wait3A_86, %dma_wait3A_91] : memref<2x64xi32, #tpu.memory_space<vmem>> -> memref<1x64xi32, #tpu.memory_space<vmem>>
    %dma_wait3A_93 = tpu.memref_squeeze %dma_wait3A_92 : memref<1x64xi32, #tpu.memory_space<vmem>> -> memref<64xi32, #tpu.memory_space<vmem>>
    %dma_wait3A_94 = tpu.memref_slice %arg5[%add3A_77] : memref<321536xi32, #tpu.memory_space<hbm>> -> memref<64xi32, #tpu.memory_space<hbm>>
    tpu.wait_dma2 semaphore(%arg20 : memref<!tpu.dma_semaphore, #tpu.memory_space<semaphore_mem>>) src(%dma_wait3A_94 : memref<64xi32, #tpu.memory_space<hbm>>) dst(%dma_wait3A_93 : memref<64xi32, #tpu.memory_space<vmem>>)
    %dma_start3A_95 = arith.constant 0 : i32
    %dma_start3A_96 = arith.constant 0 : i32
    %dma_start3A_97 = arith.constant 0 : i32
    %dma_start3A_98 = arith.constant 0 : i32
    %dma_start3A_99 = tpu.memref_slice %arg10[%dma_start3A_96, %dma_start3A_97, %dma_start3A_98] : memref<2x64x128xf32, #tpu.memory_space<vmem>> -> memref<1x64x128xf32, #tpu.memory_space<vmem>>
    %dma_start3A_100 = tpu.memref_squeeze %dma_start3A_99 : memref<1x64x128xf32, #tpu.memory_space<vmem>> -> memref<64x128xf32, #tpu.memory_space<vmem>>
    %dma_start3A_101 = arith.constant 0 : i32
    %dma_start3A_102 = tpu.memref_slice %arg7[%dma_start3A_95, %dma_start3A_101] : memref<2x64xi32, #tpu.memory_space<vmem>> -> memref<1x64xi32, #tpu.memory_space<vmem>>
    %dma_start3A_103 = tpu.memref_squeeze %dma_start3A_102 : memref<1x64xi32, #tpu.memory_space<vmem>> -> memref<64xi32, #tpu.memory_space<vmem>>
    %dma_start3A_104 = arith.constant 0 : i32
    %dma_start3A_105 = arith.constant 0 : i32
    %dma_start3A_106 = tpu.memref_slice %arg2[%dma_start3A_104, %dma_start3A_105] : memref<10000x128xf32, #tpu.memory_space<hbm>> -> memref<10000x128xf32, #tpu.memory_space<hbm>>
    tpu.enqueue_indirect_dma source(%dma_start3A_106 : memref<10000x128xf32, #tpu.memory_space<hbm>>) target(%dma_start3A_100 : memref<64x128xf32, #tpu.memory_space<vmem>>) offsets(%dma_start3A_103 : memref<64xi32, #tpu.memory_space<vmem>>) semaphore(%arg14 : memref<!tpu.dma_semaphore, #tpu.memory_space<semaphore_mem>>)
    %mul3A_107 = arith.constant 321536 : i32
    %mul3A_108 = arith.muli %arg0, %mul3A_107 : i32
    %add3A_109 = arith.addi %mul3A_108, %mul3A_0 : i32
    %add3A_110 = arith.constant 0 : i32
    %add3A_111 = arith.addi %add3A_109, %add3A_110 : i32
    %dma_start3A_112 = arith.constant 0 : i32
    %dma_start3A_113 = arith.constant 0 : i32
    %dma_start3A_114 = arith.constant 0 : i32
    %dma_start3A_115 = tpu.memref_slice %arg11[%dma_start3A_112, %dma_start3A_113, %dma_start3A_114] : memref<2x64x64xf32, #tpu.memory_space<vmem>> -> memref<1x64x64xf32, #tpu.memory_space<vmem>>
    %dma_start3A_116 = tpu.memref_squeeze %dma_start3A_115 : memref<1x64x64xf32, #tpu.memory_space<vmem>> -> memref<64x64xf32, #tpu.memory_space<vmem>>
    %dma_start3A_117 = arith.constant 0 : i32
    %dma_start3A_118 = tpu.memref_slice %arg3[%add3A_111, %dma_start3A_117] : memref<643072x64xf32, #tpu.memory_space<hbm>> -> memref<64x64xf32, #tpu.memory_space<hbm>>
    %dma_start3A_119 = arith.constant 0 : i32
    %dma_start3A_120 = arith.constant 0 : i32
    %dma_start3A_121 = tpu.memref_slice %arg11[%dma_start3A_112, %dma_start3A_119, %dma_start3A_120] : memref<2x64x64xf32, #tpu.memory_space<vmem>> -> memref<1x64x64xf32, #tpu.memory_space<vmem>>
    %dma_start3A_122 = tpu.memref_squeeze %dma_start3A_121 : memref<1x64x64xf32, #tpu.memory_space<vmem>> -> memref<64x64xf32, #tpu.memory_space<vmem>>
    %dma_start3A_123 = arith.constant 0 : i32
    %dma_start3A_124 = tpu.memref_slice %arg3[%add3A_111, %dma_start3A_123] : memref<643072x64xf32, #tpu.memory_space<hbm>> -> memref<64x64xf32, #tpu.memory_space<hbm>>
    tpu.enqueue_dma source(%dma_start3A_124 : memref<64x64xf32, #tpu.memory_space<hbm>>) target(%dma_start3A_122 : memref<64x64xf32, #tpu.memory_space<vmem>>) target_semaphore(%arg16 : memref<!tpu.dma_semaphore, #tpu.memory_space<semaphore_mem>>)
    %add3A_125 = arith.constant 64 : i32
    %add3A_126 = arith.addi %mul3A_0, %add3A_125 : i32
    %dma_start3A_127 = arith.constant 1 : i32
    %dma_start3A_128 = arith.constant 0 : i32
    %dma_start3A_129 = tpu.memref_slice %arg7[%dma_start3A_127, %dma_start3A_128] : memref<2x64xi32, #tpu.memory_space<vmem>> -> memref<1x64xi32, #tpu.memory_space<vmem>>
    %dma_start3A_130 = tpu.memref_squeeze %dma_start3A_129 : memref<1x64xi32, #tpu.memory_space<vmem>> -> memref<64xi32, #tpu.memory_space<vmem>>
    %dma_start3A_131 = tpu.memref_slice %arg4[%add3A_126] : memref<321536xi32, #tpu.memory_space<hbm>> -> memref<64xi32, #tpu.memory_space<hbm>>
    %dma_start3A_132 = arith.constant 0 : i32
    %dma_start3A_133 = tpu.memref_slice %arg7[%dma_start3A_127, %dma_start3A_132] : memref<2x64xi32, #tpu.memory_space<vmem>> -> memref<1x64xi32, #tpu.memory_space<vmem>>
    %dma_start3A_134 = tpu.memref_squeeze %dma_start3A_133 : memref<1x64xi32, #tpu.memory_space<vmem>> -> memref<64xi32, #tpu.memory_space<vmem>>
    %dma_start3A_135 = tpu.memref_slice %arg4[%add3A_126] : memref<321536xi32, #tpu.memory_space<hbm>> -> memref<64xi32, #tpu.memory_space<hbm>>
    tpu.enqueue_dma source(%dma_start3A_135 : memref<64xi32, #tpu.memory_space<hbm>>) target(%dma_start3A_134 : memref<64xi32, #tpu.memory_space<vmem>>) target_semaphore(%arg20 : memref<!tpu.dma_semaphore, #tpu.memory_space<semaphore_mem>>)
    %dma_start3A_136 = arith.constant 1 : i32
    %dma_start3A_137 = arith.constant 0 : i32
    %dma_start3A_138 = tpu.memref_slice %arg8[%dma_start3A_136, %dma_start3A_137] : memref<2x64xi32, #tpu.memory_space<vmem>> -> memref<1x64xi32, #tpu.memory_space<vmem>>
    %dma_start3A_139 = tpu.memref_squeeze %dma_start3A_138 : memref<1x64xi32, #tpu.memory_space<vmem>> -> memref<64xi32, #tpu.memory_space<vmem>>
    %dma_start3A_140 = tpu.memref_slice %arg5[%add3A_126] : memref<321536xi32, #tpu.memory_space<hbm>> -> memref<64xi32, #tpu.memory_space<hbm>>
    %dma_start3A_141 = arith.constant 0 : i32
    %dma_start3A_142 = tpu.memref_slice %arg8[%dma_start3A_136, %dma_start3A_141] : memref<2x64xi32, #tpu.memory_space<vmem>> -> memref<1x64xi32, #tpu.memory_space<vmem>>
    %dma_start3A_143 = tpu.memref_squeeze %dma_start3A_142 : memref<1x64xi32, #tpu.memory_space<vmem>> -> memref<64xi32, #tpu.memory_space<vmem>>
    %dma_start3A_144 = tpu.memref_slice %arg5[%add3A_126] : memref<321536xi32, #tpu.memory_space<hbm>> -> memref<64xi32, #tpu.memory_space<hbm>>
    tpu.enqueue_dma source(%dma_start3A_144 : memref<64xi32, #tpu.memory_space<hbm>>) target(%dma_start3A_143 : memref<64xi32, #tpu.memory_space<vmem>>) target_semaphore(%arg20 : memref<!tpu.dma_semaphore, #tpu.memory_space<semaphore_mem>>)
    %scan3A_145 = arith.constant 0 : i32
    %scan3A_146 = arith.constant 0 : i32
    %scan3A_147 = arith.constant 157 : i32
    %scan3A_148 = arith.addi %scan3A_146, %scan3A_147 : i32
    %scan3A_149 = arith.constant 1 : i32
    scf.for %scan3A_183 = %scan3A_146 to %scan3A_148 step %scan3A_149  : i32 {
      %mul3A_184 = arith.constant 2 : i32
      %mul3A_185 = arith.muli %mul3A_184, %scan3A_183 : i32
      %add3A_186 = arith.constant 0 : i32
      %add3A_187 = arith.addi %mul3A_185, %add3A_186 : i32
      %add3A_188 = arith.constant 1 : i32
      %add3A_189 = arith.addi %add3A_187, %add3A_188 : i32
      %lt3A = arith.constant 314 : i32
      %lt3A_190 = arith.cmpi slt, %add3A_189, %lt3A : i32
      %convert_element_type3A = arith.extui %lt3A_190 : i1 to i32
      %cond3A = arith.constant 0 : i32
      %cond3A_191 = arith.cmpi ne, %convert_element_type3A, %cond3A : i32
      scf.if %cond3A_191 {
        %add3A_403 = arith.constant 1 : i32
        %add3A_404 = arith.addi %add3A_187, %add3A_403 : i32
        %mul3A_405 = arith.constant 64 : i32
        %mul3A_406 = arith.muli %add3A_404, %mul3A_405 : i32
        %add3A_407 = arith.addi %mul3A_0, %mul3A_406 : i32
        %dma_wait3A_408 = arith.constant 1 : i32
        %dma_wait3A_409 = arith.constant 0 : i32
        %dma_wait3A_410 = tpu.memref_slice %arg7[%dma_wait3A_408, %dma_wait3A_409] : memref<2x64xi32, #tpu.memory_space<vmem>> -> memref<1x64xi32, #tpu.memory_space<vmem>>
        %dma_wait3A_411 = tpu.memref_squeeze %dma_wait3A_410 : memref<1x64xi32, #tpu.memory_space<vmem>> -> memref<64xi32, #tpu.memory_space<vmem>>
        %dma_wait3A_412 = tpu.memref_slice %arg4[%add3A_407] : memref<321536xi32, #tpu.memory_space<hbm>> -> memref<64xi32, #tpu.memory_space<hbm>>
        %dma_wait3A_413 = arith.constant 0 : i32
        %dma_wait3A_414 = tpu.memref_slice %arg7[%dma_wait3A_408, %dma_wait3A_413] : memref<2x64xi32, #tpu.memory_space<vmem>> -> memref<1x64xi32, #tpu.memory_space<vmem>>
        %dma_wait3A_415 = tpu.memref_squeeze %dma_wait3A_414 : memref<1x64xi32, #tpu.memory_space<vmem>> -> memref<64xi32, #tpu.memory_space<vmem>>
        %dma_wait3A_416 = tpu.memref_slice %arg4[%add3A_407] : memref<321536xi32, #tpu.memory_space<hbm>> -> memref<64xi32, #tpu.memory_space<hbm>>
        tpu.wait_dma2 semaphore(%arg20 : memref<!tpu.dma_semaphore, #tpu.memory_space<semaphore_mem>>) src(%dma_wait3A_416 : memref<64xi32, #tpu.memory_space<hbm>>) dst(%dma_wait3A_415 : memref<64xi32, #tpu.memory_space<vmem>>)
        %dma_wait3A_417 = arith.constant 1 : i32
        %dma_wait3A_418 = arith.constant 0 : i32
        %dma_wait3A_419 = tpu.memref_slice %arg8[%dma_wait3A_417, %dma_wait3A_418] : memref<2x64xi32, #tpu.memory_space<vmem>> -> memref<1x64xi32, #tpu.memory_space<vmem>>
        %dma_wait3A_420 = tpu.memref_squeeze %dma_wait3A_419 : memref<1x64xi32, #tpu.memory_space<vmem>> -> memref<64xi32, #tpu.memory_space<vmem>>
        %dma_wait3A_421 = tpu.memref_slice %arg5[%add3A_407] : memref<321536xi32, #tpu.memory_space<hbm>> -> memref<64xi32, #tpu.memory_space<hbm>>
        %dma_wait3A_422 = arith.constant 0 : i32
        %dma_wait3A_423 = tpu.memref_slice %arg8[%dma_wait3A_417, %dma_wait3A_422] : memref<2x64xi32, #tpu.memory_space<vmem>> -> memref<1x64xi32, #tpu.memory_space<vmem>>
        %dma_wait3A_424 = tpu.memref_squeeze %dma_wait3A_423 : memref<1x64xi32, #tpu.memory_space<vmem>> -> memref<64xi32, #tpu.memory_space<vmem>>
        %dma_wait3A_425 = tpu.memref_slice %arg5[%add3A_407] : memref<321536xi32, #tpu.memory_space<hbm>> -> memref<64xi32, #tpu.memory_space<hbm>>
        tpu.wait_dma2 semaphore(%arg20 : memref<!tpu.dma_semaphore, #tpu.memory_space<semaphore_mem>>) src(%dma_wait3A_425 : memref<64xi32, #tpu.memory_space<hbm>>) dst(%dma_wait3A_424 : memref<64xi32, #tpu.memory_space<vmem>>)
        %dma_start3A_426 = arith.constant 1 : i32
        %dma_start3A_427 = arith.constant 1 : i32
        %dma_start3A_428 = arith.constant 0 : i32
        %dma_start3A_429 = arith.constant 0 : i32
        %dma_start3A_430 = tpu.memref_slice %arg10[%dma_start3A_427, %dma_start3A_428, %dma_start3A_429] : memref<2x64x128xf32, #tpu.memory_space<vmem>> -> memref<1x64x128xf32, #tpu.memory_space<vmem>>
        %dma_start3A_431 = tpu.memref_squeeze %dma_start3A_430 : memref<1x64x128xf32, #tpu.memory_space<vmem>> -> memref<64x128xf32, #tpu.memory_space<vmem>>
        %dma_start3A_432 = arith.constant 0 : i32
        %dma_start3A_433 = tpu.memref_slice %arg7[%dma_start3A_426, %dma_start3A_432] : memref<2x64xi32, #tpu.memory_space<vmem>> -> memref<1x64xi32, #tpu.memory_space<vmem>>
        %dma_start3A_434 = tpu.memref_squeeze %dma_start3A_433 : memref<1x64xi32, #tpu.memory_space<vmem>> -> memref<64xi32, #tpu.memory_space<vmem>>
        %dma_start3A_435 = arith.constant 0 : i32
        %dma_start3A_436 = arith.constant 0 : i32
        %dma_start3A_437 = tpu.memref_slice %arg2[%dma_start3A_435, %dma_start3A_436] : memref<10000x128xf32, #tpu.memory_space<hbm>> -> memref<10000x128xf32, #tpu.memory_space<hbm>>
        tpu.enqueue_indirect_dma source(%dma_start3A_437 : memref<10000x128xf32, #tpu.memory_space<hbm>>) target(%dma_start3A_431 : memref<64x128xf32, #tpu.memory_space<vmem>>) offsets(%dma_start3A_434 : memref<64xi32, #tpu.memory_space<vmem>>) semaphore(%arg15 : memref<!tpu.dma_semaphore, #tpu.memory_space<semaphore_mem>>)
        %add3A_438 = arith.constant 1 : i32
        %add3A_439 = arith.addi %add3A_187, %add3A_438 : i32
        %mul3A_440 = arith.constant 321536 : i32
        %mul3A_441 = arith.muli %arg0, %mul3A_440 : i32
        %add3A_442 = arith.addi %mul3A_441, %mul3A_0 : i32
        %mul3A_443 = arith.constant 64 : i32
        %mul3A_444 = arith.muli %add3A_439, %mul3A_443 : i32
        %add3A_445 = arith.addi %add3A_442, %mul3A_444 : i32
        %dma_start3A_446 = arith.constant 1 : i32
        %dma_start3A_447 = arith.constant 0 : i32
        %dma_start3A_448 = arith.constant 0 : i32
        %dma_start3A_449 = tpu.memref_slice %arg11[%dma_start3A_446, %dma_start3A_447, %dma_start3A_448] : memref<2x64x64xf32, #tpu.memory_space<vmem>> -> memref<1x64x64xf32, #tpu.memory_space<vmem>>
        %dma_start3A_450 = tpu.memref_squeeze %dma_start3A_449 : memref<1x64x64xf32, #tpu.memory_space<vmem>> -> memref<64x64xf32, #tpu.memory_space<vmem>>
        %dma_start3A_451 = arith.constant 0 : i32
        %dma_start3A_452 = tpu.memref_slice %arg3[%add3A_445, %dma_start3A_451] : memref<643072x64xf32, #tpu.memory_space<hbm>> -> memref<64x64xf32, #tpu.memory_space<hbm>>
        %dma_start3A_453 = arith.constant 0 : i32
        %dma_start3A_454 = arith.constant 0 : i32
        %dma_start3A_455 = tpu.memref_slice %arg11[%dma_start3A_446, %dma_start3A_453, %dma_start3A_454] : memref<2x64x64xf32, #tpu.memory_space<vmem>> -> memref<1x64x64xf32, #tpu.memory_space<vmem>>
        %dma_start3A_456 = tpu.memref_squeeze %dma_start3A_455 : memref<1x64x64xf32, #tpu.memory_space<vmem>> -> memref<64x64xf32, #tpu.memory_space<vmem>>
        %dma_start3A_457 = arith.constant 0 : i32
        %dma_start3A_458 = tpu.memref_slice %arg3[%add3A_445, %dma_start3A_457] : memref<643072x64xf32, #tpu.memory_space<hbm>> -> memref<64x64xf32, #tpu.memory_space<hbm>>
        tpu.enqueue_dma source(%dma_start3A_458 : memref<64x64xf32, #tpu.memory_space<hbm>>) target(%dma_start3A_456 : memref<64x64xf32, #tpu.memory_space<vmem>>) target_semaphore(%arg17 : memref<!tpu.dma_semaphore, #tpu.memory_space<semaphore_mem>>)
      } else {
      }
      %ge3A = arith.constant 2 : i32
      %ge3A_192 = arith.cmpi sge, %add3A_187, %ge3A : i32
      %convert_element_type3A_193 = arith.extui %ge3A_192 : i1 to i32
      %cond3A_194 = arith.constant 0 : i32
      %cond3A_195 = arith.cmpi ne, %convert_element_type3A_193, %cond3A_194 : i32
      scf.if %cond3A_195 {
        %dma_wait3A_403 = arith.constant 0 : i32
        %dma_wait3A_404 = arith.constant 0 : i32
        %dma_wait3A_405 = arith.constant 0 : i32
        %dma_wait3A_406 = arith.constant 0 : i32
        %dma_wait3A_407 = tpu.memref_slice %arg12[%dma_wait3A_403, %dma_wait3A_405, %dma_wait3A_406] : memref<2x64x128xf32, #tpu.memory_space<vmem>> -> memref<1x64x128xf32, #tpu.memory_space<vmem>>
        %dma_wait3A_408 = tpu.memref_squeeze %dma_wait3A_407 : memref<1x64x128xf32, #tpu.memory_space<vmem>> -> memref<64x128xf32, #tpu.memory_space<vmem>>
        %dma_wait3A_409 = arith.constant 0 : i32
        %dma_wait3A_410 = tpu.memref_slice %arg9[%dma_wait3A_404, %dma_wait3A_409] : memref<2x64xi32, #tpu.memory_space<vmem>> -> memref<1x64xi32, #tpu.memory_space<vmem>>
        %dma_wait3A_411 = tpu.memref_squeeze %dma_wait3A_410 : memref<1x64xi32, #tpu.memory_space<vmem>> -> memref<64xi32, #tpu.memory_space<vmem>>
        %dma_wait3A_412 = arith.constant 0 : i32
        %dma_wait3A_413 = arith.constant 0 : i32
        %dma_wait3A_414 = tpu.memref_slice %arg13[%dma_wait3A_412, %dma_wait3A_413] : memref<10112x128xf32, #tpu.memory_space<vmem_shared>> -> memref<10112x128xf32, #tpu.memory_space<vmem_shared>>
        tpu.wait_indirect_dma semaphore(%arg18 : memref<!tpu.dma_semaphore, #tpu.memory_space<semaphore_mem>>) src(%dma_wait3A_408 : memref<64x128xf32, #tpu.memory_space<vmem>>) dst(%dma_wait3A_414 : memref<10112x128xf32, #tpu.memory_space<vmem_shared>>)
      } else {
      }
      %get3A = arith.constant 0 : i32
      %get3A_196 = arith.index_cast %get3A : i32 to index
      %get3A_197 = arith.constant 0 : index
      %get3A_198 = tpu.vector_load %arg8[%get3A_196, %get3A_197] {strides = array<i32>} : memref<2x64xi32, #tpu.memory_space<vmem>>, vector<1x16xi32>,
      %get3A_199 = vector.shape_cast %get3A_198 : vector<1x16xi32> to vector<16xi32>
      %swap3A = arith.constant 0 : i32
      %swap3A_200 = arith.index_cast %swap3A : i32 to index
      %swap3A_201 = arith.constant 0 : index
      %swap3A_202 = tpu.vector_load %arg9[%swap3A_200, %swap3A_201] {strides = array<i32>} : memref<2x64xi32, #tpu.memory_space<vmem>>, vector<1x16xi32>,
      %swap3A_203 = vector.shape_cast %swap3A_202 : vector<1x16xi32> to vector<16xi32>
      %swap3A_204 = vector.shape_cast %get3A_199 : vector<16xi32> to vector<1x16xi32>
      tpu.vector_store %arg9[%swap3A_200, %swap3A_201], %swap3A_204 {strides = array<i32>} : memref<2x64xi32, #tpu.memory_space<vmem>>, vector<1x16xi32>,
      %get3A_205 = arith.constant 0 : i32
      %get3A_206 = arith.index_cast %get3A_205 : i32 to index
      %get3A_207 = arith.constant 16 : index
      %get3A_208 = tpu.vector_load %arg8[%get3A_206, %get3A_207] {strides = array<i32>} : memref<2x64xi32, #tpu.memory_space<vmem>>, vector<1x16xi32>,
      %get3A_209 = vector.shape_cast %get3A_208 : vector<1x16xi32> to vector<16xi32>
      %swap3A_210 = arith.constant 0 : i32
      %swap3A_211 = arith.index_cast %swap3A_210 : i32 to index
      %swap3A_212 = arith.constant 16 : index
      %swap3A_213 = tpu.vector_load %arg9[%swap3A_211, %swap3A_212] {strides = array<i32>} : memref<2x64xi32, #tpu.memory_space<vmem>>, vector<1x16xi32>,
      %swap3A_214 = vector.shape_cast %swap3A_213 : vector<1x16xi32> to vector<16xi32>
      %swap3A_215 = vector.shape_cast %get3A_209 : vector<16xi32> to vector<1x16xi32>
      tpu.vector_store %arg9[%swap3A_211, %swap3A_212], %swap3A_215 {strides = array<i32>} : memref<2x64xi32, #tpu.memory_space<vmem>>, vector<1x16xi32>,
      %get3A_216 = arith.constant 0 : i32
      %get3A_217 = arith.index_cast %get3A_216 : i32 to index
      %get3A_218 = arith.constant 32 : index
      %get3A_219 = tpu.vector_load %arg8[%get3A_217, %get3A_218] {strides = array<i32>} : memref<2x64xi32, #tpu.memory_space<vmem>>, vector<1x16xi32>,
      %get3A_220 = vector.shape_cast %get3A_219 : vector<1x16xi32> to vector<16xi32>
      %swap3A_221 = arith.constant 0 : i32
      %swap3A_222 = arith.index_cast %swap3A_221 : i32 to index
      %swap3A_223 = arith.constant 32 : index
      %swap3A_224 = tpu.vector_load %arg9[%swap3A_222, %swap3A_223] {strides = array<i32>} : memref<2x64xi32, #tpu.memory_space<vmem>>, vector<1x16xi32>,
      %swap3A_225 = vector.shape_cast %swap3A_224 : vector<1x16xi32> to vector<16xi32>
      %swap3A_226 = vector.shape_cast %get3A_220 : vector<16xi32> to vector<1x16xi32>
      tpu.vector_store %arg9[%swap3A_222, %swap3A_223], %swap3A_226 {strides = array<i32>} : memref<2x64xi32, #tpu.memory_space<vmem>>, vector<1x16xi32>,
      %get3A_227 = arith.constant 0 : i32
      %get3A_228 = arith.index_cast %get3A_227 : i32 to index
      %get3A_229 = arith.constant 48 : index
      %get3A_230 = tpu.vector_load %arg8[%get3A_228, %get3A_229] {strides = array<i32>} : memref<2x64xi32, #tpu.memory_space<vmem>>, vector<1x16xi32>,
      %get3A_231 = vector.shape_cast %get3A_230 : vector<1x16xi32> to vector<16xi32>
      %swap3A_232 = arith.constant 0 : i32
      %swap3A_233 = arith.index_cast %swap3A_232 : i32 to index
      %swap3A_234 = arith.constant 48 : index
      %swap3A_235 = tpu.vector_load %arg9[%swap3A_233, %swap3A_234] {strides = array<i32>} : memref<2x64xi32, #tpu.memory_space<vmem>>, vector<1x16xi32>,
      %swap3A_236 = vector.shape_cast %swap3A_235 : vector<1x16xi32> to vector<16xi32>
      %swap3A_237 = vector.shape_cast %get3A_231 : vector<16xi32> to vector<1x16xi32>
      tpu.vector_store %arg9[%swap3A_233, %swap3A_234], %swap3A_237 {strides = array<i32>} : memref<2x64xi32, #tpu.memory_space<vmem>>, vector<1x16xi32>,
      %dma_wait3A_238 = arith.constant 0 : i32
      %dma_wait3A_239 = arith.constant 0 : i32
      %dma_wait3A_240 = arith.constant 0 : i32
      %dma_wait3A_241 = arith.constant 0 : i32
      %dma_wait3A_242 = tpu.memref_slice %arg10[%dma_wait3A_239, %dma_wait3A_240, %dma_wait3A_241] : memref<2x64x128xf32, #tpu.memory_space<vmem>> -> memref<1x64x128xf32, #tpu.memory_space<vmem>>
      %dma_wait3A_243 = tpu.memref_squeeze %dma_wait3A_242 : memref<1x64x128xf32, #tpu.memory_space<vmem>> -> memref<64x128xf32, #tpu.memory_space<vmem>>
      %dma_wait3A_244 = arith.constant 0 : i32
      %dma_wait3A_245 = tpu.memref_slice %arg7[%dma_wait3A_238, %dma_wait3A_244] : memref<2x64xi32, #tpu.memory_space<vmem>> -> memref<1x64xi32, #tpu.memory_space<vmem>>
      %dma_wait3A_246 = tpu.memref_squeeze %dma_wait3A_245 : memref<1x64xi32, #tpu.memory_space<vmem>> -> memref<64xi32, #tpu.memory_space<vmem>>
      %dma_wait3A_247 = arith.constant 0 : i32
      %dma_wait3A_248 = arith.constant 0 : i32
      %dma_wait3A_249 = tpu.memref_slice %arg2[%dma_wait3A_247, %dma_wait3A_248] : memref<10000x128xf32, #tpu.memory_space<hbm>> -> memref<10000x128xf32, #tpu.memory_space<hbm>>
      tpu.wait_indirect_dma semaphore(%arg14 : memref<!tpu.dma_semaphore, #tpu.memory_space<semaphore_mem>>) src(%dma_wait3A_249 : memref<10000x128xf32, #tpu.memory_space<hbm>>) dst(%dma_wait3A_243 : memref<64x128xf32, #tpu.memory_space<vmem>>)
      %add3A_250 = arith.constant 2 : i32
      %add3A_251 = arith.addi %add3A_187, %add3A_250 : i32
      %lt3A_252 = arith.constant 314 : i32
      %lt3A_253 = arith.cmpi slt, %add3A_251, %lt3A_252 : i32
      %convert_element_type3A_254 = arith.extui %lt3A_253 : i1 to i32
      %cond3A_255 = arith.constant 0 : i32
      %cond3A_256 = arith.cmpi ne, %convert_element_type3A_254, %cond3A_255 : i32
      scf.if %cond3A_256 {
        %add3A_403 = arith.constant 2 : i32
        %add3A_404 = arith.addi %add3A_187, %add3A_403 : i32
        %mul3A_405 = arith.constant 64 : i32
        %mul3A_406 = arith.muli %add3A_404, %mul3A_405 : i32
        %add3A_407 = arith.addi %mul3A_0, %mul3A_406 : i32
        %dma_start3A_408 = arith.constant 0 : i32
        %dma_start3A_409 = arith.constant 0 : i32
        %dma_start3A_410 = tpu.memref_slice %arg7[%dma_start3A_408, %dma_start3A_409] : memref<2x64xi32, #tpu.memory_space<vmem>> -> memref<1x64xi32, #tpu.memory_space<vmem>>
        %dma_start3A_411 = tpu.memref_squeeze %dma_start3A_410 : memref<1x64xi32, #tpu.memory_space<vmem>> -> memref<64xi32, #tpu.memory_space<vmem>>
        %dma_start3A_412 = tpu.memref_slice %arg4[%add3A_407] : memref<321536xi32, #tpu.memory_space<hbm>> -> memref<64xi32, #tpu.memory_space<hbm>>
        %dma_start3A_413 = arith.constant 0 : i32
        %dma_start3A_414 = tpu.memref_slice %arg7[%dma_start3A_408, %dma_start3A_413] : memref<2x64xi32, #tpu.memory_space<vmem>> -> memref<1x64xi32, #tpu.memory_space<vmem>>
        %dma_start3A_415 = tpu.memref_squeeze %dma_start3A_414 : memref<1x64xi32, #tpu.memory_space<vmem>> -> memref<64xi32, #tpu.memory_space<vmem>>
        %dma_start3A_416 = tpu.memref_slice %arg4[%add3A_407] : memref<321536xi32, #tpu.memory_space<hbm>> -> memref<64xi32, #tpu.memory_space<hbm>>
        tpu.enqueue_dma source(%dma_start3A_416 : memref<64xi32, #tpu.memory_space<hbm>>) target(%dma_start3A_415 : memref<64xi32, #tpu.memory_space<vmem>>) target_semaphore(%arg20 : memref<!tpu.dma_semaphore, #tpu.memory_space<semaphore_mem>>)
        %dma_start3A_417 = arith.constant 0 : i32
        %dma_start3A_418 = arith.constant 0 : i32
        %dma_start3A_419 = tpu.memref_slice %arg8[%dma_start3A_417, %dma_start3A_418] : memref<2x64xi32, #tpu.memory_space<vmem>> -> memref<1x64xi32, #tpu.memory_space<vmem>>
        %dma_start3A_420 = tpu.memref_squeeze %dma_start3A_419 : memref<1x64xi32, #tpu.memory_space<vmem>> -> memref<64xi32, #tpu.memory_space<vmem>>
        %dma_start3A_421 = tpu.memref_slice %arg5[%add3A_407] : memref<321536xi32, #tpu.memory_space<hbm>> -> memref<64xi32, #tpu.memory_space<hbm>>
        %dma_start3A_422 = arith.constant 0 : i32
        %dma_start3A_423 = tpu.memref_slice %arg8[%dma_start3A_417, %dma_start3A_422] : memref<2x64xi32, #tpu.memory_space<vmem>> -> memref<1x64xi32, #tpu.memory_space<vmem>>
        %dma_start3A_424 = tpu.memref_squeeze %dma_start3A_423 : memref<1x64xi32, #tpu.memory_space<vmem>> -> memref<64xi32, #tpu.memory_space<vmem>>
        %dma_start3A_425 = tpu.memref_slice %arg5[%add3A_407] : memref<321536xi32, #tpu.memory_space<hbm>> -> memref<64xi32, #tpu.memory_space<hbm>>
        tpu.enqueue_dma source(%dma_start3A_425 : memref<64xi32, #tpu.memory_space<hbm>>) target(%dma_start3A_424 : memref<64xi32, #tpu.memory_space<vmem>>) target_semaphore(%arg20 : memref<!tpu.dma_semaphore, #tpu.memory_space<semaphore_mem>>)
      } else {
      }
      %mul3A_257 = arith.constant 321536 : i32
      %mul3A_258 = arith.muli %arg0, %mul3A_257 : i32
      %add3A_259 = arith.addi %mul3A_258, %mul3A_0 : i32
      %mul3A_260 = arith.constant 64 : i32
      %mul3A_261 = arith.muli %add3A_187, %mul3A_260 : i32
      %add3A_262 = arith.addi %add3A_259, %mul3A_261 : i32
      %dma_wait3A_263 = arith.constant 0 : i32
      %dma_wait3A_264 = arith.constant 0 : i32
      %dma_wait3A_265 = arith.constant 0 : i32
      %dma_wait3A_266 = tpu.memref_slice %arg11[%dma_wait3A_263, %dma_wait3A_264, %dma_wait3A_265] : memref<2x64x64xf32, #tpu.memory_space<vmem>> -> memref<1x64x64xf32, #tpu.memory_space<vmem>>
      %dma_wait3A_267 = tpu.memref_squeeze %dma_wait3A_266 : memref<1x64x64xf32, #tpu.memory_space<vmem>> -> memref<64x64xf32, #tpu.memory_space<vmem>>
      %dma_wait3A_268 = arith.constant 0 : i32
      %dma_wait3A_269 = tpu.memref_slice %arg3[%add3A_262, %dma_wait3A_268] : memref<643072x64xf32, #tpu.memory_space<hbm>> -> memref<64x64xf32, #tpu.memory_space<hbm>>
      %dma_wait3A_270 = arith.constant 0 : i32
      %dma_wait3A_271 = arith.constant 0 : i32
      %dma_wait3A_272 = tpu.memref_slice %arg11[%dma_wait3A_263, %dma_wait3A_270, %dma_wait3A_271] : memref<2x64x64xf32, #tpu.memory_space<vmem>> -> memref<1x64x64xf32, #tpu.memory_space<vmem>>
      %dma_wait3A_273 = tpu.memref_squeeze %dma_wait3A_272 : memref<1x64x64xf32, #tpu.memory_space<vmem>> -> memref<64x64xf32, #tpu.memory_space<vmem>>
      %dma_wait3A_274 = arith.constant 0 : i32
      %dma_wait3A_275 = tpu.memref_slice %arg3[%add3A_262, %dma_wait3A_274] : memref<643072x64xf32, #tpu.memory_space<hbm>> -> memref<64x64xf32, #tpu.memory_space<hbm>>
      tpu.wait_dma2 semaphore(%arg16 : memref<!tpu.dma_semaphore, #tpu.memory_space<semaphore_mem>>) src(%dma_wait3A_275 : memref<64x64xf32, #tpu.memory_space<hbm>>) dst(%dma_wait3A_273 : memref<64x64xf32, #tpu.memory_space<vmem>>)
      %parallel_loop3A = arith.constant 0 : i32
      %parallel_loop3A_276 = arith.constant 64 : i32
      %parallel_loop3A_277 = arith.constant 1 : i32
      scf.for %parallel_loop3A_403 = %parallel_loop3A to %parallel_loop3A_276 step %parallel_loop3A_277  : i32 {
        %parallel_loop3A_404 = arith.constant 0 : i32
        %parallel_loop3A_405 = arith.addi %mul3A_2, %parallel_loop3A_404 : i32
        %parallel_loop3A_406 = arith.constant 0 : i32
        %parallel_loop3A_407 = arith.index_cast %parallel_loop3A_406 : i32 to index
        %parallel_loop3A_408 = arith.index_cast %parallel_loop3A_403 : i32 to index
        %parallel_loop3A_409 = arith.index_cast %parallel_loop3A_405 : i32 to index
        %parallel_loop3A_410 = tpu.vector_load %arg10[%parallel_loop3A_407, %parallel_loop3A_408, %parallel_loop3A_409] {strides = array<i32>} : memref<2x64x128xf32, #tpu.memory_space<vmem>>, vector<1x1x16xf32>,
        %parallel_loop3A_411 = vector.shape_cast %parallel_loop3A_410 : vector<1x1x16xf32> to vector<16xf32>
        %parallel_loop3A_412 = arith.constant 0 : i32
        %parallel_loop3A_413 = arith.index_cast %parallel_loop3A_412 : i32 to index
        %parallel_loop3A_414 = arith.index_cast %parallel_loop3A_403 : i32 to index
        %parallel_loop3A_415 = arith.constant 0 : index
        %parallel_loop3A_416 = tpu.vector_load %arg11[%parallel_loop3A_413, %parallel_loop3A_414, %parallel_loop3A_415] {strides = array<i32>} : memref<2x64x64xf32, #tpu.memory_space<vmem>>, vector<1x1x16xf32>,
        %parallel_loop3A_417 = vector.shape_cast %parallel_loop3A_416 : vector<1x1x16xf32> to vector<16xf32>
        %parallel_loop3A_418 = arith.addf %parallel_loop3A_411, %parallel_loop3A_417 : vector<16xf32>
        %parallel_loop3A_419 = arith.constant 0.000000e+00 : f32
        %parallel_loop3A_420 = vector.broadcast %parallel_loop3A_419 : f32 to vector<16xf32>
        %parallel_loop3A_421 = arith.maximumf %parallel_loop3A_418, %parallel_loop3A_420 : vector<16xf32>
        %parallel_loop3A_422 = arith.constant 1.000000e-07 : f32
        %parallel_loop3A_423 = vector.broadcast %parallel_loop3A_422 : f32 to vector<16xf32>
        %parallel_loop3A_424 = arith.addf %parallel_loop3A_421, %parallel_loop3A_423 : vector<16xf32>
        %parallel_loop3A_425 = math.exp %parallel_loop3A_424 : vector<16xf32>
        %parallel_loop3A_426 = arith.constant 0 : i32
        %parallel_loop3A_427 = arith.index_cast %parallel_loop3A_426 : i32 to index
        %parallel_loop3A_428 = arith.index_cast %parallel_loop3A_403 : i32 to index
        %parallel_loop3A_429 = arith.constant 0 : index
        %parallel_loop3A_430 = tpu.vector_load %arg12[%parallel_loop3A_427, %parallel_loop3A_428, %parallel_loop3A_429] {strides = array<i32>} : memref<2x64x128xf32, #tpu.memory_space<vmem>>, vector<1x1x16xf32>,
        %parallel_loop3A_431 = vector.shape_cast %parallel_loop3A_430 : vector<1x1x16xf32> to vector<16xf32>
        %parallel_loop3A_432 = vector.shape_cast %parallel_loop3A_425 : vector<16xf32> to vector<1x1x16xf32>
        tpu.vector_store %arg12[%parallel_loop3A_427, %parallel_loop3A_428, %parallel_loop3A_429], %parallel_loop3A_432 {strides = array<i32>} : memref<2x64x128xf32, #tpu.memory_space<vmem>>, vector<1x1x16xf32>,
        %parallel_loop3A_433 = arith.mulf %parallel_loop3A_424, %parallel_loop3A_425 : vector<16xf32>
        %parallel_loop3A_434 = arith.constant 0 : i32
        %parallel_loop3A_435 = arith.index_cast %parallel_loop3A_434 : i32 to index
        %parallel_loop3A_436 = arith.index_cast %parallel_loop3A_403 : i32 to index
        %parallel_loop3A_437 = arith.constant 64 : index
        %parallel_loop3A_438 = tpu.vector_load %arg12[%parallel_loop3A_435, %parallel_loop3A_436, %parallel_loop3A_437] {strides = array<i32>} : memref<2x64x128xf32, #tpu.memory_space<vmem>>, vector<1x1x16xf32>,
        %parallel_loop3A_439 = vector.shape_cast %parallel_loop3A_438 : vector<1x1x16xf32> to vector<16xf32>
        %parallel_loop3A_440 = vector.shape_cast %parallel_loop3A_433 : vector<16xf32> to vector<1x1x16xf32>
        tpu.vector_store %arg12[%parallel_loop3A_435, %parallel_loop3A_436, %parallel_loop3A_437], %parallel_loop3A_440 {strides = array<i32>} : memref<2x64x128xf32, #tpu.memory_space<vmem>>, vector<1x1x16xf32>,
        %parallel_loop3A_441 = arith.constant 16 : i32
        %parallel_loop3A_442 = arith.addi %mul3A_2, %parallel_loop3A_441 : i32
        %parallel_loop3A_443 = arith.constant 0 : i32
        %parallel_loop3A_444 = arith.index_cast %parallel_loop3A_443 : i32 to index
        %parallel_loop3A_445 = arith.index_cast %parallel_loop3A_403 : i32 to index
        %parallel_loop3A_446 = arith.index_cast %parallel_loop3A_442 : i32 to index
        %parallel_loop3A_447 = tpu.vector_load %arg10[%parallel_loop3A_444, %parallel_loop3A_445, %parallel_loop3A_446] {strides = array<i32>} : memref<2x64x128xf32, #tpu.memory_space<vmem>>, vector<1x1x16xf32>,
        %parallel_loop3A_448 = vector.shape_cast %parallel_loop3A_447 : vector<1x1x16xf32> to vector<16xf32>
        %parallel_loop3A_449 = arith.constant 0 : i32
        %parallel_loop3A_450 = arith.index_cast %parallel_loop3A_449 : i32 to index
        %parallel_loop3A_451 = arith.index_cast %parallel_loop3A_403 : i32 to index
        %parallel_loop3A_452 = arith.constant 16 : index
        %parallel_loop3A_453 = tpu.vector_load %arg11[%parallel_loop3A_450, %parallel_loop3A_451, %parallel_loop3A_452] {strides = array<i32>} : memref<2x64x64xf32, #tpu.memory_space<vmem>>, vector<1x1x16xf32>,
        %parallel_loop3A_454 = vector.shape_cast %parallel_loop3A_453 : vector<1x1x16xf32> to vector<16xf32>
        %parallel_loop3A_455 = arith.addf %parallel_loop3A_448, %parallel_loop3A_454 : vector<16xf32>
        %parallel_loop3A_456 = arith.constant 0.000000e+00 : f32
        %parallel_loop3A_457 = vector.broadcast %parallel_loop3A_456 : f32 to vector<16xf32>
        %parallel_loop3A_458 = arith.maximumf %parallel_loop3A_455, %parallel_loop3A_457 : vector<16xf32>
        %parallel_loop3A_459 = arith.constant 1.000000e-07 : f32
        %parallel_loop3A_460 = vector.broadcast %parallel_loop3A_459 : f32 to vector<16xf32>
        %parallel_loop3A_461 = arith.addf %parallel_loop3A_458, %parallel_loop3A_460 : vector<16xf32>
        %parallel_loop3A_462 = math.exp %parallel_loop3A_461 : vector<16xf32>
        %parallel_loop3A_463 = arith.constant 0 : i32
        %parallel_loop3A_464 = arith.index_cast %parallel_loop3A_463 : i32 to index
        %parallel_loop3A_465 = arith.index_cast %parallel_loop3A_403 : i32 to index
        %parallel_loop3A_466 = arith.constant 16 : index
        %parallel_loop3A_467 = tpu.vector_load %arg12[%parallel_loop3A_464, %parallel_loop3A_465, %parallel_loop3A_466] {strides = array<i32>} : memref<2x64x128xf32, #tpu.memory_space<vmem>>, vector<1x1x16xf32>,
        %parallel_loop3A_468 = vector.shape_cast %parallel_loop3A_467 : vector<1x1x16xf32> to vector<16xf32>
        %parallel_loop3A_469 = vector.shape_cast %parallel_loop3A_462 : vector<16xf32> to vector<1x1x16xf32>
        tpu.vector_store %arg12[%parallel_loop3A_464, %parallel_loop3A_465, %parallel_loop3A_466], %parallel_loop3A_469 {strides = array<i32>} : memref<2x64x128xf32, #tpu.memory_space<vmem>>, vector<1x1x16xf32>,
        %parallel_loop3A_470 = arith.mulf %parallel_loop3A_461, %parallel_loop3A_462 : vector<16xf32>
        %parallel_loop3A_471 = arith.constant 0 : i32
        %parallel_loop3A_472 = arith.index_cast %parallel_loop3A_471 : i32 to index
        %parallel_loop3A_473 = arith.index_cast %parallel_loop3A_403 : i32 to index
        %parallel_loop3A_474 = arith.constant 80 : index
        %parallel_loop3A_475 = tpu.vector_load %arg12[%parallel_loop3A_472, %parallel_loop3A_473, %parallel_loop3A_474] {strides = array<i32>} : memref<2x64x128xf32, #tpu.memory_space<vmem>>, vector<1x1x16xf32>,
        %parallel_loop3A_476 = vector.shape_cast %parallel_loop3A_475 : vector<1x1x16xf32> to vector<16xf32>
        %parallel_loop3A_477 = vector.shape_cast %parallel_loop3A_470 : vector<16xf32> to vector<1x1x16xf32>
        tpu.vector_store %arg12[%parallel_loop3A_472, %parallel_loop3A_473, %parallel_loop3A_474], %parallel_loop3A_477 {strides = array<i32>} : memref<2x64x128xf32, #tpu.memory_space<vmem>>, vector<1x1x16xf32>,
        %parallel_loop3A_478 = arith.constant 32 : i32
        %parallel_loop3A_479 = arith.addi %mul3A_2, %parallel_loop3A_478 : i32
        %parallel_loop3A_480 = arith.constant 0 : i32
        %parallel_loop3A_481 = arith.index_cast %parallel_loop3A_480 : i32 to index
        %parallel_loop3A_482 = arith.index_cast %parallel_loop3A_403 : i32 to index
        %parallel_loop3A_483 = arith.index_cast %parallel_loop3A_479 : i32 to index
        %parallel_loop3A_484 = tpu.vector_load %arg10[%parallel_loop3A_481, %parallel_loop3A_482, %parallel_loop3A_483] {strides = array<i32>} : memref<2x64x128xf32, #tpu.memory_space<vmem>>, vector<1x1x16xf32>,
        %parallel_loop3A_485 = vector.shape_cast %parallel_loop3A_484 : vector<1x1x16xf32> to vector<16xf32>
        %parallel_loop3A_486 = arith.constant 0 : i32
        %parallel_loop3A_487 = arith.index_cast %parallel_loop3A_486 : i32 to index
        %parallel_loop3A_488 = arith.index_cast %parallel_loop3A_403 : i32 to index
        %parallel_loop3A_489 = arith.constant 32 : index
        %parallel_loop3A_490 = tpu.vector_load %arg11[%parallel_loop3A_487, %parallel_loop3A_488, %parallel_loop3A_489] {strides = array<i32>} : memref<2x64x64xf32, #tpu.memory_space<vmem>>, vector<1x1x16xf32>,
        %parallel_loop3A_491 = vector.shape_cast %parallel_loop3A_490 : vector<1x1x16xf32> to vector<16xf32>
        %parallel_loop3A_492 = arith.addf %parallel_loop3A_485, %parallel_loop3A_491 : vector<16xf32>
        %parallel_loop3A_493 = arith.constant 0.000000e+00 : f32
        %parallel_loop3A_494 = vector.broadcast %parallel_loop3A_493 : f32 to vector<16xf32>
        %parallel_loop3A_495 = arith.maximumf %parallel_loop3A_492, %parallel_loop3A_494 : vector<16xf32>
        %parallel_loop3A_496 = arith.constant 1.000000e-07 : f32
        %parallel_loop3A_497 = vector.broadcast %parallel_loop3A_496 : f32 to vector<16xf32>
        %parallel_loop3A_498 = arith.addf %parallel_loop3A_495, %parallel_loop3A_497 : vector<16xf32>
        %parallel_loop3A_499 = math.exp %parallel_loop3A_498 : vector<16xf32>
        %parallel_loop3A_500 = arith.constant 0 : i32
        %parallel_loop3A_501 = arith.index_cast %parallel_loop3A_500 : i32 to index
        %parallel_loop3A_502 = arith.index_cast %parallel_loop3A_403 : i32 to index
        %parallel_loop3A_503 = arith.constant 32 : index
        %parallel_loop3A_504 = tpu.vector_load %arg12[%parallel_loop3A_501, %parallel_loop3A_502, %parallel_loop3A_503] {strides = array<i32>} : memref<2x64x128xf32, #tpu.memory_space<vmem>>, vector<1x1x16xf32>,
        %parallel_loop3A_505 = vector.shape_cast %parallel_loop3A_504 : vector<1x1x16xf32> to vector<16xf32>
        %parallel_loop3A_506 = vector.shape_cast %parallel_loop3A_499 : vector<16xf32> to vector<1x1x16xf32>
        tpu.vector_store %arg12[%parallel_loop3A_501, %parallel_loop3A_502, %parallel_loop3A_503], %parallel_loop3A_506 {strides = array<i32>} : memref<2x64x128xf32, #tpu.memory_space<vmem>>, vector<1x1x16xf32>,
        %parallel_loop3A_507 = arith.mulf %parallel_loop3A_498, %parallel_loop3A_499 : vector<16xf32>
        %parallel_loop3A_508 = arith.constant 0 : i32
        %parallel_loop3A_509 = arith.index_cast %parallel_loop3A_508 : i32 to index
        %parallel_loop3A_510 = arith.index_cast %parallel_loop3A_403 : i32 to index
        %parallel_loop3A_511 = arith.constant 96 : index
        %parallel_loop3A_512 = tpu.vector_load %arg12[%parallel_loop3A_509, %parallel_loop3A_510, %parallel_loop3A_511] {strides = array<i32>} : memref<2x64x128xf32, #tpu.memory_space<vmem>>, vector<1x1x16xf32>,
        %parallel_loop3A_513 = vector.shape_cast %parallel_loop3A_512 : vector<1x1x16xf32> to vector<16xf32>
        %parallel_loop3A_514 = vector.shape_cast %parallel_loop3A_507 : vector<16xf32> to vector<1x1x16xf32>
        tpu.vector_store %arg12[%parallel_loop3A_509, %parallel_loop3A_510, %parallel_loop3A_511], %parallel_loop3A_514 {strides = array<i32>} : memref<2x64x128xf32, #tpu.memory_space<vmem>>, vector<1x1x16xf32>,
        %parallel_loop3A_515 = arith.constant 48 : i32
        %parallel_loop3A_516 = arith.addi %mul3A_2, %parallel_loop3A_515 : i32
        %parallel_loop3A_517 = arith.constant 0 : i32
        %parallel_loop3A_518 = arith.index_cast %parallel_loop3A_517 : i32 to index
        %parallel_loop3A_519 = arith.index_cast %parallel_loop3A_403 : i32 to index
        %parallel_loop3A_520 = arith.index_cast %parallel_loop3A_516 : i32 to index
        %parallel_loop3A_521 = tpu.vector_load %arg10[%parallel_loop3A_518, %parallel_loop3A_519, %parallel_loop3A_520] {strides = array<i32>} : memref<2x64x128xf32, #tpu.memory_space<vmem>>, vector<1x1x16xf32>,
        %parallel_loop3A_522 = vector.shape_cast %parallel_loop3A_521 : vector<1x1x16xf32> to vector<16xf32>
        %parallel_loop3A_523 = arith.constant 0 : i32
        %parallel_loop3A_524 = arith.index_cast %parallel_loop3A_523 : i32 to index
        %parallel_loop3A_525 = arith.index_cast %parallel_loop3A_403 : i32 to index
        %parallel_loop3A_526 = arith.constant 48 : index
        %parallel_loop3A_527 = tpu.vector_load %arg11[%parallel_loop3A_524, %parallel_loop3A_525, %parallel_loop3A_526] {strides = array<i32>} : memref<2x64x64xf32, #tpu.memory_space<vmem>>, vector<1x1x16xf32>,
        %parallel_loop3A_528 = vector.shape_cast %parallel_loop3A_527 : vector<1x1x16xf32> to vector<16xf32>
        %parallel_loop3A_529 = arith.addf %parallel_loop3A_522, %parallel_loop3A_528 : vector<16xf32>
        %parallel_loop3A_530 = arith.constant 0.000000e+00 : f32
        %parallel_loop3A_531 = vector.broadcast %parallel_loop3A_530 : f32 to vector<16xf32>
        %parallel_loop3A_532 = arith.maximumf %parallel_loop3A_529, %parallel_loop3A_531 : vector<16xf32>
        %parallel_loop3A_533 = arith.constant 1.000000e-07 : f32
        %parallel_loop3A_534 = vector.broadcast %parallel_loop3A_533 : f32 to vector<16xf32>
        %parallel_loop3A_535 = arith.addf %parallel_loop3A_532, %parallel_loop3A_534 : vector<16xf32>
        %parallel_loop3A_536 = math.exp %parallel_loop3A_535 : vector<16xf32>
        %parallel_loop3A_537 = arith.constant 0 : i32
        %parallel_loop3A_538 = arith.index_cast %parallel_loop3A_537 : i32 to index
        %parallel_loop3A_539 = arith.index_cast %parallel_loop3A_403 : i32 to index
        %parallel_loop3A_540 = arith.constant 48 : index
        %parallel_loop3A_541 = tpu.vector_load %arg12[%parallel_loop3A_538, %parallel_loop3A_539, %parallel_loop3A_540] {strides = array<i32>} : memref<2x64x128xf32, #tpu.memory_space<vmem>>, vector<1x1x16xf32>,
        %parallel_loop3A_542 = vector.shape_cast %parallel_loop3A_541 : vector<1x1x16xf32> to vector<16xf32>
        %parallel_loop3A_543 = vector.shape_cast %parallel_loop3A_536 : vector<16xf32> to vector<1x1x16xf32>
        tpu.vector_store %arg12[%parallel_loop3A_538, %parallel_loop3A_539, %parallel_loop3A_540], %parallel_loop3A_543 {strides = array<i32>} : memref<2x64x128xf32, #tpu.memory_space<vmem>>, vector<1x1x16xf32>,
        %parallel_loop3A_544 = arith.mulf %parallel_loop3A_535, %parallel_loop3A_536 : vector<16xf32>
        %parallel_loop3A_545 = arith.constant 0 : i32
        %parallel_loop3A_546 = arith.index_cast %parallel_loop3A_545 : i32 to index
        %parallel_loop3A_547 = arith.index_cast %parallel_loop3A_403 : i32 to index
        %parallel_loop3A_548 = arith.constant 112 : index
        %parallel_loop3A_549 = tpu.vector_load %arg12[%parallel_loop3A_546, %parallel_loop3A_547, %parallel_loop3A_548] {strides = array<i32>} : memref<2x64x128xf32, #tpu.memory_space<vmem>>, vector<1x1x16xf32>,
        %parallel_loop3A_550 = vector.shape_cast %parallel_loop3A_549 : vector<1x1x16xf32> to vector<16xf32>
        %parallel_loop3A_551 = vector.shape_cast %parallel_loop3A_544 : vector<16xf32> to vector<1x1x16xf32>
        tpu.vector_store %arg12[%parallel_loop3A_546, %parallel_loop3A_547, %parallel_loop3A_548], %parallel_loop3A_551 {strides = array<i32>} : memref<2x64x128xf32, #tpu.memory_space<vmem>>, vector<1x1x16xf32>,
      } {sc.loop_unroll_factor = 8 : i64, sc.parallel_access}
      %dma_start3A_278 = arith.constant 0 : i32
      %dma_start3A_279 = arith.constant 0 : i32
      %dma_start3A_280 = arith.constant 0 : i32
      %dma_start3A_281 = arith.constant 0 : i32
      %dma_start3A_282 = tpu.memref_slice %arg12[%dma_start3A_278, %dma_start3A_280, %dma_start3A_281] : memref<2x64x128xf32, #tpu.memory_space<vmem>> -> memref<1x64x128xf32, #tpu.memory_space<vmem>>
      %dma_start3A_283 = tpu.memref_squeeze %dma_start3A_282 : memref<1x64x128xf32, #tpu.memory_space<vmem>> -> memref<64x128xf32, #tpu.memory_space<vmem>>
      %dma_start3A_284 = arith.constant 0 : i32
      %dma_start3A_285 = tpu.memref_slice %arg9[%dma_start3A_279, %dma_start3A_284] : memref<2x64xi32, #tpu.memory_space<vmem>> -> memref<1x64xi32, #tpu.memory_space<vmem>>
      %dma_start3A_286 = tpu.memref_squeeze %dma_start3A_285 : memref<1x64xi32, #tpu.memory_space<vmem>> -> memref<64xi32, #tpu.memory_space<vmem>>
      %dma_start3A_287 = arith.constant 0 : i32
      %dma_start3A_288 = arith.constant 0 : i32
      %dma_start3A_289 = tpu.memref_slice %arg13[%dma_start3A_287, %dma_start3A_288] : memref<10112x128xf32, #tpu.memory_space<vmem_shared>> -> memref<10112x128xf32, #tpu.memory_space<vmem_shared>>
      tpu.enqueue_indirect_dma source(%dma_start3A_283 : memref<64x128xf32, #tpu.memory_space<vmem>>) target(%dma_start3A_289 : memref<10112x128xf32, #tpu.memory_space<vmem_shared>>) offsets(%dma_start3A_286 : memref<64xi32, #tpu.memory_space<vmem>>) semaphore(%arg18 : memref<!tpu.dma_semaphore, #tpu.memory_space<semaphore_mem>>) {add = true}
      %mul3A_290 = arith.constant 2 : i32
      %mul3A_291 = arith.muli %mul3A_290, %scan3A_183 : i32
      %add3A_292 = arith.constant 1 : i32
      %add3A_293 = arith.addi %mul3A_291, %add3A_292 : i32
      %add3A_294 = arith.constant 1 : i32
      %add3A_295 = arith.addi %add3A_293, %add3A_294 : i32
      %lt3A_296 = arith.constant 314 : i32
      %lt3A_297 = arith.cmpi slt, %add3A_295, %lt3A_296 : i32
      %convert_element_type3A_298 = arith.extui %lt3A_297 : i1 to i32
      %cond3A_299 = arith.constant 0 : i32
      %cond3A_300 = arith.cmpi ne, %convert_element_type3A_298, %cond3A_299 : i32
      scf.if %cond3A_300 {
        %add3A_403 = arith.constant 1 : i32
        %add3A_404 = arith.addi %add3A_293, %add3A_403 : i32
        %mul3A_405 = arith.constant 64 : i32
        %mul3A_406 = arith.muli %add3A_404, %mul3A_405 : i32
        %add3A_407 = arith.addi %mul3A_0, %mul3A_406 : i32
        %dma_wait3A_408 = arith.constant 0 : i32
        %dma_wait3A_409 = arith.constant 0 : i32
        %dma_wait3A_410 = tpu.memref_slice %arg7[%dma_wait3A_408, %dma_wait3A_409] : memref<2x64xi32, #tpu.memory_space<vmem>> -> memref<1x64xi32, #tpu.memory_space<vmem>>
        %dma_wait3A_411 = tpu.memref_squeeze %dma_wait3A_410 : memref<1x64xi32, #tpu.memory_space<vmem>> -> memref<64xi32, #tpu.memory_space<vmem>>
        %dma_wait3A_412 = tpu.memref_slice %arg4[%add3A_407] : memref<321536xi32, #tpu.memory_space<hbm>> -> memref<64xi32, #tpu.memory_space<hbm>>
        %dma_wait3A_413 = arith.constant 0 : i32
        %dma_wait3A_414 = tpu.memref_slice %arg7[%dma_wait3A_408, %dma_wait3A_413] : memref<2x64xi32, #tpu.memory_space<vmem>> -> memref<1x64xi32, #tpu.memory_space<vmem>>
        %dma_wait3A_415 = tpu.memref_squeeze %dma_wait3A_414 : memref<1x64xi32, #tpu.memory_space<vmem>> -> memref<64xi32, #tpu.memory_space<vmem>>
        %dma_wait3A_416 = tpu.memref_slice %arg4[%add3A_407] : memref<321536xi32, #tpu.memory_space<hbm>> -> memref<64xi32, #tpu.memory_space<hbm>>
        tpu.wait_dma2 semaphore(%arg20 : memref<!tpu.dma_semaphore, #tpu.memory_space<semaphore_mem>>) src(%dma_wait3A_416 : memref<64xi32, #tpu.memory_space<hbm>>) dst(%dma_wait3A_415 : memref<64xi32, #tpu.memory_space<vmem>>)
        %dma_wait3A_417 = arith.constant 0 : i32
        %dma_wait3A_418 = arith.constant 0 : i32
        %dma_wait3A_419 = tpu.memref_slice %arg8[%dma_wait3A_417, %dma_wait3A_418] : memref<2x64xi32, #tpu.memory_space<vmem>> -> memref<1x64xi32, #tpu.memory_space<vmem>>
        %dma_wait3A_420 = tpu.memref_squeeze %dma_wait3A_419 : memref<1x64xi32, #tpu.memory_space<vmem>> -> memref<64xi32, #tpu.memory_space<vmem>>
        %dma_wait3A_421 = tpu.memref_slice %arg5[%add3A_407] : memref<321536xi32, #tpu.memory_space<hbm>> -> memref<64xi32, #tpu.memory_space<hbm>>
        %dma_wait3A_422 = arith.constant 0 : i32
        %dma_wait3A_423 = tpu.memref_slice %arg8[%dma_wait3A_417, %dma_wait3A_422] : memref<2x64xi32, #tpu.memory_space<vmem>> -> memref<1x64xi32, #tpu.memory_space<vmem>>
        %dma_wait3A_424 = tpu.memref_squeeze %dma_wait3A_423 : memref<1x64xi32, #tpu.memory_space<vmem>> -> memref<64xi32, #tpu.memory_space<vmem>>
        %dma_wait3A_425 = tpu.memref_slice %arg5[%add3A_407] : memref<321536xi32, #tpu.memory_space<hbm>> -> memref<64xi32, #tpu.memory_space<hbm>>
        tpu.wait_dma2 semaphore(%arg20 : memref<!tpu.dma_semaphore, #tpu.memory_space<semaphore_mem>>) src(%dma_wait3A_425 : memref<64xi32, #tpu.memory_space<hbm>>) dst(%dma_wait3A_424 : memref<64xi32, #tpu.memory_space<vmem>>)
        %dma_start3A_426 = arith.constant 0 : i32
        %dma_start3A_427 = arith.constant 0 : i32
        %dma_start3A_428 = arith.constant 0 : i32
        %dma_start3A_429 = arith.constant 0 : i32
        %dma_start3A_430 = tpu.memref_slice %arg10[%dma_start3A_427, %dma_start3A_428, %dma_start3A_429] : memref<2x64x128xf32, #tpu.memory_space<vmem>> -> memref<1x64x128xf32, #tpu.memory_space<vmem>>
        %dma_start3A_431 = tpu.memref_squeeze %dma_start3A_430 : memref<1x64x128xf32, #tpu.memory_space<vmem>> -> memref<64x128xf32, #tpu.memory_space<vmem>>
        %dma_start3A_432 = arith.constant 0 : i32
        %dma_start3A_433 = tpu.memref_slice %arg7[%dma_start3A_426, %dma_start3A_432] : memref<2x64xi32, #tpu.memory_space<vmem>> -> memref<1x64xi32, #tpu.memory_space<vmem>>
        %dma_start3A_434 = tpu.memref_squeeze %dma_start3A_433 : memref<1x64xi32, #tpu.memory_space<vmem>> -> memref<64xi32, #tpu.memory_space<vmem>>
        %dma_start3A_435 = arith.constant 0 : i32
        %dma_start3A_436 = arith.constant 0 : i32
        %dma_start3A_437 = tpu.memref_slice %arg2[%dma_start3A_435, %dma_start3A_436] : memref<10000x128xf32, #tpu.memory_space<hbm>> -> memref<10000x128xf32, #tpu.memory_space<hbm>>
        tpu.enqueue_indirect_dma source(%dma_start3A_437 : memref<10000x128xf32, #tpu.memory_space<hbm>>) target(%dma_start3A_431 : memref<64x128xf32, #tpu.memory_space<vmem>>) offsets(%dma_start3A_434 : memref<64xi32, #tpu.memory_space<vmem>>) semaphore(%arg14 : memref<!tpu.dma_semaphore, #tpu.memory_space<semaphore_mem>>)
        %add3A_438 = arith.constant 1 : i32
        %add3A_439 = arith.addi %add3A_293, %add3A_438 : i32
        %mul3A_440 = arith.constant 321536 : i32
        %mul3A_441 = arith.muli %arg0, %mul3A_440 : i32
        %add3A_442 = arith.addi %mul3A_441, %mul3A_0 : i32
        %mul3A_443 = arith.constant 64 : i32
        %mul3A_444 = arith.muli %add3A_439, %mul3A_443 : i32
        %add3A_445 = arith.addi %add3A_442, %mul3A_444 : i32
        %dma_start3A_446 = arith.constant 0 : i32
        %dma_start3A_447 = arith.constant 0 : i32
        %dma_start3A_448 = arith.constant 0 : i32
        %dma_start3A_449 = tpu.memref_slice %arg11[%dma_start3A_446, %dma_start3A_447, %dma_start3A_448] : memref<2x64x64xf32, #tpu.memory_space<vmem>> -> memref<1x64x64xf32, #tpu.memory_space<vmem>>
        %dma_start3A_450 = tpu.memref_squeeze %dma_start3A_449 : memref<1x64x64xf32, #tpu.memory_space<vmem>> -> memref<64x64xf32, #tpu.memory_space<vmem>>
        %dma_start3A_451 = arith.constant 0 : i32
        %dma_start3A_452 = tpu.memref_slice %arg3[%add3A_445, %dma_start3A_451] : memref<643072x64xf32, #tpu.memory_space<hbm>> -> memref<64x64xf32, #tpu.memory_space<hbm>>
        %dma_start3A_453 = arith.constant 0 : i32
        %dma_start3A_454 = arith.constant 0 : i32
        %dma_start3A_455 = tpu.memref_slice %arg11[%dma_start3A_446, %dma_start3A_453, %dma_start3A_454] : memref<2x64x64xf32, #tpu.memory_space<vmem>> -> memref<1x64x64xf32, #tpu.memory_space<vmem>>
        %dma_start3A_456 = tpu.memref_squeeze %dma_start3A_455 : memref<1x64x64xf32, #tpu.memory_space<vmem>> -> memref<64x64xf32, #tpu.memory_space<vmem>>
        %dma_start3A_457 = arith.constant 0 : i32
        %dma_start3A_458 = tpu.memref_slice %arg3[%add3A_445, %dma_start3A_457] : memref<643072x64xf32, #tpu.memory_space<hbm>> -> memref<64x64xf32, #tpu.memory_space<hbm>>
        tpu.enqueue_dma source(%dma_start3A_458 : memref<64x64xf32, #tpu.memory_space<hbm>>) target(%dma_start3A_456 : memref<64x64xf32, #tpu.memory_space<vmem>>) target_semaphore(%arg16 : memref<!tpu.dma_semaphore, #tpu.memory_space<semaphore_mem>>)
      } else {
      }
      %ge3A_301 = arith.constant 2 : i32
      %ge3A_302 = arith.cmpi sge, %add3A_293, %ge3A_301 : i32
      %convert_element_type3A_303 = arith.extui %ge3A_302 : i1 to i32
      %cond3A_304 = arith.constant 0 : i32
      %cond3A_305 = arith.cmpi ne, %convert_element_type3A_303, %cond3A_304 : i32
      scf.if %cond3A_305 {
        %dma_wait3A_403 = arith.constant 1 : i32
        %dma_wait3A_404 = arith.constant 1 : i32
        %dma_wait3A_405 = arith.constant 0 : i32
        %dma_wait3A_406 = arith.constant 0 : i32
        %dma_wait3A_407 = tpu.memref_slice %arg12[%dma_wait3A_403, %dma_wait3A_405, %dma_wait3A_406] : memref<2x64x128xf32, #tpu.memory_space<vmem>> -> memref<1x64x128xf32, #tpu.memory_space<vmem>>
        %dma_wait3A_408 = tpu.memref_squeeze %dma_wait3A_407 : memref<1x64x128xf32, #tpu.memory_space<vmem>> -> memref<64x128xf32, #tpu.memory_space<vmem>>
        %dma_wait3A_409 = arith.constant 0 : i32
        %dma_wait3A_410 = tpu.memref_slice %arg9[%dma_wait3A_404, %dma_wait3A_409] : memref<2x64xi32, #tpu.memory_space<vmem>> -> memref<1x64xi32, #tpu.memory_space<vmem>>
        %dma_wait3A_411 = tpu.memref_squeeze %dma_wait3A_410 : memref<1x64xi32, #tpu.memory_space<vmem>> -> memref<64xi32, #tpu.memory_space<vmem>>
        %dma_wait3A_412 = arith.constant 0 : i32
        %dma_wait3A_413 = arith.constant 0 : i32
        %dma_wait3A_414 = tpu.memref_slice %arg13[%dma_wait3A_412, %dma_wait3A_413] : memref<10112x128xf32, #tpu.memory_space<vmem_shared>> -> memref<10112x128xf32, #tpu.memory_space<vmem_shared>>
        tpu.wait_indirect_dma semaphore(%arg19 : memref<!tpu.dma_semaphore, #tpu.memory_space<semaphore_mem>>) src(%dma_wait3A_408 : memref<64x128xf32, #tpu.memory_space<vmem>>) dst(%dma_wait3A_414 : memref<10112x128xf32, #tpu.memory_space<vmem_shared>>)
      } else {
      }
      %get3A_306 = arith.constant 1 : i32
      %get3A_307 = arith.index_cast %get3A_306 : i32 to index
      %get3A_308 = arith.constant 0 : index
      %get3A_309 = tpu.vector_load %arg8[%get3A_307, %get3A_308] {strides = array<i32>} : memref<2x64xi32, #tpu.memory_space<vmem>>, vector<1x16xi32>,
      %get3A_310 = vector.shape_cast %get3A_309 : vector<1x16xi32> to vector<16xi32>
      %swap3A_311 = arith.constant 1 : i32
      %swap3A_312 = arith.index_cast %swap3A_311 : i32 to index
      %swap3A_313 = arith.constant 0 : index
      %swap3A_314 = tpu.vector_load %arg9[%swap3A_312, %swap3A_313] {strides = array<i32>} : memref<2x64xi32, #tpu.memory_space<vmem>>, vector<1x16xi32>,
      %swap3A_315 = vector.shape_cast %swap3A_314 : vector<1x16xi32> to vector<16xi32>
      %swap3A_316 = vector.shape_cast %get3A_310 : vector<16xi32> to vector<1x16xi32>
      tpu.vector_store %arg9[%swap3A_312, %swap3A_313], %swap3A_316 {strides = array<i32>} : memref<2x64xi32, #tpu.memory_space<vmem>>, vector<1x16xi32>,
      %get3A_317 = arith.constant 1 : i32
      %get3A_318 = arith.index_cast %get3A_317 : i32 to index
      %get3A_319 = arith.constant 16 : index
      %get3A_320 = tpu.vector_load %arg8[%get3A_318, %get3A_319] {strides = array<i32>} : memref<2x64xi32, #tpu.memory_space<vmem>>, vector<1x16xi32>,
      %get3A_321 = vector.shape_cast %get3A_320 : vector<1x16xi32> to vector<16xi32>
      %swap3A_322 = arith.constant 1 : i32
      %swap3A_323 = arith.index_cast %swap3A_322 : i32 to index
      %swap3A_324 = arith.constant 16 : index
      %swap3A_325 = tpu.vector_load %arg9[%swap3A_323, %swap3A_324] {strides = array<i32>} : memref<2x64xi32, #tpu.memory_space<vmem>>, vector<1x16xi32>,
      %swap3A_326 = vector.shape_cast %swap3A_325 : vector<1x16xi32> to vector<16xi32>
      %swap3A_327 = vector.shape_cast %get3A_321 : vector<16xi32> to vector<1x16xi32>
      tpu.vector_store %arg9[%swap3A_323, %swap3A_324], %swap3A_327 {strides = array<i32>} : memref<2x64xi32, #tpu.memory_space<vmem>>, vector<1x16xi32>,
      %get3A_328 = arith.constant 1 : i32
      %get3A_329 = arith.index_cast %get3A_328 : i32 to index
      %get3A_330 = arith.constant 32 : index
      %get3A_331 = tpu.vector_load %arg8[%get3A_329, %get3A_330] {strides = array<i32>} : memref<2x64xi32, #tpu.memory_space<vmem>>, vector<1x16xi32>,
      %get3A_332 = vector.shape_cast %get3A_331 : vector<1x16xi32> to vector<16xi32>
      %swap3A_333 = arith.constant 1 : i32
      %swap3A_334 = arith.index_cast %swap3A_333 : i32 to index
      %swap3A_335 = arith.constant 32 : index
      %swap3A_336 = tpu.vector_load %arg9[%swap3A_334, %swap3A_335] {strides = array<i32>} : memref<2x64xi32, #tpu.memory_space<vmem>>, vector<1x16xi32>,
      %swap3A_337 = vector.shape_cast %swap3A_336 : vector<1x16xi32> to vector<16xi32>
      %swap3A_338 = vector.shape_cast %get3A_332 : vector<16xi32> to vector<1x16xi32>
      tpu.vector_store %arg9[%swap3A_334, %swap3A_335], %swap3A_338 {strides = array<i32>} : memref<2x64xi32, #tpu.memory_space<vmem>>, vector<1x16xi32>,
      %get3A_339 = arith.constant 1 : i32
      %get3A_340 = arith.index_cast %get3A_339 : i32 to index
      %get3A_341 = arith.constant 48 : index
      %get3A_342 = tpu.vector_load %arg8[%get3A_340, %get3A_341] {strides = array<i32>} : memref<2x64xi32, #tpu.memory_space<vmem>>, vector<1x16xi32>,
      %get3A_343 = vector.shape_cast %get3A_342 : vector<1x16xi32> to vector<16xi32>
      %swap3A_344 = arith.constant 1 : i32
      %swap3A_345 = arith.index_cast %swap3A_344 : i32 to index
      %swap3A_346 = arith.constant 48 : index
      %swap3A_347 = tpu.vector_load %arg9[%swap3A_345, %swap3A_346] {strides = array<i32>} : memref<2x64xi32, #tpu.memory_space<vmem>>, vector<1x16xi32>,
      %swap3A_348 = vector.shape_cast %swap3A_347 : vector<1x16xi32> to vector<16xi32>
      %swap3A_349 = vector.shape_cast %get3A_343 : vector<16xi32> to vector<1x16xi32>
      tpu.vector_store %arg9[%swap3A_345, %swap3A_346], %swap3A_349 {strides = array<i32>} : memref<2x64xi32, #tpu.memory_space<vmem>>, vector<1x16xi32>,
      %dma_wait3A_350 = arith.constant 1 : i32
      %dma_wait3A_351 = arith.constant 1 : i32
      %dma_wait3A_352 = arith.constant 0 : i32
      %dma_wait3A_353 = arith.constant 0 : i32
      %dma_wait3A_354 = tpu.memref_slice %arg10[%dma_wait3A_351, %dma_wait3A_352, %dma_wait3A_353] : memref<2x64x128xf32, #tpu.memory_space<vmem>> -> memref<1x64x128xf32, #tpu.memory_space<vmem>>
      %dma_wait3A_355 = tpu.memref_squeeze %dma_wait3A_354 : memref<1x64x128xf32, #tpu.memory_space<vmem>> -> memref<64x128xf32, #tpu.memory_space<vmem>>
      %dma_wait3A_356 = arith.constant 0 : i32
      %dma_wait3A_357 = tpu.memref_slice %arg7[%dma_wait3A_350, %dma_wait3A_356] : memref<2x64xi32, #tpu.memory_space<vmem>> -> memref<1x64xi32, #tpu.memory_space<vmem>>
      %dma_wait3A_358 = tpu.memref_squeeze %dma_wait3A_357 : memref<1x64xi32, #tpu.memory_space<vmem>> -> memref<64xi32, #tpu.memory_space<vmem>>
      %dma_wait3A_359 = arith.constant 0 : i32
      %dma_wait3A_360 = arith.constant 0 : i32
      %dma_wait3A_361 = tpu.memref_slice %arg2[%dma_wait3A_359, %dma_wait3A_360] : memref<10000x128xf32, #tpu.memory_space<hbm>> -> memref<10000x128xf32, #tpu.memory_space<hbm>>
      tpu.wait_indirect_dma semaphore(%arg15 : memref<!tpu.dma_semaphore, #tpu.memory_space<semaphore_mem>>) src(%dma_wait3A_361 : memref<10000x128xf32, #tpu.memory_space<hbm>>) dst(%dma_wait3A_355 : memref<64x128xf32, #tpu.memory_space<vmem>>)
      %add3A_362 = arith.constant 2 : i32
      %add3A_363 = arith.addi %add3A_293, %add3A_362 : i32
      %lt3A_364 = arith.constant 314 : i32
      %lt3A_365 = arith.cmpi slt, %add3A_363, %lt3A_364 : i32
      %convert_element_type3A_366 = arith.extui %lt3A_365 : i1 to i32
      %cond3A_367 = arith.constant 0 : i32
      %cond3A_368 = arith.cmpi ne, %convert_element_type3A_366, %cond3A_367 : i32
      scf.if %cond3A_368 {
        %add3A_403 = arith.constant 2 : i32
        %add3A_404 = arith.addi %add3A_293, %add3A_403 : i32
        %mul3A_405 = arith.constant 64 : i32
        %mul3A_406 = arith.muli %add3A_404, %mul3A_405 : i32
        %add3A_407 = arith.addi %mul3A_0, %mul3A_406 : i32
        %dma_start3A_408 = arith.constant 1 : i32
        %dma_start3A_409 = arith.constant 0 : i32
        %dma_start3A_410 = tpu.memref_slice %arg7[%dma_start3A_408, %dma_start3A_409] : memref<2x64xi32, #tpu.memory_space<vmem>> -> memref<1x64xi32, #tpu.memory_space<vmem>>
        %dma_start3A_411 = tpu.memref_squeeze %dma_start3A_410 : memref<1x64xi32, #tpu.memory_space<vmem>> -> memref<64xi32, #tpu.memory_space<vmem>>
        %dma_start3A_412 = tpu.memref_slice %arg4[%add3A_407] : memref<321536xi32, #tpu.memory_space<hbm>> -> memref<64xi32, #tpu.memory_space<hbm>>
        %dma_start3A_413 = arith.constant 0 : i32
        %dma_start3A_414 = tpu.memref_slice %arg7[%dma_start3A_408, %dma_start3A_413] : memref<2x64xi32, #tpu.memory_space<vmem>> -> memref<1x64xi32, #tpu.memory_space<vmem>>
        %dma_start3A_415 = tpu.memref_squeeze %dma_start3A_414 : memref<1x64xi32, #tpu.memory_space<vmem>> -> memref<64xi32, #tpu.memory_space<vmem>>
        %dma_start3A_416 = tpu.memref_slice %arg4[%add3A_407] : memref<321536xi32, #tpu.memory_space<hbm>> -> memref<64xi32, #tpu.memory_space<hbm>>
        tpu.enqueue_dma source(%dma_start3A_416 : memref<64xi32, #tpu.memory_space<hbm>>) target(%dma_start3A_415 : memref<64xi32, #tpu.memory_space<vmem>>) target_semaphore(%arg20 : memref<!tpu.dma_semaphore, #tpu.memory_space<semaphore_mem>>)
        %dma_start3A_417 = arith.constant 1 : i32
        %dma_start3A_418 = arith.constant 0 : i32
        %dma_start3A_419 = tpu.memref_slice %arg8[%dma_start3A_417, %dma_start3A_418] : memref<2x64xi32, #tpu.memory_space<vmem>> -> memref<1x64xi32, #tpu.memory_space<vmem>>
        %dma_start3A_420 = tpu.memref_squeeze %dma_start3A_419 : memref<1x64xi32, #tpu.memory_space<vmem>> -> memref<64xi32, #tpu.memory_space<vmem>>
        %dma_start3A_421 = tpu.memref_slice %arg5[%add3A_407] : memref<321536xi32, #tpu.memory_space<hbm>> -> memref<64xi32, #tpu.memory_space<hbm>>
        %dma_start3A_422 = arith.constant 0 : i32
        %dma_start3A_423 = tpu.memref_slice %arg8[%dma_start3A_417, %dma_start3A_422] : memref<2x64xi32, #tpu.memory_space<vmem>> -> memref<1x64xi32, #tpu.memory_space<vmem>>
        %dma_start3A_424 = tpu.memref_squeeze %dma_start3A_423 : memref<1x64xi32, #tpu.memory_space<vmem>> -> memref<64xi32, #tpu.memory_space<vmem>>
        %dma_start3A_425 = tpu.memref_slice %arg5[%add3A_407] : memref<321536xi32, #tpu.memory_space<hbm>> -> memref<64xi32, #tpu.memory_space<hbm>>
        tpu.enqueue_dma source(%dma_start3A_425 : memref<64xi32, #tpu.memory_space<hbm>>) target(%dma_start3A_424 : memref<64xi32, #tpu.memory_space<vmem>>) target_semaphore(%arg20 : memref<!tpu.dma_semaphore, #tpu.memory_space<semaphore_mem>>)
      } else {
      }
      %mul3A_369 = arith.constant 321536 : i32
      %mul3A_370 = arith.muli %arg0, %mul3A_369 : i32
      %add3A_371 = arith.addi %mul3A_370, %mul3A_0 : i32
      %mul3A_372 = arith.constant 64 : i32
      %mul3A_373 = arith.muli %add3A_293, %mul3A_372 : i32
      %add3A_374 = arith.addi %add3A_371, %mul3A_373 : i32
      %dma_wait3A_375 = arith.constant 1 : i32
      %dma_wait3A_376 = arith.constant 0 : i32
      %dma_wait3A_377 = arith.constant 0 : i32
      %dma_wait3A_378 = tpu.memref_slice %arg11[%dma_wait3A_375, %dma_wait3A_376, %dma_wait3A_377] : memref<2x64x64xf32, #tpu.memory_space<vmem>> -> memref<1x64x64xf32, #tpu.memory_space<vmem>>
      %dma_wait3A_379 = tpu.memref_squeeze %dma_wait3A_378 : memref<1x64x64xf32, #tpu.memory_space<vmem>> -> memref<64x64xf32, #tpu.memory_space<vmem>>
      %dma_wait3A_380 = arith.constant 0 : i32
      %dma_wait3A_381 = tpu.memref_slice %arg3[%add3A_374, %dma_wait3A_380] : memref<643072x64xf32, #tpu.memory_space<hbm>> -> memref<64x64xf32, #tpu.memory_space<hbm>>
      %dma_wait3A_382 = arith.constant 0 : i32
      %dma_wait3A_383 = arith.constant 0 : i32
      %dma_wait3A_384 = tpu.memref_slice %arg11[%dma_wait3A_375, %dma_wait3A_382, %dma_wait3A_383] : memref<2x64x64xf32, #tpu.memory_space<vmem>> -> memref<1x64x64xf32, #tpu.memory_space<vmem>>
      %dma_wait3A_385 = tpu.memref_squeeze %dma_wait3A_384 : memref<1x64x64xf32, #tpu.memory_space<vmem>> -> memref<64x64xf32, #tpu.memory_space<vmem>>
      %dma_wait3A_386 = arith.constant 0 : i32
      %dma_wait3A_387 = tpu.memref_slice %arg3[%add3A_374, %dma_wait3A_386] : memref<643072x64xf32, #tpu.memory_space<hbm>> -> memref<64x64xf32, #tpu.memory_space<hbm>>
      tpu.wait_dma2 semaphore(%arg17 : memref<!tpu.dma_semaphore, #tpu.memory_space<semaphore_mem>>) src(%dma_wait3A_387 : memref<64x64xf32, #tpu.memory_space<hbm>>) dst(%dma_wait3A_385 : memref<64x64xf32, #tpu.memory_space<vmem>>)
      %parallel_loop3A_388 = arith.constant 0 : i32
      %parallel_loop3A_389 = arith.constant 64 : i32
      %parallel_loop3A_390 = arith.constant 1 : i32
      scf.for %parallel_loop3A_403 = %parallel_loop3A_388 to %parallel_loop3A_389 step %parallel_loop3A_390  : i32 {
        %parallel_loop3A_404 = arith.constant 0 : i32
        %parallel_loop3A_405 = arith.addi %mul3A_2, %parallel_loop3A_404 : i32
        %parallel_loop3A_406 = arith.constant 1 : i32
        %parallel_loop3A_407 = arith.index_cast %parallel_loop3A_406 : i32 to index
        %parallel_loop3A_408 = arith.index_cast %parallel_loop3A_403 : i32 to index
        %parallel_loop3A_409 = arith.index_cast %parallel_loop3A_405 : i32 to index
        %parallel_loop3A_410 = tpu.vector_load %arg10[%parallel_loop3A_407, %parallel_loop3A_408, %parallel_loop3A_409] {strides = array<i32>} : memref<2x64x128xf32, #tpu.memory_space<vmem>>, vector<1x1x16xf32>,
        %parallel_loop3A_411 = vector.shape_cast %parallel_loop3A_410 : vector<1x1x16xf32> to vector<16xf32>
        %parallel_loop3A_412 = arith.constant 1 : i32
        %parallel_loop3A_413 = arith.index_cast %parallel_loop3A_412 : i32 to index
        %parallel_loop3A_414 = arith.index_cast %parallel_loop3A_403 : i32 to index
        %parallel_loop3A_415 = arith.constant 0 : index
        %parallel_loop3A_416 = tpu.vector_load %arg11[%parallel_loop3A_413, %parallel_loop3A_414, %parallel_loop3A_415] {strides = array<i32>} : memref<2x64x64xf32, #tpu.memory_space<vmem>>, vector<1x1x16xf32>,
        %parallel_loop3A_417 = vector.shape_cast %parallel_loop3A_416 : vector<1x1x16xf32> to vector<16xf32>
        %parallel_loop3A_418 = arith.addf %parallel_loop3A_411, %parallel_loop3A_417 : vector<16xf32>
        %parallel_loop3A_419 = arith.constant 0.000000e+00 : f32
        %parallel_loop3A_420 = vector.broadcast %parallel_loop3A_419 : f32 to vector<16xf32>
        %parallel_loop3A_421 = arith.maximumf %parallel_loop3A_418, %parallel_loop3A_420 : vector<16xf32>
        %parallel_loop3A_422 = arith.constant 1.000000e-07 : f32
        %parallel_loop3A_423 = vector.broadcast %parallel_loop3A_422 : f32 to vector<16xf32>
        %parallel_loop3A_424 = arith.addf %parallel_loop3A_421, %parallel_loop3A_423 : vector<16xf32>
        %parallel_loop3A_425 = math.exp %parallel_loop3A_424 : vector<16xf32>
        %parallel_loop3A_426 = arith.constant 1 : i32
        %parallel_loop3A_427 = arith.index_cast %parallel_loop3A_426 : i32 to index
        %parallel_loop3A_428 = arith.index_cast %parallel_loop3A_403 : i32 to index
        %parallel_loop3A_429 = arith.constant 0 : index
        %parallel_loop3A_430 = tpu.vector_load %arg12[%parallel_loop3A_427, %parallel_loop3A_428, %parallel_loop3A_429] {strides = array<i32>} : memref<2x64x128xf32, #tpu.memory_space<vmem>>, vector<1x1x16xf32>,
        %parallel_loop3A_431 = vector.shape_cast %parallel_loop3A_430 : vector<1x1x16xf32> to vector<16xf32>
        %parallel_loop3A_432 = vector.shape_cast %parallel_loop3A_425 : vector<16xf32> to vector<1x1x16xf32>
        tpu.vector_store %arg12[%parallel_loop3A_427, %parallel_loop3A_428, %parallel_loop3A_429], %parallel_loop3A_432 {strides = array<i32>} : memref<2x64x128xf32, #tpu.memory_space<vmem>>, vector<1x1x16xf32>,
        %parallel_loop3A_433 = arith.mulf %parallel_loop3A_424, %parallel_loop3A_425 : vector<16xf32>
        %parallel_loop3A_434 = arith.constant 1 : i32
        %parallel_loop3A_435 = arith.index_cast %parallel_loop3A_434 : i32 to index
        %parallel_loop3A_436 = arith.index_cast %parallel_loop3A_403 : i32 to index
        %parallel_loop3A_437 = arith.constant 64 : index
        %parallel_loop3A_438 = tpu.vector_load %arg12[%parallel_loop3A_435, %parallel_loop3A_436, %parallel_loop3A_437] {strides = array<i32>} : memref<2x64x128xf32, #tpu.memory_space<vmem>>, vector<1x1x16xf32>,
        %parallel_loop3A_439 = vector.shape_cast %parallel_loop3A_438 : vector<1x1x16xf32> to vector<16xf32>
        %parallel_loop3A_440 = vector.shape_cast %parallel_loop3A_433 : vector<16xf32> to vector<1x1x16xf32>
        tpu.vector_store %arg12[%parallel_loop3A_435, %parallel_loop3A_436, %parallel_loop3A_437], %parallel_loop3A_440 {strides = array<i32>} : memref<2x64x128xf32, #tpu.memory_space<vmem>>, vector<1x1x16xf32>,
        %parallel_loop3A_441 = arith.constant 16 : i32
        %parallel_loop3A_442 = arith.addi %mul3A_2, %parallel_loop3A_441 : i32
        %parallel_loop3A_443 = arith.constant 1 : i32
        %parallel_loop3A_444 = arith.index_cast %parallel_loop3A_443 : i32 to index
        %parallel_loop3A_445 = arith.index_cast %parallel_loop3A_403 : i32 to index
        %parallel_loop3A_446 = arith.index_cast %parallel_loop3A_442 : i32 to index
        %parallel_loop3A_447 = tpu.vector_load %arg10[%parallel_loop3A_444, %parallel_loop3A_445, %parallel_loop3A_446] {strides = array<i32>} : memref<2x64x128xf32, #tpu.memory_space<vmem>>, vector<1x1x16xf32>,
        %parallel_loop3A_448 = vector.shape_cast %parallel_loop3A_447 : vector<1x1x16xf32> to vector<16xf32>
        %parallel_loop3A_449 = arith.constant 1 : i32
        %parallel_loop3A_450 = arith.index_cast %parallel_loop3A_449 : i32 to index
        %parallel_loop3A_451 = arith.index_cast %parallel_loop3A_403 : i32 to index
        %parallel_loop3A_452 = arith.constant 16 : index
        %parallel_loop3A_453 = tpu.vector_load %arg11[%parallel_loop3A_450, %parallel_loop3A_451, %parallel_loop3A_452] {strides = array<i32>} : memref<2x64x64xf32, #tpu.memory_space<vmem>>, vector<1x1x16xf32>,
        %parallel_loop3A_454 = vector.shape_cast %parallel_loop3A_453 : vector<1x1x16xf32> to vector<16xf32>
        %parallel_loop3A_455 = arith.addf %parallel_loop3A_448, %parallel_loop3A_454 : vector<16xf32>
        %parallel_loop3A_456 = arith.constant 0.000000e+00 : f32
        %parallel_loop3A_457 = vector.broadcast %parallel_loop3A_456 : f32 to vector<16xf32>
        %parallel_loop3A_458 = arith.maximumf %parallel_loop3A_455, %parallel_loop3A_457 : vector<16xf32>
        %parallel_loop3A_459 = arith.constant 1.000000e-07 : f32
        %parallel_loop3A_460 = vector.broadcast %parallel_loop3A_459 : f32 to vector<16xf32>
        %parallel_loop3A_461 = arith.addf %parallel_loop3A_458, %parallel_loop3A_460 : vector<16xf32>
        %parallel_loop3A_462 = math.exp %parallel_loop3A_461 : vector<16xf32>
        %parallel_loop3A_463 = arith.constant 1 : i32
        %parallel_loop3A_464 = arith.index_cast %parallel_loop3A_463 : i32 to index
        %parallel_loop3A_465 = arith.index_cast %parallel_loop3A_403 : i32 to index
        %parallel_loop3A_466 = arith.constant 16 : index
        %parallel_loop3A_467 = tpu.vector_load %arg12[%parallel_loop3A_464, %parallel_loop3A_465, %parallel_loop3A_466] {strides = array<i32>} : memref<2x64x128xf32, #tpu.memory_space<vmem>>, vector<1x1x16xf32>,
        %parallel_loop3A_468 = vector.shape_cast %parallel_loop3A_467 : vector<1x1x16xf32> to vector<16xf32>
        %parallel_loop3A_469 = vector.shape_cast %parallel_loop3A_462 : vector<16xf32> to vector<1x1x16xf32>
        tpu.vector_store %arg12[%parallel_loop3A_464, %parallel_loop3A_465, %parallel_loop3A_466], %parallel_loop3A_469 {strides = array<i32>} : memref<2x64x128xf32, #tpu.memory_space<vmem>>, vector<1x1x16xf32>,
        %parallel_loop3A_470 = arith.mulf %parallel_loop3A_461, %parallel_loop3A_462 : vector<16xf32>
        %parallel_loop3A_471 = arith.constant 1 : i32
        %parallel_loop3A_472 = arith.index_cast %parallel_loop3A_471 : i32 to index
        %parallel_loop3A_473 = arith.index_cast %parallel_loop3A_403 : i32 to index
        %parallel_loop3A_474 = arith.constant 80 : index
        %parallel_loop3A_475 = tpu.vector_load %arg12[%parallel_loop3A_472, %parallel_loop3A_473, %parallel_loop3A_474] {strides = array<i32>} : memref<2x64x128xf32, #tpu.memory_space<vmem>>, vector<1x1x16xf32>,
        %parallel_loop3A_476 = vector.shape_cast %parallel_loop3A_475 : vector<1x1x16xf32> to vector<16xf32>
        %parallel_loop3A_477 = vector.shape_cast %parallel_loop3A_470 : vector<16xf32> to vector<1x1x16xf32>
        tpu.vector_store %arg12[%parallel_loop3A_472, %parallel_loop3A_473, %parallel_loop3A_474], %parallel_loop3A_477 {strides = array<i32>} : memref<2x64x128xf32, #tpu.memory_space<vmem>>, vector<1x1x16xf32>,
        %parallel_loop3A_478 = arith.constant 32 : i32
        %parallel_loop3A_479 = arith.addi %mul3A_2, %parallel_loop3A_478 : i32
        %parallel_loop3A_480 = arith.constant 1 : i32
        %parallel_loop3A_481 = arith.index_cast %parallel_loop3A_480 : i32 to index
        %parallel_loop3A_482 = arith.index_cast %parallel_loop3A_403 : i32 to index
        %parallel_loop3A_483 = arith.index_cast %parallel_loop3A_479 : i32 to index
        %parallel_loop3A_484 = tpu.vector_load %arg10[%parallel_loop3A_481, %parallel_loop3A_482, %parallel_loop3A_483] {strides = array<i32>} : memref<2x64x128xf32, #tpu.memory_space<vmem>>, vector<1x1x16xf32>,
        %parallel_loop3A_485 = vector.shape_cast %parallel_loop3A_484 : vector<1x1x16xf32> to vector<16xf32>
        %parallel_loop3A_486 = arith.constant 1 : i32
        %parallel_loop3A_487 = arith.index_cast %parallel_loop3A_486 : i32 to index
        %parallel_loop3A_488 = arith.index_cast %parallel_loop3A_403 : i32 to index
        %parallel_loop3A_489 = arith.constant 32 : index
        %parallel_loop3A_490 = tpu.vector_load %arg11[%parallel_loop3A_487, %parallel_loop3A_488, %parallel_loop3A_489] {strides = array<i32>} : memref<2x64x64xf32, #tpu.memory_space<vmem>>, vector<1x1x16xf32>,
        %parallel_loop3A_491 = vector.shape_cast %parallel_loop3A_490 : vector<1x1x16xf32> to vector<16xf32>
        %parallel_loop3A_492 = arith.addf %parallel_loop3A_485, %parallel_loop3A_491 : vector<16xf32>
        %parallel_loop3A_493 = arith.constant 0.000000e+00 : f32
        %parallel_loop3A_494 = vector.broadcast %parallel_loop3A_493 : f32 to vector<16xf32>
        %parallel_loop3A_495 = arith.maximumf %parallel_loop3A_492, %parallel_loop3A_494 : vector<16xf32>
        %parallel_loop3A_496 = arith.constant 1.000000e-07 : f32
        %parallel_loop3A_497 = vector.broadcast %parallel_loop3A_496 : f32 to vector<16xf32>
        %parallel_loop3A_498 = arith.addf %parallel_loop3A_495, %parallel_loop3A_497 : vector<16xf32>
        %parallel_loop3A_499 = math.exp %parallel_loop3A_498 : vector<16xf32>
        %parallel_loop3A_500 = arith.constant 1 : i32
        %parallel_loop3A_501 = arith.index_cast %parallel_loop3A_500 : i32 to index
        %parallel_loop3A_502 = arith.index_cast %parallel_loop3A_403 : i32 to index
        %parallel_loop3A_503 = arith.constant 32 : index
        %parallel_loop3A_504 = tpu.vector_load %arg12[%parallel_loop3A_501, %parallel_loop3A_502, %parallel_loop3A_503] {strides = array<i32>} : memref<2x64x128xf32, #tpu.memory_space<vmem>>, vector<1x1x16xf32>,
        %parallel_loop3A_505 = vector.shape_cast %parallel_loop3A_504 : vector<1x1x16xf32> to vector<16xf32>
        %parallel_loop3A_506 = vector.shape_cast %parallel_loop3A_499 : vector<16xf32> to vector<1x1x16xf32>
        tpu.vector_store %arg12[%parallel_loop3A_501, %parallel_loop3A_502, %parallel_loop3A_503], %parallel_loop3A_506 {strides = array<i32>} : memref<2x64x128xf32, #tpu.memory_space<vmem>>, vector<1x1x16xf32>,
        %parallel_loop3A_507 = arith.mulf %parallel_loop3A_498, %parallel_loop3A_499 : vector<16xf32>
        %parallel_loop3A_508 = arith.constant 1 : i32
        %parallel_loop3A_509 = arith.index_cast %parallel_loop3A_508 : i32 to index
        %parallel_loop3A_510 = arith.index_cast %parallel_loop3A_403 : i32 to index
        %parallel_loop3A_511 = arith.constant 96 : index
        %parallel_loop3A_512 = tpu.vector_load %arg12[%parallel_loop3A_509, %parallel_loop3A_510, %parallel_loop3A_511] {strides = array<i32>} : memref<2x64x128xf32, #tpu.memory_space<vmem>>, vector<1x1x16xf32>,
        %parallel_loop3A_513 = vector.shape_cast %parallel_loop3A_512 : vector<1x1x16xf32> to vector<16xf32>
        %parallel_loop3A_514 = vector.shape_cast %parallel_loop3A_507 : vector<16xf32> to vector<1x1x16xf32>
        tpu.vector_store %arg12[%parallel_loop3A_509, %parallel_loop3A_510, %parallel_loop3A_511], %parallel_loop3A_514 {strides = array<i32>} : memref<2x64x128xf32, #tpu.memory_space<vmem>>, vector<1x1x16xf32>,
        %parallel_loop3A_515 = arith.constant 48 : i32
        %parallel_loop3A_516 = arith.addi %mul3A_2, %parallel_loop3A_515 : i32
        %parallel_loop3A_517 = arith.constant 1 : i32
        %parallel_loop3A_518 = arith.index_cast %parallel_loop3A_517 : i32 to index
        %parallel_loop3A_519 = arith.index_cast %parallel_loop3A_403 : i32 to index
        %parallel_loop3A_520 = arith.index_cast %parallel_loop3A_516 : i32 to index
        %parallel_loop3A_521 = tpu.vector_load %arg10[%parallel_loop3A_518, %parallel_loop3A_519, %parallel_loop3A_520] {strides = array<i32>} : memref<2x64x128xf32, #tpu.memory_space<vmem>>, vector<1x1x16xf32>,
        %parallel_loop3A_522 = vector.shape_cast %parallel_loop3A_521 : vector<1x1x16xf32> to vector<16xf32>
        %parallel_loop3A_523 = arith.constant 1 : i32
        %parallel_loop3A_524 = arith.index_cast %parallel_loop3A_523 : i32 to index
        %parallel_loop3A_525 = arith.index_cast %parallel_loop3A_403 : i32 to index
        %parallel_loop3A_526 = arith.constant 48 : index
        %parallel_loop3A_527 = tpu.vector_load %arg11[%parallel_loop3A_524, %parallel_loop3A_525, %parallel_loop3A_526] {strides = array<i32>} : memref<2x64x64xf32, #tpu.memory_space<vmem>>, vector<1x1x16xf32>,
        %parallel_loop3A_528 = vector.shape_cast %parallel_loop3A_527 : vector<1x1x16xf32> to vector<16xf32>
        %parallel_loop3A_529 = arith.addf %parallel_loop3A_522, %parallel_loop3A_528 : vector<16xf32>
        %parallel_loop3A_530 = arith.constant 0.000000e+00 : f32
        %parallel_loop3A_531 = vector.broadcast %parallel_loop3A_530 : f32 to vector<16xf32>
        %parallel_loop3A_532 = arith.maximumf %parallel_loop3A_529, %parallel_loop3A_531 : vector<16xf32>
        %parallel_loop3A_533 = arith.constant 1.000000e-07 : f32
        %parallel_loop3A_534 = vector.broadcast %parallel_loop3A_533 : f32 to vector<16xf32>
        %parallel_loop3A_535 = arith.addf %parallel_loop3A_532, %parallel_loop3A_534 : vector<16xf32>
        %parallel_loop3A_536 = math.exp %parallel_loop3A_535 : vector<16xf32>
        %parallel_loop3A_537 = arith.constant 1 : i32
        %parallel_loop3A_538 = arith.index_cast %parallel_loop3A_537 : i32 to index
        %parallel_loop3A_539 = arith.index_cast %parallel_loop3A_403 : i32 to index
        %parallel_loop3A_540 = arith.constant 48 : index
        %parallel_loop3A_541 = tpu.vector_load %arg12[%parallel_loop3A_538, %parallel_loop3A_539, %parallel_loop3A_540] {strides = array<i32>} : memref<2x64x128xf32, #tpu.memory_space<vmem>>, vector<1x1x16xf32>,
        %parallel_loop3A_542 = vector.shape_cast %parallel_loop3A_541 : vector<1x1x16xf32> to vector<16xf32>
        %parallel_loop3A_543 = vector.shape_cast %parallel_loop3A_536 : vector<16xf32> to vector<1x1x16xf32>
        tpu.vector_store %arg12[%parallel_loop3A_538, %parallel_loop3A_539, %parallel_loop3A_540], %parallel_loop3A_543 {strides = array<i32>} : memref<2x64x128xf32, #tpu.memory_space<vmem>>, vector<1x1x16xf32>,
        %parallel_loop3A_544 = arith.mulf %parallel_loop3A_535, %parallel_loop3A_536 : vector<16xf32>
        %parallel_loop3A_545 = arith.constant 1 : i32
        %parallel_loop3A_546 = arith.index_cast %parallel_loop3A_545 : i32 to index
        %parallel_loop3A_547 = arith.index_cast %parallel_loop3A_403 : i32 to index
        %parallel_loop3A_548 = arith.constant 112 : index
        %parallel_loop3A_549 = tpu.vector_load %arg12[%parallel_loop3A_546, %parallel_loop3A_547, %parallel_loop3A_548] {strides = array<i32>} : memref<2x64x128xf32, #tpu.memory_space<vmem>>, vector<1x1x16xf32>,
        %parallel_loop3A_550 = vector.shape_cast %parallel_loop3A_549 : vector<1x1x16xf32> to vector<16xf32>
        %parallel_loop3A_551 = vector.shape_cast %parallel_loop3A_544 : vector<16xf32> to vector<1x1x16xf32>
        tpu.vector_store %arg12[%parallel_loop3A_546, %parallel_loop3A_547, %parallel_loop3A_548], %parallel_loop3A_551 {strides = array<i32>} : memref<2x64x128xf32, #tpu.memory_space<vmem>>, vector<1x1x16xf32>,
      } {sc.loop_unroll_factor = 8 : i64, sc.parallel_access}
      %dma_start3A_391 = arith.constant 1 : i32
      %dma_start3A_392 = arith.constant 1 : i32
      %dma_start3A_393 = arith.constant 0 : i32
      %dma_start3A_394 = arith.constant 0 : i32
      %dma_start3A_395 = tpu.memref_slice %arg12[%dma_start3A_391, %dma_start3A_393, %dma_start3A_394] : memref<2x64x128xf32, #tpu.memory_space<vmem>> -> memref<1x64x128xf32, #tpu.memory_space<vmem>>
      %dma_start3A_396 = tpu.memref_squeeze %dma_start3A_395 : memref<1x64x128xf32, #tpu.memory_space<vmem>> -> memref<64x128xf32, #tpu.memory_space<vmem>>
      %dma_start3A_397 = arith.constant 0 : i32
      %dma_start3A_398 = tpu.memref_slice %arg9[%dma_start3A_392, %dma_start3A_397] : memref<2x64xi32, #tpu.memory_space<vmem>> -> memref<1x64xi32, #tpu.memory_space<vmem>>
      %dma_start3A_399 = tpu.memref_squeeze %dma_start3A_398 : memref<1x64xi32, #tpu.memory_space<vmem>> -> memref<64xi32, #tpu.memory_space<vmem>>
      %dma_start3A_400 = arith.constant 0 : i32
      %dma_start3A_401 = arith.constant 0 : i32
      %dma_start3A_402 = tpu.memref_slice %arg13[%dma_start3A_400, %dma_start3A_401] : memref<10112x128xf32, #tpu.memory_space<vmem_shared>> -> memref<10112x128xf32, #tpu.memory_space<vmem_shared>>
      tpu.enqueue_indirect_dma source(%dma_start3A_396 : memref<64x128xf32, #tpu.memory_space<vmem>>) target(%dma_start3A_402 : memref<10112x128xf32, #tpu.memory_space<vmem_shared>>) offsets(%dma_start3A_399 : memref<64xi32, #tpu.memory_space<vmem>>) semaphore(%arg19 : memref<!tpu.dma_semaphore, #tpu.memory_space<semaphore_mem>>) {add = true}
    }
    %scan3A_150 = arith.constant 157 : i32
    %dma_wait3A_151 = arith.constant 0 : i32
    %dma_wait3A_152 = arith.constant 0 : i32
    %dma_wait3A_153 = arith.constant 0 : i32
    %dma_wait3A_154 = arith.constant 0 : i32
    %dma_wait3A_155 = tpu.memref_slice %arg12[%dma_wait3A_151, %dma_wait3A_153, %dma_wait3A_154] : memref<2x64x128xf32, #tpu.memory_space<vmem>> -> memref<1x64x128xf32, #tpu.memory_space<vmem>>
    %dma_wait3A_156 = tpu.memref_squeeze %dma_wait3A_155 : memref<1x64x128xf32, #tpu.memory_space<vmem>> -> memref<64x128xf32, #tpu.memory_space<vmem>>
    %dma_wait3A_157 = arith.constant 0 : i32
    %dma_wait3A_158 = tpu.memref_slice %arg9[%dma_wait3A_152, %dma_wait3A_157] : memref<2x64xi32, #tpu.memory_space<vmem>> -> memref<1x64xi32, #tpu.memory_space<vmem>>
    %dma_wait3A_159 = tpu.memref_squeeze %dma_wait3A_158 : memref<1x64xi32, #tpu.memory_space<vmem>> -> memref<64xi32, #tpu.memory_space<vmem>>
    %dma_wait3A_160 = arith.constant 0 : i32
    %dma_wait3A_161 = arith.constant 0 : i32
    %dma_wait3A_162 = tpu.memref_slice %arg13[%dma_wait3A_160, %dma_wait3A_161] : memref<10112x128xf32, #tpu.memory_space<vmem_shared>> -> memref<10112x128xf32, #tpu.memory_space<vmem_shared>>
    tpu.wait_indirect_dma semaphore(%arg18 : memref<!tpu.dma_semaphore, #tpu.memory_space<semaphore_mem>>) src(%dma_wait3A_156 : memref<64x128xf32, #tpu.memory_space<vmem>>) dst(%dma_wait3A_162 : memref<10112x128xf32, #tpu.memory_space<vmem_shared>>)
    %dma_wait3A_163 = arith.constant 1 : i32
    %dma_wait3A_164 = arith.constant 1 : i32
    %dma_wait3A_165 = arith.constant 0 : i32
    %dma_wait3A_166 = arith.constant 0 : i32
    %dma_wait3A_167 = tpu.memref_slice %arg12[%dma_wait3A_163, %dma_wait3A_165, %dma_wait3A_166] : memref<2x64x128xf32, #tpu.memory_space<vmem>> -> memref<1x64x128xf32, #tpu.memory_space<vmem>>
    %dma_wait3A_168 = tpu.memref_squeeze %dma_wait3A_167 : memref<1x64x128xf32, #tpu.memory_space<vmem>> -> memref<64x128xf32, #tpu.memory_space<vmem>>
    %dma_wait3A_169 = arith.constant 0 : i32
    %dma_wait3A_170 = tpu.memref_slice %arg9[%dma_wait3A_164, %dma_wait3A_169] : memref<2x64xi32, #tpu.memory_space<vmem>> -> memref<1x64xi32, #tpu.memory_space<vmem>>
    %dma_wait3A_171 = tpu.memref_squeeze %dma_wait3A_170 : memref<1x64xi32, #tpu.memory_space<vmem>> -> memref<64xi32, #tpu.memory_space<vmem>>
    %dma_wait3A_172 = arith.constant 0 : i32
    %dma_wait3A_173 = arith.constant 0 : i32
    %dma_wait3A_174 = tpu.memref_slice %arg13[%dma_wait3A_172, %dma_wait3A_173] : memref<10112x128xf32, #tpu.memory_space<vmem_shared>> -> memref<10112x128xf32, #tpu.memory_space<vmem_shared>>
    tpu.wait_indirect_dma semaphore(%arg19 : memref<!tpu.dma_semaphore, #tpu.memory_space<semaphore_mem>>) src(%dma_wait3A_168 : memref<64x128xf32, #tpu.memory_space<vmem>>) dst(%dma_wait3A_174 : memref<10112x128xf32, #tpu.memory_space<vmem_shared>>)
    %barrier3A_175 = arith.constant 0 : index
    tpu.barrier barrier_id(%barrier3A_175)
    %mul3A_176 = arith.constant 632 : i32
    %mul3A_177 = arith.muli %arg1, %mul3A_176 : i32
    %mul3A_178 = arith.constant 10112 : i32
    %mul3A_179 = arith.muli %arg0, %mul3A_178 : i32
    %mul3A_180 = arith.constant 632 : i32
    %mul3A_181 = arith.muli %arg1, %mul3A_180 : i32
    %add3A_182 = arith.addi %mul3A_179, %mul3A_181 : i32
    "tpu.region"() ({
      %run_scoped3A_183 = tpu.sem_alloc : memref<!tpu.dma_semaphore, #tpu.memory_space<semaphore_mem>>
      %dma_start3A_184 = arith.constant 0 : i32
      %dma_start3A_185 = tpu.memref_slice %arg6[%add3A_182, %dma_start3A_184] : memref<20224x128xf32, #tpu.memory_space<hbm>> -> memref<632x128xf32, #tpu.memory_space<hbm>>
      %dma_start3A_186 = arith.constant 0 : i32
      %dma_start3A_187 = tpu.memref_slice %arg13[%mul3A_177, %dma_start3A_186] : memref<10112x128xf32, #tpu.memory_space<vmem_shared>> -> memref<632x128xf32, #tpu.memory_space<vmem_shared>>
      tpu.enqueue_dma source(%dma_start3A_187 : memref<632x128xf32, #tpu.memory_space<vmem_shared>>) target(%dma_start3A_185 : memref<632x128xf32, #tpu.memory_space<hbm>>) target_semaphore(%run_scoped3A_183 : memref<!tpu.dma_semaphore, #tpu.memory_space<semaphore_mem>>)
      %dma_wait3A_188 = arith.constant 0 : i32
      %dma_wait3A_189 = tpu.memref_slice %arg6[%add3A_182, %dma_wait3A_188] : memref<20224x128xf32, #tpu.memory_space<hbm>> -> memref<632x128xf32, #tpu.memory_space<hbm>>
      %dma_wait3A_190 = arith.constant 0 : i32
      %dma_wait3A_191 = tpu.memref_slice %arg13[%mul3A_177, %dma_wait3A_190] : memref<10112x128xf32, #tpu.memory_space<vmem_shared>> -> memref<632x128xf32, #tpu.memory_space<vmem_shared>>
      tpu.wait_dma2 semaphore(%run_scoped3A_183 : memref<!tpu.dma_semaphore, #tpu.memory_space<semaphore_mem>>) src(%dma_wait3A_191 : memref<632x128xf32, #tpu.memory_space<vmem_shared>>) dst(%dma_wait3A_189 : memref<632x128xf32, #tpu.memory_space<hbm>>)
      tpu.yield
    }) : () -> ()
    return
  }
}

module attributes {stable_mosaic.version = 14 : i64} {
  func.func @_edge_enc_body(%arg0: i32, %arg1: memref<2048x16xf32, #tpu.memory_space<vmem>>, %arg2: memref<16x128xf32, #tpu.memory_space<vmem>>, %arg3: memref<1x128xf32, #tpu.memory_space<vmem>>, %arg4: memref<2x2048x64xf32, #tpu.memory_space<vmem>>) attributes {dimension_semantics = [#tpu.dimension_semantics<arbitrary>], iteration_bounds = array<i64: 157>, scalar_prefetch = 0 : i64, scratch_operands = 0 : i64, tpu.core_type = #tpu.core_type<tc>, window_params = [{transform_indices = @transform_0, window_bounds = array<i64: 2048, 16>}, {pipeline_mode = #tpu.pipeline_mode<synchronous>, transform_indices = @transform_1, window_bounds = array<i64: 16, 128>}, {pipeline_mode = #tpu.pipeline_mode<synchronous>, transform_indices = @transform_2, window_bounds = array<i64: 1, 128>}, {transform_indices = @transform_3, window_bounds = array<i64: 2, 2048, 64>}]} {
    %get3A = arith.constant 0 : index
    %get3A_0 = arith.constant 0 : index
    %get3A_1 = vector.load %arg1[%get3A, %get3A_0] : memref<2048x16xf32, #tpu.memory_space<vmem>>, vector<2048x16xf32>
    %get3A_2 = arith.constant 0 : index
    %get3A_3 = arith.constant 0 : index
    %get3A_4 = vector.load %arg2[%get3A_2, %get3A_3] : memref<16x128xf32, #tpu.memory_space<vmem>>, vector<16x128xf32>
    %dot_general3A = arith.constant dense<0.000000e+00> : vector<2048x128xf32>
    %dot_general3A_5 = tpu.matmul %get3A_1, %get3A_4, %dot_general3A {dimension_numbers = #tpu.dot_dimension_numbers<[1], [0], [0], [1], [0, 0, 1, 1], [], []>, transpose_lhs_hint = false} : vector<2048x16xf32>, vector<16x128xf32>, vector<2048x128xf32> -> vector<2048x128xf32>
    %get3A_6 = arith.constant 0 : index
    %get3A_7 = arith.constant 0 : index
    %get3A_8 = vector.load %arg3[%get3A_6, %get3A_7] : memref<1x128xf32, #tpu.memory_space<vmem>>, vector<1x128xf32>
    %add3A = vector.broadcast %get3A_8 : vector<1x128xf32> to vector<2048x128xf32>
    %add3A_9 = arith.addf %dot_general3A_5, %add3A : vector<2048x128xf32>
    %slice3A = vector.extract_strided_slice %add3A_9 {offsets = [0, 0], sizes = [2048, 64], strides = [1, 1]} : vector<2048x128xf32> to vector<2048x64xf32>
    %swap3A = arith.constant 0 : index
    %swap3A_10 = arith.constant 0 : index
    %swap3A_11 = arith.constant 0 : index
    %swap3A_12 = vector.load %arg4[%swap3A, %swap3A_10, %swap3A_11] : memref<2x2048x64xf32, #tpu.memory_space<vmem>>, vector<1x2048x64xf32>
    %swap3A_13 = vector.shape_cast %swap3A_12 : vector<1x2048x64xf32> to vector<2048x64xf32>
    %swap3A_14 = vector.shape_cast %slice3A : vector<2048x64xf32> to vector<1x2048x64xf32>
    tpu.vector_store %arg4[%swap3A, %swap3A_10, %swap3A_11], %swap3A_14 {strides = array<i32>} : memref<2x2048x64xf32, #tpu.memory_space<vmem>>, vector<1x2048x64xf32>,
    %slice3A_15 = vector.extract_strided_slice %add3A_9 {offsets = [0, 64], sizes = [2048, 64], strides = [1, 1]} : vector<2048x128xf32> to vector<2048x64xf32>
    %swap3A_16 = arith.constant 1 : index
    %swap3A_17 = arith.constant 0 : index
    %swap3A_18 = arith.constant 0 : index
    %swap3A_19 = vector.load %arg4[%swap3A_16, %swap3A_17, %swap3A_18] : memref<2x2048x64xf32, #tpu.memory_space<vmem>>, vector<1x2048x64xf32>
    %swap3A_20 = vector.shape_cast %swap3A_19 : vector<1x2048x64xf32> to vector<2048x64xf32>
    %swap3A_21 = vector.shape_cast %slice3A_15 : vector<2048x64xf32> to vector<1x2048x64xf32>
    tpu.vector_store %arg4[%swap3A_16, %swap3A_17, %swap3A_18], %swap3A_21 {strides = array<i32>} : memref<2x2048x64xf32, #tpu.memory_space<vmem>>, vector<1x2048x64xf32>,
    return
  }
  func.func @transform_0(%arg0: i32) -> (i32, i32) {
    %c0_i32 = arith.constant 0 : i32
    %c0_i32_0 = arith.constant 0 : i32
    return %arg0, %c0_i32 : i32, i32
  }
  func.func @transform_1(%arg0: i32) -> (i32, i32) {
    %c0_i32 = arith.constant 0 : i32
    %c0_i32_0 = arith.constant 0 : i32
    %c0_i32_1 = arith.constant 0 : i32
    return %c0_i32, %c0_i32_0 : i32, i32
  }
  func.func @transform_2(%arg0: i32) -> (i32, i32) {
    %c0_i32 = arith.constant 0 : i32
    %c0_i32_0 = arith.constant 0 : i32
    %c0_i32_1 = arith.constant 0 : i32
    return %c0_i32, %c0_i32_0 : i32, i32
  }
  func.func @transform_3(%arg0: i32) -> (i32, i32, i32) {
    %c0_i32 = arith.constant 0 : i32
    %c0_i32_0 = arith.constant 0 : i32
    %c0_i32_1 = arith.constant 0 : i32
    return %c0_i32, %arg0, %c0_i32_0 : i32, i32, i32
  }
}

module attributes {stable_mosaic.version = 14 : i64} {
  func.func @_node_mlp_body(%arg0: i32, %arg1: memref<2x1000x128xf32, #tpu.memory_space<vmem>>, %arg2: memref<2x1000x64xf32, #tpu.memory_space<vmem>>, %arg3: memref<128x256xf32, #tpu.memory_space<vmem>>, %arg4: memref<1x256xf32, #tpu.memory_space<vmem>>, %arg5: memref<1x256xf32, #tpu.memory_space<vmem>>, %arg6: memref<1x256xf32, #tpu.memory_space<vmem>>, %arg7: memref<256x128xf32, #tpu.memory_space<vmem>>, %arg8: memref<1x128xf32, #tpu.memory_space<vmem>>, %arg9: memref<1000x128xf32, #tpu.memory_space<vmem>>) attributes {dimension_semantics = [#tpu.dimension_semantics<arbitrary>], iteration_bounds = array<i64: 10>, scalar_prefetch = 0 : i64, scratch_operands = 0 : i64, tpu.core_type = #tpu.core_type<tc>, window_params = [{transform_indices = @transform_0, window_bounds = array<i64: 2, 1000, 128>}, {transform_indices = @transform_1, window_bounds = array<i64: 2, 1000, 64>}, {pipeline_mode = #tpu.pipeline_mode<synchronous>, transform_indices = @transform_2, window_bounds = array<i64: 128, 256>}, {pipeline_mode = #tpu.pipeline_mode<synchronous>, transform_indices = @transform_3, window_bounds = array<i64: 1, 256>}, {pipeline_mode = #tpu.pipeline_mode<synchronous>, transform_indices = @transform_4, window_bounds = array<i64: 1, 256>}, {pipeline_mode = #tpu.pipeline_mode<synchronous>, transform_indices = @transform_5, window_bounds = array<i64: 1, 256>}, {pipeline_mode = #tpu.pipeline_mode<synchronous>, transform_indices = @transform_6, window_bounds = array<i64: 256, 128>}, {pipeline_mode = #tpu.pipeline_mode<synchronous>, transform_indices = @transform_7, window_bounds = array<i64: 1, 128>}, {transform_indices = @transform_8, window_bounds = array<i64: 1000, 128>}]} {
    %get3A = arith.constant 0 : index
    %get3A_0 = arith.constant 0 : index
    %get3A_1 = arith.constant 0 : index
    %get3A_2 = vector.load %arg1[%get3A, %get3A_0, %get3A_1] : memref<2x1000x128xf32, #tpu.memory_space<vmem>>, vector<1x1000x128xf32>
    %get3A_3 = vector.shape_cast %get3A_2 : vector<1x1000x128xf32> to vector<1000x128xf32>
    %get3A_4 = arith.constant 1 : index
    %get3A_5 = arith.constant 0 : index
    %get3A_6 = arith.constant 0 : index
    %get3A_7 = vector.load %arg1[%get3A_4, %get3A_5, %get3A_6] : memref<2x1000x128xf32, #tpu.memory_space<vmem>>, vector<1x1000x128xf32>
    %get3A_8 = vector.shape_cast %get3A_7 : vector<1x1000x128xf32> to vector<1000x128xf32>
    %slice3A = vector.extract_strided_slice %get3A_3 {offsets = [0, 64], sizes = [1000, 64], strides = [1, 1]} : vector<1000x128xf32> to vector<1000x64xf32>
    %slice3A_9 = vector.extract_strided_slice %get3A_3 {offsets = [0, 0], sizes = [1000, 64], strides = [1, 1]} : vector<1000x128xf32> to vector<1000x64xf32>
    %add3A = arith.constant 1.000000e-16 : f32
    %add3A_10 = vector.broadcast %add3A : f32 to vector<1000x64xf32>
    %add3A_11 = arith.addf %slice3A_9, %add3A_10 : vector<1000x64xf32>
    %div3A = arith.divf %slice3A, %add3A_11 : vector<1000x64xf32>
    %slice3A_12 = vector.extract_strided_slice %get3A_8 {offsets = [0, 64], sizes = [1000, 64], strides = [1, 1]} : vector<1000x128xf32> to vector<1000x64xf32>
    %slice3A_13 = vector.extract_strided_slice %get3A_8 {offsets = [0, 0], sizes = [1000, 64], strides = [1, 1]} : vector<1000x128xf32> to vector<1000x64xf32>
    %add3A_14 = arith.constant 1.000000e-16 : f32
    %add3A_15 = vector.broadcast %add3A_14 : f32 to vector<1000x64xf32>
    %add3A_16 = arith.addf %slice3A_13, %add3A_15 : vector<1000x64xf32>
    %div3A_17 = arith.divf %slice3A_12, %add3A_16 : vector<1000x64xf32>
    %get3A_18 = arith.constant 0 : index
    %get3A_19 = arith.constant 0 : index
    %get3A_20 = arith.constant 0 : index
    %get3A_21 = vector.load %arg2[%get3A_18, %get3A_19, %get3A_20] : memref<2x1000x64xf32, #tpu.memory_space<vmem>>, vector<1x1000x64xf32>
    %get3A_22 = vector.shape_cast %get3A_21 : vector<1x1000x64xf32> to vector<1000x64xf32>
    %add3A_23 = arith.addf %get3A_22, %div3A : vector<1000x64xf32>
    %get3A_24 = arith.constant 1 : index
    %get3A_25 = arith.constant 0 : index
    %get3A_26 = arith.constant 0 : index
    %get3A_27 = vector.load %arg2[%get3A_24, %get3A_25, %get3A_26] : memref<2x1000x64xf32, #tpu.memory_space<vmem>>, vector<1x1000x64xf32>
    %get3A_28 = vector.shape_cast %get3A_27 : vector<1x1000x64xf32> to vector<1000x64xf32>
    %add3A_29 = arith.addf %get3A_28, %div3A_17 : vector<1000x64xf32>
    %get3A_30 = arith.constant 0 : index
    %get3A_31 = arith.constant 0 : index
    %get3A_32 = vector.load %arg3[%get3A_30, %get3A_31] : memref<128x256xf32, #tpu.memory_space<vmem>>, vector<64x256xf32>
    %dot_general3A = arith.constant dense<0.000000e+00> : vector<1000x256xf32>
    %dot_general3A_33 = tpu.matmul %add3A_23, %get3A_32, %dot_general3A {dimension_numbers = #tpu.dot_dimension_numbers<[1], [0], [0], [1], [0, 0, 1, 1], [], []>, transpose_lhs_hint = false} : vector<1000x64xf32>, vector<64x256xf32>, vector<1000x256xf32> -> vector<1000x256xf32>
    %get3A_34 = arith.constant 64 : index
    %get3A_35 = arith.constant 0 : index
    %get3A_36 = vector.load %arg3[%get3A_34, %get3A_35] : memref<128x256xf32, #tpu.memory_space<vmem>>, vector<64x256xf32>
    %dot_general3A_37 = arith.constant dense<0.000000e+00> : vector<1000x256xf32>
    %dot_general3A_38 = tpu.matmul %add3A_29, %get3A_36, %dot_general3A_37 {dimension_numbers = #tpu.dot_dimension_numbers<[1], [0], [0], [1], [0, 0, 1, 1], [], []>, transpose_lhs_hint = false} : vector<1000x64xf32>, vector<64x256xf32>, vector<1000x256xf32> -> vector<1000x256xf32>
    %add3A_39 = arith.addf %dot_general3A_33, %dot_general3A_38 : vector<1000x256xf32>
    %get3A_40 = arith.constant 0 : index
    %get3A_41 = arith.constant 0 : index
    %get3A_42 = vector.load %arg4[%get3A_40, %get3A_41] : memref<1x256xf32, #tpu.memory_space<vmem>>, vector<1x256xf32>
    %add3A_43 = vector.broadcast %get3A_42 : vector<1x256xf32> to vector<1000x256xf32>
    %add3A_44 = arith.addf %add3A_39, %add3A_43 : vector<1000x256xf32>
    %get3A_45 = arith.constant 0 : index
    %get3A_46 = arith.constant 0 : index
    %get3A_47 = vector.load %arg5[%get3A_45, %get3A_46] : memref<1x256xf32, #tpu.memory_space<vmem>>, vector<1x256xf32>
    %mul3A = vector.broadcast %get3A_47 : vector<1x256xf32> to vector<1000x256xf32>
    %mul3A_48 = arith.mulf %mul3A, %add3A_44 : vector<1000x256xf32>
    %get3A_49 = arith.constant 0 : index
    %get3A_50 = arith.constant 0 : index
    %get3A_51 = vector.load %arg6[%get3A_49, %get3A_50] : memref<1x256xf32, #tpu.memory_space<vmem>>, vector<1x256xf32>
    %add3A_52 = vector.broadcast %get3A_51 : vector<1x256xf32> to vector<1000x256xf32>
    %add3A_53 = arith.addf %mul3A_48, %add3A_52 : vector<1000x256xf32>
    %max3A = arith.constant 0.000000e+00 : f32
    %max3A_54 = vector.broadcast %max3A : f32 to vector<1000x256xf32>
    %max3A_55 = arith.maximumf %add3A_53, %max3A_54 : vector<1000x256xf32>
    %get3A_56 = arith.constant 0 : index
    %get3A_57 = arith.constant 0 : index
    %get3A_58 = vector.load %arg7[%get3A_56, %get3A_57] : memref<256x128xf32, #tpu.memory_space<vmem>>, vector<256x128xf32>
    %dot_general3A_59 = arith.constant dense<0.000000e+00> : vector<1000x128xf32>
    %dot_general3A_60 = tpu.matmul %max3A_55, %get3A_58, %dot_general3A_59 {dimension_numbers = #tpu.dot_dimension_numbers<[1], [0], [0], [1], [0, 0, 1, 1], [], []>, transpose_lhs_hint = false} : vector<1000x256xf32>, vector<256x128xf32>, vector<1000x128xf32> -> vector<1000x128xf32>
    %get3A_61 = arith.constant 0 : index
    %get3A_62 = arith.constant 0 : index
    %get3A_63 = vector.load %arg8[%get3A_61, %get3A_62] : memref<1x128xf32, #tpu.memory_space<vmem>>, vector<1x128xf32>
    %add3A_64 = vector.broadcast %get3A_63 : vector<1x128xf32> to vector<1000x128xf32>
    %add3A_65 = arith.addf %dot_general3A_60, %add3A_64 : vector<1000x128xf32>
    %swap3A = arith.constant 0 : index
    %swap3A_66 = arith.constant 0 : index
    %swap3A_67 = vector.load %arg9[%swap3A, %swap3A_66] : memref<1000x128xf32, #tpu.memory_space<vmem>>, vector<1000x128xf32>
    tpu.vector_store %arg9[%swap3A, %swap3A_66], %add3A_65 {strides = array<i32>} : memref<1000x128xf32, #tpu.memory_space<vmem>>, vector<1000x128xf32>,
    return
  }
  func.func @transform_0(%arg0: i32) -> (i32, i32, i32) {
    %c0_i32 = arith.constant 0 : i32
    %c0_i32_0 = arith.constant 0 : i32
    %c0_i32_1 = arith.constant 0 : i32
    return %c0_i32, %arg0, %c0_i32_0 : i32, i32, i32
  }
  func.func @transform_1(%arg0: i32) -> (i32, i32, i32) {
    %c0_i32 = arith.constant 0 : i32
    %c0_i32_0 = arith.constant 0 : i32
    %c0_i32_1 = arith.constant 0 : i32
    return %c0_i32, %arg0, %c0_i32_0 : i32, i32, i32
  }
  func.func @transform_2(%arg0: i32) -> (i32, i32) {
    %c0_i32 = arith.constant 0 : i32
    %c0_i32_0 = arith.constant 0 : i32
    %c0_i32_1 = arith.constant 0 : i32
    return %c0_i32, %c0_i32_0 : i32, i32
  }
  func.func @transform_3(%arg0: i32) -> (i32, i32) {
    %c0_i32 = arith.constant 0 : i32
    %c0_i32_0 = arith.constant 0 : i32
    %c0_i32_1 = arith.constant 0 : i32
    return %c0_i32, %c0_i32_0 : i32, i32
  }
  func.func @transform_4(%arg0: i32) -> (i32, i32) {
    %c0_i32 = arith.constant 0 : i32
    %c0_i32_0 = arith.constant 0 : i32
    %c0_i32_1 = arith.constant 0 : i32
    return %c0_i32, %c0_i32_0 : i32, i32
  }
  func.func @transform_5(%arg0: i32) -> (i32, i32) {
    %c0_i32 = arith.constant 0 : i32
    %c0_i32_0 = arith.constant 0 : i32
    %c0_i32_1 = arith.constant 0 : i32
    return %c0_i32, %c0_i32_0 : i32, i32
  }
  func.func @transform_6(%arg0: i32) -> (i32, i32) {
    %c0_i32 = arith.constant 0 : i32
    %c0_i32_0 = arith.constant 0 : i32
    %c0_i32_1 = arith.constant 0 : i32
    return %c0_i32, %c0_i32_0 : i32, i32
  }
  func.func @transform_7(%arg0: i32) -> (i32, i32) {
    %c0_i32 = arith.constant 0 : i32
    %c0_i32_0 = arith.constant 0 : i32
    %c0_i32_1 = arith.constant 0 : i32
    return %c0_i32, %c0_i32_0 : i32, i32
  }
  func.func @transform_8(%arg0: i32) -> (i32, i32) {
    %c0_i32 = arith.constant 0 : i32
    %c0_i32_0 = arith.constant 0 : i32
    return %arg0, %c0_i32 : i32, i32
  }
}

</mosaic_0001>

<sc_bundles>
// kernel: kernel.5.cloned.1.call-start
scs
__scs_entry_jumppad:
0x0: {  	(pc) =	sbr.rel $0x88, $3  }
0x1: {  	(tag) =	ssettag $0x0;
	lr =	simm.s32 $0x1  }
0x2: {  	[smem:$0x3F96] =	sst lr;
	_ =	strace $0xD0000000  }
0x3: {  	_ = 	snop  }
0x4: {  	_ = 	snop  }
0x5: {  	_ = 	snop  }
0x6: {  	_ = 	snop  }
0x7: {  	_ = 	snop  }
__scs_overlays_trampoline_lowered:
0x8: {  	[smem:$0x3FA5] =	sst s0  }
0x9: {  	[smem:$0x3FA6] =	sst s1  }
0xa: {  	[smem:$0x3FA7] =	sst s2  }
0xb: {  	[smem:$0x3FA8] =	sst s3  }
0xc: {  	[smem:$0x3FA9] =	sst s4  }
0xd: {  	[smem:$0x3FAA] =	sst s5  }
0xe: {  	[smem:$0x3FAB] =	sst s6  }
0xf: {  	[smem:$0x3FAC] =	sst s7  }
0x10: {  	[smem:$0x3FAD] =	sst s8  }
0x11: {  	[smem:$0x3FAE] =	sst s9;
	s0 =	simm.s32 @!p0 $0x0  }
0x12: {  	s1 =	sld [smem:$0x3F94];
	s0 =	simm.s32 @p0 $0x1  }
0x13: {  	[smem:$0x3FAF] =	sst s0;
	s0 =	simm.s32 @!p1 $0x0  }
0x14: {  	s2 =	sld [smem:$0x3F93];
	s0 =	simm.s32 @p1 $0x1  }
0x15: {  	[smem:$0x3FB0] =	sst s0;
	s0 =	simm.s32 @!p2 $0x0  }
0x16: {  	s3 =	sld [smem:$0x3FDB];
	s0 =	simm.s32 @p2 $0x1  }
0x17: {  	s4 =	simm.s32 $0x1BF5;
	[smem:$0x3FB2] =	sst s0  }
0x18: {  	s0 =	sld [smem:$0x3F95];
	_ =	swait.ge [sflag:s4], $0x0  }
0x19: {  	s7 =	sld [smem:$0x3F96]  }
0x1a: {  	s8 =	sadd.s32 $0xFFFFE003, lr  }
0x1b: {  	s9 =	sadd.s32 $0xFFFFFEF7, lr;
	s5 =	simm.s32 $0xFFFFFFFF;
	p2 =	slt.u32 s8, $0xFFFFF086  }
0x1c: {  	p1 =	slt.u32 s9, $0xF7A;
	s5 =	simm.s32 @!p2 $0x0  }
0x1d: {  	s5 =	simm.s32 @p1 $0x1;
	p0 =	seq.s32 s7, s2  }
0x1e: {  	s7 =	smul.u32 @!p0 $0xF7A, s2;
	p2 =	seq.s32 @!p0 s5, $0x0  }
0x1f: {  	s9 =	smul.u32 $0xF7A, s1;
	s8 =	simm.s32 @!p0 $0x1BF5;
	p2 =	por !p2, p0  }
0x20: {  	[sflag:s8] =	ssyncset.s32 @!p0 $0xFFFFF086;
	s6 =	sadd.s32 @!p0 s3, s7;
	s7 =	simm.s32 @!p0 $0x108  }
0x21: {  	s3 =	sadd.s32 s3, s9;
	s6 =	sadd.s32 @!p0 $0x88, s6;
	s7 =	simm.s32 @p2 $0x1082  }
0x22: {  	[simem:s7], [sflag:s8] =	dma.local @!p0 [hbm:s6], $0xF7A  }
0x23: {  	s9 =	sor.u32 $0xD0000000, s2;
	s6 =	simm.s32 $0x108;
	_ =	swait.ge @!p0 [sflag:s8], $0x0  }
0x24: {  	s3 =	sadd.s32 $0x88, s3;
	s6 =	simm.s32 @!p1 $0x1082;
	[sflag:s4] =	ssyncset.s32 $0xFFFFF086  }
0x25: {  	[simem:s6], [sflag:s4] =	dma.local [hbm:s3], $0xF7A  }
0x26: {  	[smem:$0x3F96] =	sst s1;
	(tag) =	ssettag s2;
	_ =	strace s9  }
0x27: {  	s1 =	sld [smem:$0x3FA6]  }
0x28: {  	s2 =	sld [smem:$0x3FA7]  }
0x29: {  	s4 =	sld [smem:$0x3FA9]  }
0x2a: {  	p0 =	seq.s32 s5, $0x0;
	s5 =	sld [smem:$0x3FAA]  }
0x2b: {  	s6 =	sld [smem:$0x3FAB]  }
0x2c: {  	s7 =	sld [smem:$0x3FAC]  }
0x2d: {  	s3 =	simm.s32 $0x108;
	s8 =	sld [smem:$0x3FAD]  }
0x2e: {  	s3 =	simm.s32 @!p0 $0x1082;
	s9 =	sld [smem:$0x3FAE]  }
0x2f: {  	lr =	sadd.s32 s0, s3;
	s0 =	sld [smem:$0x3FA5]  }
0x30: {  	s3 =	sld [smem:$0x3FA8]  }
0x31: {  	[smem:$0x3FB1] =	sst s10  }
0x32: {  	s10 =	sld [smem:$0x3FAF];
	_ =	sdelay $0x3  }
0x33: {  	p0 =	seq.s32 s10, $0x1;
	s10 =	sld [smem:$0x3FB1];
	_ =	sdelay $0x3  }
0x34: {  	[smem:$0x3FB1] =	sst s10  }
0x35: {  	s10 =	sld [smem:$0x3FB0];
	_ =	sdelay $0x3  }
0x36: {  	p1 =	seq.s32 s10, $0x1;
	s10 =	sld [smem:$0x3FB1];
	_ =	sdelay $0x3  }
0x37: {  	[smem:$0x3FB1] =	sst s10  }
0x38: {  	s10 =	sld [smem:$0x3FB2]  }
0x39: {  	_ = 	snop;
	(pc) =	sbr.ind lr, $3  }
0x3a: {  	_ = 	snop  }
0x3b: {  	_ = 	snop  }
0x3c: {  	p2 =	seq.s32 s10, $0x1;
	s10 =	sld [smem:$0x3FB1]  }
0x3d: {  	_ =	shalt  }
0x3e: {  	_ =	shalt  }
0x3f: {  	_ =	shalt  }
0x40: {  	_ =	shalt  }
0x41: {  	_ =	shalt  }
0x42: {  	_ =	shalt  }
0x43: {  	_ =	shalt  }
0x44: {  	_ =	shalt  }
0x45: {  	_ =	shalt  }
0x46: {  	_ =	shalt  }
0x47: {  	_ =	shalt  }
0x48: {  	_ =	shalt  }
0x49: {  	_ =	shalt  }
0x4a: {  	_ =	shalt  }
0x4b: {  	_ =	shalt  }
0x4c: {  	_ =	shalt  }
0x4d: {  	_ =	shalt  }
0x4e: {  	_ =	shalt  }
0x4f: {  	_ =	shalt  }
0x50: {  	_ =	shalt  }
0x51: {  	_ =	shalt  }
0x52: {  	_ =	shalt  }
0x53: {  	_ =	shalt  }
0x54: {  	_ =	shalt  }
0x55: {  	_ =	shalt  }
0x56: {  	_ =	shalt  }
0x57: {  	_ =	shalt  }
0x58: {  	_ =	shalt  }
0x59: {  	_ =	shalt  }
0x5a: {  	_ =	shalt  }
0x5b: {  	_ =	shalt  }
0x5c: {  	_ =	shalt  }
0x5d: {  	_ =	shalt  }
0x5e: {  	_ =	shalt  }
0x5f: {  	_ =	shalt  }
0x60: {  	_ =	shalt  }
0x61: {  	_ =	shalt  }
0x62: {  	_ =	shalt  }
0x63: {  	_ =	shalt  }
0x64: {  	_ =	shalt  }
0x65: {  	_ =	shalt  }
0x66: {  	_ =	shalt  }
0x67: {  	_ =	shalt  }
0x68: {  	_ =	shalt  }
0x69: {  	_ =	shalt  }
0x6a: {  	_ =	shalt  }
0x6b: {  	_ =	shalt  }
0x6c: {  	_ =	shalt  }
0x6d: {  	_ =	shalt  }
0x6e: {  	_ =	shalt  }
0x6f: {  	_ =	shalt  }
0x70: {  	_ =	shalt  }
0x71: {  	_ =	shalt  }
0x72: {  	_ =	shalt  }
0x73: {  	_ =	shalt  }
0x74: {  	_ =	shalt  }
0x75: {  	_ =	shalt  }
0x76: {  	_ =	shalt  }
0x77: {  	_ =	shalt  }
0x78: {  	_ =	shalt  }
0x79: {  	_ =	shalt  }
0x7a: {  	_ =	shalt  }
0x7b: {  	_ =	shalt  }
0x7c: {  	_ =	shalt  }
0x7d: {  	_ =	shalt  }
0x7e: {  	_ =	shalt  }
0x7f: {  	_ =	shalt  }
0x80: {  	_ =	shalt  }
0x81: {  	_ =	shalt  }
0x82: {  	_ =	shalt  }
0x83: {  	_ =	shalt  }
0x84: {  	_ =	shalt  }
0x85: {  	_ =	shalt  }
0x86: {  	_ =	shalt  }
0x87: {  	_ =	shalt  }
.Lfunc_end0:
.L_simem_size_0:
called_computation_lowered:
.L_overlay_start_0:
0x88: {  	s2 =	sld [smem:$0x3FD9]  }
0x89: {  	s3 =	sld [smem:$0x3FFE];
	_ =	sdelay $0x1  }
0x8a: {  	s1 =	srdreg.scid  }
0x8b: {  	s0 =	sand.u32 $0x1, s1  }
0x8c: {  	s17 =	sshll.u32 s0, $0xA;
	s2 =	sadd.s32 s3, s2  }
0x8d: {  	s2 =	sadd.s32 s2, s17  }
0x8e: {  	[smem:$0x3FBD] =	sst s2  }
0x8f: {  	_ = 	snop  }
0x90: {  	s2 =	sld [smem:$0x3FC9]  }
0x91: {  	s18 =	sld [smem:$0x3FD0];
	(tm) =	ssettm $0x1  }
0x92: {  	s4 =	sld [smem:$0x3FFB];
	_ =	sdelay $0x3  }
0x93: {  	_ =	strace s4  }
0x94: {  	s4 =	sld [smem:$0x3FFC];
	_ =	sdelay $0x3  }
0x95: {  	_ =	strace s4  }
0x96: {  	s4 =	sld [smem:$0x3FFD];
	_ =	sdelay $0x3  }
0x97: {  	_ =	strace s4  }
0x98: {  	_ =	strace $0x8FFFFFFF  }
0x99: {  	s19 =	sld [smem:$0x3FDB];
	_ =	sdelay $0x1  }
0x9a: {  	s5 =	simm.s32 $_scs_section_size  }
0x9b: {  	s6 =	simm.s32 $_size__tile_overlayer_lowered;
	s7 =	simm.s32 $_tile_overlayer_lowered  }
0x9c: {  	s22 =	simm.s32 $0x1BFF;
	s21 =	sshll.u32 s7, $0x1;
	s4 =	sadd.s32 s5, s19  }
0x9d: {  	s8 =	simm.s32 $0x0;
	s20 =	sshll.u32 s6, $0x1;
	s6 =	sadd.s32 s21, s4  }
0x9e: {  	[timem:s8], [sflag:s22] =	dma.local [hbm:s6], s20  }
0x9f: {  	_ =	swait.ge [sflag:s22], s20  }
0xa0: {  	s5 =	ssub.s32 $0x0, s20;
	[sflag:s22] =	ssyncset.done $0x0  }
0xa1: {  	[sflag:s22] =	ssyncadd.s32 s5;
	_ =	sdelay $0x1  }
0xa2: {  	s23 =	simm.s32 $0x1B8B  }
0xa3: {  	_ =	swait.ge [sflag:s23], $0x1  }
0xa4: {  	[sflag:s23] =	ssyncset.done $0x0  }
0xa5: {  	s25 =	simm.s32 $0x1B8E;
	s24 =	sld [smem:$0x3FFE];
	[sflag:s23] =	ssyncadd.s32 $0xFFFFFFFF  }
0xa6: {  	s26 =	simm.s32 $execute0_lowered;
	[smem:$0x3FD2] =	sst s25  }
0xa7: {  	s6 =	sshll.u32 s26, $0x1;
	_ =	strace $0x80000046;
	[dreg:$0x1] =	wrdreg $0xFFFFFFFF  }
0xa8: {  	s28 =	simm.s32 $_size_execute0_lowered;
	s4 =	sadd.s32 s4, s6;
	[dreg:$0x0] =	wrdreg $0x0  }
0xa9: {  	s6 =	sshll.u32 s28, $0x1;
	[dreg:$0x2] =	wrdreg s4  }
0xaa: {  	[dreg:$0x3] =	wrdreg s6  }
0xab: {  	[dreg:$0x4] =	wrdreg $0xC0  }
0xac: {  	_ =	task [dreg:s8], $0x5FFFF  }
0xad: {  	[dreg:$0x1] =	wrdreg $0xFFFFFFFF  }
0xae: {  	[dreg:$0x0] =	wrdreg $0x60  }
0xaf: {  	[dreg:$0x2] =	wrdreg s2  }
0xb0: {  	[dreg:$0x3] =	wrdreg s24  }
0xb1: {  	[dreg:$0x4] =	wrdreg s18  }
0xb2: {  	[dreg:$0x5] =	wrdreg $0xC3000  }
0xb3: {  	[dreg:$0x6] =	wrdreg $0x9  }
0xb4: {  	_ =	task.clear_ibuf [dreg:s8], $0x7FFFF;
	_ =	strace $0x90000046  }
0xb5: {  	s29 =	simm.s32 $0x9;
	_ =	strace $0x80000048  }
0xb6: {  	_ =	swait.ge [sflag:s29], $0x1  }
0xb7: {  	[sflag:s29] =	ssyncadd.s32 $0xFFFFFFFF  }
0xb8: {  	_ =	strace $0x90000048  }
0xb9: {  	_ =	sfence  }
0xba: {  	s30 =	sld [smem:$0x0];
	_ =	sdelay $0x2  }
0xbb: {  	s31 =	sshll.u32 s1, $0xD;
	s1 =	sshrl.u32 s1, $0x2  }
0xbc: {  	s3 =	sand.u32 $0x4000, s31;
	s1 =	sadd.s32 s1, s30  }
0xbd: {  	s0 =	sor.u32 s3, s0;
	s1 =	sshll.u32 s1, $0x11  }
0xbe: {  	s0 =	sor.u32 s1, s0  }
0xbf: {  	s0 =	sadd.s32 $0x8F2B, s0  }
0xc0: {  	[sflag:s0] =	ssyncadd.remote.s32 $0x1  }
0xc1: {  	_ =	sfence.sel $0xFFFF  }
0xc2: {  	[dreg:$0x0] =	wrdreg $0xFFFFFFFF;
	(pc) =	sbr.abs _section_cstart, $3  }
0xc3: {  	[dreg:$0x1] =	wrdreg $0xFFFFFFFF  }
0xc4: {  	_ =	task.clear_ibuf [dreg:s8], $0x2FFFF;
	_ =	strace $0x9FFFFFFF  }
0xc5: {  	(tm) =	ssettm $0x7FFFFFFF  }
tec
execute0_lowered:
.L_overlay_start_1:
0x0: {  	(tag) =	ssettag $0x1  }
0x1: {  	s1 =	rddreg [dreg:$0x0]  }
0x2: {  	s0 =	rddreg [dreg:$0x1]  }
0x3: {  	s2 =	srdreg.scid;
	s7 =	stileid.u32  }
0x4: {  	s3 =	rddreg [dreg:$0x2];
	s4 =	smul.u32 $0x4E80, s7  }
0x5: {  	s5 =	rddreg [dreg:$0x3];
	s8 =	smul.u32 $0x2780, s7  }
0x6: {  	s10 =	simm.s32 $0x0;
	s2 =	sand.u32 $0x1, s2;
	s28 =	smul.u32 $0x4F000, s7  }
0x7: {  	s30 =	simm.s32 $0x8300;
	s31 =	simm.s32 $0x8;
	s6 =	smul.u32 $0x4E800, s2  }
0x8: {  	[smem:$0x7FF] =	sst s10;
	s7 =	sadd.s32 $0x1200, s0;
	s9 =	smul.u32 $0x27800, s2  }
0x9: {  	_ =	strace $0x80000047;
	s11 =	ssub.s32 $0x2, s2;
	s20 =	sshrl.u32 s4, $0x3  }
0xa: {  	s23 =	sshll.u32 s2, $0x6;
	s10 =	sshrl.u32 s28, $0x2;
	s21 =	sadd.s32 s7, s20  }
0xb: {  	s2 =	simm.s32 $0x7;
	s10 =	sadd.s32 s10, s5;
	[dreg:$0xe] =	wrdreg s21  }
0xc: {  	s12 =	sshrl.u32 s11, $0x1;
	s13 =	sadd.s32 $0x2000, s10;
	[dreg:$0x5] =	wrdreg s10  }
0xd: {  	s24 =	sor.u32 $0x500, s23;
	s14 =	sadd.s32 $0x4000, s10;
	[dreg:$0x6] =	wrdreg s13  }
0xe: {  	s29 =	sadd.s32 $0xC0, s4;
	s15 =	sadd.s32 $0x6000, s10;
	[dreg:$0x7] =	wrdreg s14  }
0xf: {  	s6 =	sadd.s32 s4, s6;
	s16 =	sadd.s32 $0x8000, s10;
	[dreg:$0x8] =	wrdreg s15  }
0x10: {  	s8 =	sadd.s32 s8, s9;
	s17 =	sadd.s32 $0xA000, s10;
	[dreg:$0x9] =	wrdreg s16  }
0x11: {  	s9 =	sor.u32 $0x8, s20;
	s18 =	sadd.s32 $0xC000, s10;
	[dreg:$0xa] =	wrdreg s17  }
0x12: {  	s6 =	sshll.u32 s6, $0x4;
	s19 =	sadd.s32 $0xE000, s10;
	[dreg:$0xb] =	wrdreg s18  }
0x13: {  	s22 =	sadd.s32 s3, s9;
	s9 =	sadd.s32 s7, s9;
	[dreg:$0xc] =	wrdreg s19  }
0x14: {  	s26 =	sadd.s32 $0x10000, s10;
	s28 =	sadd.s32 $0x12000, s10;
	[dreg:$0xf] =	wrdreg s22  }
0x15: {  	s6 =	sadd.s32 s6, s0;
	s0 =	sadd.s32 s8, s0;
	[dreg:$0x10] =	wrdreg s9  }
0x16: {  	s8 =	ssub.s32 s11, s12;
	s11 =	sadd.s32 s3, s20;
	[dreg:$0x13] =	wrdreg s26  }
0x17: {  	[dreg:$0x14] =	wrdreg s28;
	s9 =	simm.s32 $0x80;
	s12 =	simm.s32 $0x1  }
0x18: {  	s13 =	simm.s32 $0x3;
	s15 =	simm.s32 $0x2;
	s16 =	simm.s32 $0x4  }
0x19: {  	s19 =	simm.s32 $0xA300;
	s22 =	simm.s32 $0x6;
	s18 =	sadd.s32 $0x9CB200, s6  }
0x1a: {  	[dreg:$0xd] =	wrdreg s11;
	s21 =	sadd.s32 $0x9CB600, s6;
	s0 =	sadd.s32 $0xB000, s0  }
0x1b: {  	s25 =	smax.u32 s8, $0x1;
	s8 =	simm.s32 $0x0;
	[dreg:$0x11] =	wrdreg s0  }
0x1c: {  	v0 =	vimm.f32 $0.0e+00;
	[dreg:$0x12] =	wrdreg s25;
	s25 =	sor.u32 $0x26B0, s23;
	s0 =	simm.s32 $0x40  }
.LBB2_1:
0x1d: {  	[dreg:$0x15] =	wrdreg s8;
	s6 =	simm.s32 $0x0;
	s8 =	simm.s32 $0x200  }
.LBB2_2:
0x1e: {  	p0 =	sne.s32 s8, $0x7E00;
	[tilespmem:s6+$0x8370] =	vst v0  }
0x1f: {  	[tilespmem:s6+$0x8300] =	vst v0  }
0x20: {  	[tilespmem:s6+$0x8310] =	vst v0  }
.Ltmp0:
0x21: {  	[tilespmem:s6+$0x8320] =	vst v0;
	(pc) =	sbr.rel @p0 .LBB2_2-.Ltmp0, $4  }
0x22: {  	[tilespmem:s6+$0x8330] =	vst v0  }
0x23: {  	[tilespmem:s6+$0x8340] =	vst v0  }
0x24: {  	[tilespmem:s6+$0x8350] =	vst v0  }
0x25: {  	[tilespmem:s6+$0x8360] =	vst v0;
	s6 =	sshra.s32 s8, $0x2;
	s8 =	sadd.s32 $0x200, s8  }
0x26: {  	[tilespmem:s6+$0x8370] =	vst v0  }
0x27: {  	[tilespmem:s6+$0x8300] =	vst v0  }
0x28: {  	[tilespmem:s6+$0x8310] =	vst v0  }
0x29: {  	[tilespmem:s6+$0x8320] =	vst v0  }
0x2a: {  	[tilespmem:s6+$0x8330] =	vst v0  }
0x2b: {  	[tilespmem:s6+$0x8340] =	vst v0  }
0x2c: {  	[tilespmem:s6+$0x8350] =	vst v0  }
0x2d: {  	[tilespmem:s6+$0x8360] =	vst v0  }
0x2e: {  	[spmem:s10] =	stream.linear.scatter [tilespmem:s30], [sflag:$0x8], $0x2000, $0x38;
	[tilespmem:$0x1FF00] =	vst v63  }
0x2f: {  	_ =	swait.ge [sflag:s31], $0x2000  }
0x30: {  	[sflag:s31] =	ssyncset.done $0x0  }
0x31: {  	s10 =	rddreg [dreg:$0x6];
	[sflag:s31] =	ssyncadd.s32 $0xFFFFE000  }
0x32: {  	[spmem:s10] =	stream.linear.scatter [tilespmem:s30], [sflag:$0x8], $0x2000, $0x38;
	[tilespmem:$0x1FF00] =	vst v63  }
0x33: {  	_ =	swait.ge [sflag:s31], $0x2000  }
0x34: {  	[sflag:s31] =	ssyncset.done $0x0  }
0x35: {  	s11 =	rddreg [dreg:$0x7];
	[sflag:s31] =	ssyncadd.s32 $0xFFFFE000  }
0x36: {  	[spmem:s11] =	stream.linear.scatter [tilespmem:s30], [sflag:$0x8], $0x2000, $0x38;
	[tilespmem:$0x1FF00] =	vst v63  }
0x37: {  	_ =	swait.ge [sflag:s31], $0x2000  }
0x38: {  	[sflag:s31] =	ssyncset.done $0x0  }
0x39: {  	s14 =	rddreg [dreg:$0x8];
	[sflag:s31] =	ssyncadd.s32 $0xFFFFE000  }
0x3a: {  	[spmem:s14] =	stream.linear.scatter [tilespmem:s30], [sflag:$0x8], $0x2000, $0x38;
	[tilespmem:$0x1FF00] =	vst v63  }
0x3b: {  	_ =	swait.ge [sflag:s31], $0x2000  }
0x3c: {  	[sflag:s31] =	ssyncset.done $0x0  }
0x3d: {  	s17 =	rddreg [dreg:$0x9];
	[sflag:s31] =	ssyncadd.s32 $0xFFFFE000  }
0x3e: {  	[spmem:s17] =	stream.linear.scatter [tilespmem:s30], [sflag:$0x8], $0x2000, $0x38;
	[tilespmem:$0x1FF00] =	vst v63  }
0x3f: {  	_ =	swait.ge [sflag:s31], $0x2000  }
0x40: {  	[sflag:s31] =	ssyncset.done $0x0  }
0x41: {  	s20 =	rddreg [dreg:$0xa];
	[sflag:s31] =	ssyncadd.s32 $0xFFFFE000  }
0x42: {  	[spmem:s20] =	stream.linear.scatter [tilespmem:s30], [sflag:$0x8], $0x2000, $0x38;
	[tilespmem:$0x1FF00] =	vst v63  }
0x43: {  	_ =	swait.ge [sflag:s31], $0x2000  }
0x44: {  	[sflag:s31] =	ssyncset.done $0x0  }
0x45: {  	s23 =	rddreg [dreg:$0xb];
	[sflag:s31] =	ssyncadd.s32 $0xFFFFE000  }
0x46: {  	[spmem:s23] =	stream.linear.scatter [tilespmem:s30], [sflag:$0x8], $0x2000, $0x38;
	[tilespmem:$0x1FF00] =	vst v63  }
0x47: {  	_ =	swait.ge [sflag:s31], $0x2000  }
0x48: {  	[sflag:s31] =	ssyncset.done $0x0  }
0x49: {  	s26 =	rddreg [dreg:$0xc];
	[sflag:s31] =	ssyncadd.s32 $0xFFFFE000  }
0x4a: {  	[spmem:s26] =	stream.linear.scatter [tilespmem:s30], [sflag:$0x8], $0x2000, $0x38;
	[tilespmem:$0x1FF00] =	vst v63  }
0x4b: {  	_ =	swait.ge [sflag:s31], $0x2000  }
0x4c: {  	[sflag:s31] =	ssyncset.done $0x0  }
0x4d: {  	s28 =	rddreg [dreg:$0x13];
	[sflag:s31] =	ssyncadd.s32 $0xFFFFE000  }
0x4e: {  	[spmem:s28] =	stream.linear.scatter [tilespmem:s30], [sflag:$0x8], $0x2000, $0x38;
	[tilespmem:$0x1FF00] =	vst v63  }
0x4f: {  	_ =	swait.ge [sflag:s31], $0x2000  }
0x50: {  	[sflag:s31] =	ssyncset.done $0x0  }
0x51: {  	s8 =	rddreg [dreg:$0x14];
	[sflag:s31] =	ssyncadd.s32 $0xFFFFE000  }
0x52: {  	[spmem:s8] =	stream.linear.scatter [tilespmem:s30], [sflag:$0x8], $0x1C00, $0x38;
	[tilespmem:$0x1FF00] =	vst v63  }
0x53: {  	_ =	swait.ge [sflag:s31], $0x1C00  }
0x54: {  	[sflag:s31] =	ssyncset.done $0x0  }
0x55: {  	[sflag:s31] =	ssyncadd.s32 $0xFFFFE400  }
0x56: {  	[bflag:$0x0] =	sbarrier.arrive $0xFFFF  }
0x57: {  	s26 =	simm.s32 $0x0;
	s10 =	rddreg [dreg:$0xd]  }
0x58: {  	[tilespmem:s26], [sflag:$0x7] =	stream.linear.gather [hbm4b:s10+s26], $0x40, $0x38;
	[tilespmem:$0x1FF00] =	vst v63  }
0x59: {  	s8 =	simm.s32 $0x100;
	s11 =	rddreg [dreg:$0xe]  }
0x5a: {  	[tilespmem:s8], [sflag:$0x7] =	stream.linear.gather [hbm4b:s11+s26], $0x40, $0x38;
	[tilespmem:$0x1FF00] =	vst v63  }
0x5b: {  	_ =	swait.ge [sflag:s2], $0x40  }
0x5c: {  	[sflag:s2] =	ssyncset.done $0x0  }
0x5d: {  	[sflag:s2] =	ssyncadd.s32 $0xFFFFFFC0  }
0x5e: {  	_ =	swait.ge [sflag:s2], $0x40  }
0x5f: {  	[sflag:s2] =	ssyncset.done $0x0  }
0x60: {  	s14 =	simm.s32 $0x300;
	[sflag:s2] =	ssyncadd.s32 $0xFFFFFFC0  }
0x61: {  	[tilespmem:s14], [sflag:$0x1] =	stream.indirect.gather [hbm4b:s1+s0], $0x80, s26, s0, $0xb8;
	[tilespmem:$0x1FF00] =	vst v63  }
0x62: {  	s17 =	simm.s32 $0x4300  }
0x63: {  	[tilespmem:s17], [sflag:$0x3] =	stream.linear.gather [hbm4b:s18+s26], $0x2000, $0x38;
	[tilespmem:$0x1FF00] =	vst v63  }
0x64: {  	s20 =	rddreg [dreg:$0xf]  }
0x65: {  	[tilespmem:s9], [sflag:$0x7] =	stream.linear.gather [hbm4b:s20+s26], $0x40, $0x38;
	[tilespmem:$0x1FF00] =	vst v63  }
0x66: {  	s28 =	simm.s32 $0x180;
	s23 =	rddreg [dreg:$0x10]  }
0x67: {  	[tilespmem:s28], [sflag:$0x7] =	stream.linear.gather [hbm4b:s23+s26], $0x40, $0x38;
	[tilespmem:$0x1FF00] =	vst v63  }
.LBB2_4:
0x68: {  	_ =	swait.ge [sflag:s2], $0x40  }
0x69: {  	[sflag:s2] =	ssyncset.done $0x0  }
0x6a: {  	[sflag:s2] =	ssyncadd.s32 $0xFFFFFFC0  }
0x6b: {  	_ =	swait.ge [sflag:s2], $0x40  }
0x6c: {  	s6 =	simm.s32 $0x2300;
	[sflag:s2] =	ssyncset.done $0x0  }
0x6d: {  	s11 =	sshll.u32 s26, $0xB;
	s8 =	simm.s32 $0x0;
	[sflag:s2] =	ssyncadd.s32 $0xFFFFFFC0  }
0x6e: {  	[tilespmem:s6], [sflag:$0x2] =	stream.indirect.gather [hbm4b:s1+s0], $0x80, s9, s0, $0xb8;
	[tilespmem:$0x1FF00] =	vst v63  }
0x6f: {  	s10 =	simm.s32 $0x6300;
	p0 =	seq.s32 s26, $0x0;
	s6 =	sadd.s32 s11, s21  }
0x70: {  	[tilespmem:s10], [sflag:$0x4] =	stream.linear.gather [hbm4b:s6+s8], $0x2000, $0x38;
	[tilespmem:$0x1FF00] =	vst v63  }
0x71: {  	s6 =	simm.s32 @!p0 $0x5  }
0x72: {  	_ =	swait.ge @!p0 [sflag:s6], $0x2000  }
0x73: {  	[sflag:s6] =	ssyncset.done @!p0 $0x0  }
0x74: {  	[sflag:s6] =	ssyncadd.s32 @!p0 $0xFFFFE000  }
0x75: {  	v1 =	vld [tilespmem:$0x100]  }
0x76: {  	v2 =	vld [tilespmem:$0x110]  }
0x77: {  	v3 =	vld [tilespmem:$0x120]  }
0x78: {  	v4 =	vld [tilespmem:$0x130];
	_ =	sdelay $0x1  }
0x79: {  	[tilespmem:$0x200] =	vst v1  }
0x7a: {  	s14 =	sshll.u32 s26, $0x1;
	[tilespmem:$0x210] =	vst v2  }
0x7b: {  	s28 =	sadd.s32 $0x2, s14;
	p0 =	seq.s32 s26, $0x9C;
	[tilespmem:$0x220] =	vst v3  }
0x7c: {  	s6 =	sshll.u32 @!p0 s28, $0x6;
	[tilespmem:$0x230] =	vst v4  }
0x7d: {  	s6 =	sadd.s32 @!p0 s4, s6;
	_ =	swait.ge [sflag:s12], $0x2000  }
0x7e: {  	s6 =	sshrl.u32 @!p0 s6, $0x3;
	[sflag:s12] =	ssyncset.done $0x0  }
0x7f: {  	s10 =	simm.s32 @!p0 $0x0;
	s8 =	sadd.s32 @!p0 s3, s6;
	[sflag:s12] =	ssyncadd.s32 $0xFFFFE000  }
0x80: {  	[tilespmem:s10], [sflag:$0x7] =	stream.linear.gather @!p0 [hbm4b:s8+s10], $0x40, $0x38;
	[tilespmem:$0x1FF00] =	vst v63  }
0x81: {  	s6 =	sadd.s32 @!p0 s7, s6;
	s8 =	simm.s32 @!p0 $0x100  }
0x82: {  	[tilespmem:s8], [sflag:$0x7] =	stream.linear.gather @!p0 [hbm4b:s6+s10], $0x40, $0x38;
	[tilespmem:$0x1FF00] =	vst v63  }
0x83: {  	_ =	swait.ge [sflag:s13], $0x2000  }
0x84: {  	[sflag:s13] =	ssyncset.done $0x0  }
0x85: {  	[sflag:s13] =	ssyncadd.s32 $0xFFFFE000  }
0x86: {  	s17 =	simm.s32 $0x4500;
	v1 =	vld [tilespmem:s24+$0x180]  }
0x87: {  	v2 =	vld [tilespmem:s17+$0x180];
	_ =	sdelay $0x1  }
0x88: {  	v3 =	vld [tilespmem:s24+$0xFFFFFE80]  }
0x89: {  	v4 =	vld [tilespmem:s17+$0xFFFFFE80]  }
0x8a: {  	v5 =	vld [tilespmem:s24+$0xFFFFFF00]  }
0x8b: {  	v1 =	vadd.f32 v2, v1;
	v2 =	vld [tilespmem:s17+$0xFFFFFF00]  }
0x8c: {  	v6 =	vld [tilespmem:s24+$0xFFFFFF80]  }
0x8d: {  	v7 =	vld [tilespmem:s17+$0xFFFFFF80]  }
0x8e: {  	v1 =	vmax.f32 v1, $0.0e+00  }
0x8f: {  	v8 =	vld [tilespmem:s17+$0x0];
	v3 =	vadd.f32 v4, v3;
	v1 =	vadd.f32 $1.000000010e-07, v1  }
0x90: {  	v4 =	vld [tilespmem:s24+$0x0];
	v2 =	vadd.f32 v2, v5  }
0x91: {  	v3 =	vmax.f32 v3, $0.0e+00;
	v9 =	vmul.f32 $1.442695020e+00, v1  }
0x92: {  	v6 =	vadd.f32 v7, v6;
	v7 =	vld [tilespmem:s17+$0x80];
	v3 =	vadd.f32 $1.000000010e-07, v3;
	v2 =	vmax.f32 v2, $0.0e+00  }
0x93: {  	v5 =	vld [tilespmem:s24+$0x80];
	(erf) = vpow2.f32 v9;
	v2 =	vadd.f32 $1.000000010e-07, v2  }
0x94: {  	v9 =	vmul.f32 $1.442695020e+00, v3  }
0x95: {  	v6 =	vmax.f32 v6, $0.0e+00;
	v4 =	vadd.f32 v8, v4;
	v8 =	vmul.f32 $1.442695020e+00, v2  }
0x96: {  	v6 =	vadd.f32 $1.000000010e-07, v6;
	(erf) = vpow2.f32 v9  }
0x97: {  	v4 =	vmax.f32 v4, $0.0e+00;
	v9 =	vld [tilespmem:s17+$0xFFFFFE00];
	(erf) = vpow2.f32 v8  }
0x98: {  	v10 =	vmul.f32 $1.442695020e+00, v6;
	v4 =	vadd.f32 $1.000000010e-07, v4;
	v5 =	vadd.f32 v7, v5;
	v7 =	vld [tilespmem:s24+$0x100]  }
0x99: {  	v8 =	vld [tilespmem:s17+$0x100]  }
0x9a: {  	v11 =	vmul.f32 $1.442695020e+00, v4;
	(erf) = vpow2.f32 v10;
	v10 =	vld [tilespmem:s24+$0xFFFFFE00];
	_ =	sdelay $0x1  }
0x9b: {  	v5 =	vmax.f32 v5, $0.0e+00;
	(erf) = vpow2.f32 v11;
	v12 =	vpop (erf)  }
0x9c: {  	v5 =	vadd.f32 $1.000000010e-07, v5;
	v1 =	vmul.f32 v12, v1  }
0x9d: {  	s20 =	simm.s32 $0x8500  }
0x9e: {  	v11 =	vmul.f32 $1.442695020e+00, v5;
	[tilespmem:s20+$0x1C0] =	vst v1;
	v1 =	vadd.f32 v8, v7;
	v8 =	vadd.f32 v9, v10;
	v9 =	vpop (erf)  }
0x9f: {  	v3 =	vmul.f32 v9, v3;
	[tilespmem:s20+$0xFFFFFE80] =	vst v9;
	v9 =	vpop (erf)  }
0xa0: {  	[tilespmem:s20+$0x180] =	vst v12;
	(erf) = vpow2.f32 v11;
	v2 =	vmul.f32 v9, v2  }
0xa1: {  	v7 =	vld [tilespmem:s24+$0x190]  }
0xa2: {  	v10 =	vld [tilespmem:s17+$0x190]  }
0xa3: {  	[tilespmem:s20+$0xFFFFFEC0] =	vst v3;
	v3 =	vpop (erf)  }
0xa4: {  	v1 =	vmax.f32 v1, $0.0e+00;
	[tilespmem:s20+$0xFFFFFF40] =	vst v2;
	v2 =	vpop (erf)  }
0xa5: {  	v8 =	vmax.f32 v8, $0.0e+00;
	v1 =	vadd.f32 $1.000000010e-07, v1;
	v12 =	vld [tilespmem:s24+$0xFFFFFE90];
	v4 =	vmul.f32 v2, v4  }
0xa6: {  	v8 =	vadd.f32 $1.000000010e-07, v8;
	[tilespmem:s20+$0xFFFFFF00] =	vst v9;
	v13 =	vld [tilespmem:s17+$0xFFFFFE90];
	v6 =	vmul.f32 v3, v6  }
0xa7: {  	v11 =	vmul.f32 $1.442695020e+00, v1;
	v7 =	vadd.f32 v10, v7;
	v10 =	vld [tilespmem:s24+$0xFFFFFF10];
	[tilespmem:s20+$0xFFFFFF80] =	vst v3  }
0xa8: {  	v9 =	vmul.f32 $1.442695020e+00, v8;
	[tilespmem:s20+$0xFFFFFFC0] =	vst v6;
	v6 =	vld [tilespmem:s17+$0xFFFFFF10]  }
0xa9: {  	(erf) = vpow2.f32 v11;
	v3 =	vmax.f32 v7, $0.0e+00;
	v7 =	vld [tilespmem:s24+$0xFFFFFF90];
	[tilespmem:s20+$0x40] =	vst v4;
	v4 =	vpop (erf)  }
0xaa: {  	(erf) = vpow2.f32 v9;
	[tilespmem:s20+$0x0] =	vst v2;
	v3 =	vadd.f32 $1.000000010e-07, v3;
	v9 =	vld [tilespmem:s17+$0xFFFFFF90];
	v2 =	vmul.f32 v4, v5  }
0xab: {  	v11 =	vld [tilespmem:s24+$0x10];
	v5 =	vadd.f32 v13, v12;
	[tilespmem:s20+$0x80] =	vst v4  }
0xac: {  	v4 =	vmul.f32 $1.442695020e+00, v3;
	v12 =	vld [tilespmem:s17+$0x10];
	[tilespmem:s20+$0xC0] =	vst v2  }
0xad: {  	v2 =	vmax.f32 v5, $0.0e+00;
	v5 =	vadd.f32 v6, v10;
	v6 =	vld [tilespmem:s24+$0x90]  }
0xae: {  	(erf) = vpow2.f32 v4;
	v4 =	vld [tilespmem:s17+$0x90]  }
0xaf: {  	v7 =	vadd.f32 v9, v7;
	v2 =	vadd.f32 $1.000000010e-07, v2;
	v5 =	vmax.f32 v5, $0.0e+00  }
0xb0: {  	v5 =	vadd.f32 $1.000000010e-07, v5  }
0xb1: {  	v7 =	vmax.f32 v7, $0.0e+00;
	v10 =	vmul.f32 $1.442695020e+00, v2;
	v11 =	vadd.f32 v12, v11  }
0xb2: {  	v9 =	vpop (erf);
	v7 =	vadd.f32 $1.000000010e-07, v7;
	v13 =	vmul.f32 $1.442695020e+00, v5  }
0xb3: {  	v12 =	vpop (erf);
	(erf) = vpow2.f32 v10;
	v10 =	vmax.f32 v11, $0.0e+00;
	v4 =	vadd.f32 v4, v6  }
0xb4: {  	v8 =	vmul.f32 v12, v8;
	v6 =	vmul.f32 $1.442695020e+00, v7;
	v10 =	vadd.f32 $1.000000010e-07, v10  }
0xb5: {  	v1 =	vmul.f32 v9, v1;
	[tilespmem:s20+$0x100] =	vst v9;
	(erf) = vpow2.f32 v13;
	v4 =	vmax.f32 v4, $0.0e+00  }
0xb6: {  	[tilespmem:s20+$0xFFFFFE40] =	vst v8;
	v8 =	vmul.f32 $1.442695020e+00, v10;
	v4 =	vadd.f32 $1.000000010e-07, v4  }
0xb7: {  	[tilespmem:s20+$0x140] =	vst v1;
	(erf) = vpow2.f32 v6  }
0xb8: {  	[tilespmem:s20+$0xFFFFFE00] =	vst v12;
	v11 =	vld [tilespmem:s24+$0x110];
	v6 =	vpop (erf);
	(erf) = vpow2.f32 v8;
	v8 =	vmul.f32 $1.442695020e+00, v4  }
0xb9: {  	v1 =	vld [tilespmem:s24+$0xFFFFFE10];
	v3 =	vmul.f32 v6, v3  }
0xba: {  	[tilespmem:s20+$0x190] =	vst v6;
	v6 =	vld [tilespmem:s17+$0x110]  }
0xbb: {  	v9 =	vld [tilespmem:s17+$0xFFFFFE10];
	[tilespmem:s20+$0x1D0] =	vst v3  }
0xbc: {  	(erf) = vpow2.f32 v8;
	v3 =	vld [tilespmem:s24+$0x1A0];
	v8 =	vpop (erf)  }
0xbd: {  	v12 =	vld [tilespmem:s17+$0x1A0];
	v2 =	vmul.f32 v8, v2  }
0xbe: {  	[tilespmem:s20+$0xFFFFFE90] =	vst v8;
	v8 =	vpop (erf)  }
0xbf: {  	[tilespmem:s20+$0xFFFFFED0] =	vst v2;
	v2 =	vmul.f32 v8, v5;
	v5 =	vadd.f32 v6, v11  }
0xc0: {  	v1 =	vadd.f32 v9, v1  }
0xc1: {  	[tilespmem:s20+$0xFFFFFF10] =	vst v8;
	v8 =	vpop (erf);
	v6 =	vld [tilespmem:s24+$0xFFFFFEA0]  }
0xc2: {  	v1 =	vmax.f32 v1, $0.0e+00;
	v9 =	vld [tilespmem:s17+$0xFFFFFEA0];
	v7 =	vmul.f32 v8, v7;
	[tilespmem:s20+$0xFFFFFF50] =	vst v2;
	v2 =	vadd.f32 v12, v3  }
0xc3: {  	v1 =	vadd.f32 $1.000000010e-07, v1;
	[tilespmem:s20+$0xFFFFFF90] =	vst v8;
	v3 =	vmax.f32 v5, $0.0e+00;
	v8 =	vld [tilespmem:s24+$0xFFFFFF20];
	v5 =	vpop (erf)  }
0xc4: {  	v3 =	vadd.f32 $1.000000010e-07, v3;
	[tilespmem:s20+$0xFFFFFFD0] =	vst v7;
	v2 =	vmax.f32 v2, $0.0e+00;
	v7 =	vmul.f32 v5, v10;
	v10 =	vld [tilespmem:s17+$0xFFFFFF20]  }
0xc5: {  	v11 =	vmul.f32 $1.442695020e+00, v1;
	[tilespmem:s20+$0x10] =	vst v5;
	v5 =	vld [tilespmem:s24+$0xFFFFFFA0];
	v2 =	vadd.f32 $1.000000010e-07, v2;
	v12 =	vpop (erf)  }
0xc6: {  	v13 =	vmul.f32 $1.442695020e+00, v3;
	v4 =	vmul.f32 v12, v4;
	[tilespmem:s20+$0x50] =	vst v7;
	v7 =	vld [tilespmem:s17+$0xFFFFFFA0]  }
0xc7: {  	(erf) = vpow2.f32 v11;
	[tilespmem:s20+$0x90] =	vst v12;
	v12 =	vmul.f32 $1.442695020e+00, v2;
	v11 =	vld [tilespmem:s24+$0x20]  }
0xc8: {  	s8 =	sadd.s32 $0x400, s24;
	(erf) = vpow2.f32 v13;
	v13 =	vld [tilespmem:s17+$0x20];
	[tilespmem:s20+$0xD0] =	vst v4;
	v4 =	vadd.f32 v9, v6  }
0xc9: {  	s23 =	simm.s32 $0x4900;
	v9 =	vld [tilespmem:s8+$0x180];
	(erf) = vpow2.f32 v12  }
0xca: {  	v4 =	vmax.f32 v4, $0.0e+00;
	v8 =	vadd.f32 v10, v8;
	v10 =	vld [tilespmem:s23+$0x180]  }
0xcb: {  	v4 =	vadd.f32 $1.000000010e-07, v4  }
0xcc: {  	v5 =	vadd.f32 v7, v5  }
0xcd: {  	v8 =	vmax.f32 v8, $0.0e+00;
	v14 =	vmul.f32 $1.442695020e+00, v4  }
0xce: {  	v15 =	vld [tilespmem:s23+$0xFFFFFE80];
	v8 =	vadd.f32 $1.000000010e-07, v8;
	v11 =	vadd.f32 v13, v11;
	v5 =	vmax.f32 v5, $0.0e+00  }
0xcf: {  	v12 =	vld [tilespmem:s8+$0xFFFFFE80];
	v5 =	vadd.f32 $1.000000010e-07, v5;
	v9 =	vadd.f32 v10, v9  }
0xd0: {  	v16 =	vpop (erf);
	v13 =	vld [tilespmem:s8+$0xFFFFFF00];
	v17 =	vmul.f32 $1.442695020e+00, v8;
	(erf) = vpow2.f32 v14;
	v11 =	vmax.f32 v11, $0.0e+00  }
0xd1: {  	v14 =	vld [tilespmem:s23+$0xFFFFFF00];
	v10 =	vpop (erf);
	v11 =	vadd.f32 $1.000000010e-07, v11;
	v9 =	vmax.f32 v9, $0.0e+00  }
0xd2: {  	v19 =	vld [tilespmem:s8+$0xFFFFFF80];
	v18 =	vmul.f32 $1.442695020e+00, v5;
	(erf) = vpow2.f32 v17;
	v20 =	vpop (erf);
	v9 =	vadd.f32 $1.000000010e-07, v9  }
0xd3: {  	v17 =	vld [tilespmem:s23+$0xFFFFFF80];
	v21 =	vmul.f32 $1.442695020e+00, v11;
	v2 =	vmul.f32 v20, v2  }
0xd4: {  	v22 =	vld [tilespmem:s23+$0x0];
	v12 =	vadd.f32 v15, v12;
	[tilespmem:s20+$0x1A0] =	vst v20;
	(erf) = vpow2.f32 v18;
	v20 =	vmul.f32 $1.442695020e+00, v9  }
0xd5: {  	v15 =	vld [tilespmem:s8+$0x0];
	(erf) = vpow2.f32 v21  }
0xd6: {  	v12 =	vmax.f32 v12, $0.0e+00;
	[tilespmem:s20+$0x1E0] =	vst v2;
	v2 =	vadd.f32 v14, v13;
	(erf) = vpow2.f32 v20  }
0xd7: {  	v12 =	vadd.f32 $1.000000010e-07, v12;
	v13 =	vld [tilespmem:s24+$0x1B0]  }
0xd8: {  	v14 =	vadd.f32 v17, v19;
	v17 =	vld [tilespmem:s17+$0x1B0];
	v2 =	vmax.f32 v2, $0.0e+00  }
0xd9: {  	v1 =	vmul.f32 v16, v1;
	v18 =	vld [tilespmem:s8+$0x80];
	v19 =	vmul.f32 $1.442695020e+00, v12;
	v21 =	vpop (erf);
	v2 =	vadd.f32 $1.000000010e-07, v2  }
0xda: {  	[tilespmem:s20+$0xFFFFFE10] =	vst v16;
	v3 =	vmul.f32 v10, v3;
	v15 =	vadd.f32 v22, v15;
	v20 =	vld [tilespmem:s23+$0x80];
	v4 =	vmul.f32 v21, v4  }
0xdb: {  	[tilespmem:s20+$0xFFFFFE50] =	vst v1;
	v14 =	vmax.f32 v14, $0.0e+00;
	(erf) = vpow2.f32 v19;
	v1 =	vmul.f32 $1.442695020e+00, v2  }
0xdc: {  	v7 =	vld [tilespmem:s23+$0xFFFFFE00];
	[tilespmem:s20+$0x110] =	vst v10;
	v15 =	vmax.f32 v15, $0.0e+00;
	v14 =	vadd.f32 $1.000000010e-07, v14;
	v10 =	vpop (erf)  }
0xdd: {  	v16 =	vld [tilespmem:s23+$0x100];
	[tilespmem:s20+$0x150] =	vst v3;
	v15 =	vadd.f32 $1.000000010e-07, v15;
	v13 =	vadd.f32 v17, v13;
	(erf) = vpow2.f32 v1;
	v17 =	vpop (erf)  }
0xde: {  	v22 =	vld [tilespmem:s8+$0x100];
	v23 =	vmul.f32 $1.442695020e+00, v14;
	[tilespmem:s20+$0xFFFFFEE0] =	vst v4;
	v4 =	vpop (erf)  }
0xdf: {  	v19 =	vld [tilespmem:s8+$0xFFFFFE00];
	v3 =	vmul.f32 v10, v8;
	v8 =	vadd.f32 v20, v18;
	v18 =	vmul.f32 $1.442695020e+00, v15;
	[tilespmem:s20+$0xFFFFFF20] =	vst v10;
	v10 =	vpop (erf)  }
0xe0: {  	[tilespmem:s20+$0xFFFFFEA0] =	vst v21;
	v21 =	vld [tilespmem:s24+$0x120];
	(erf) = vpow2.f32 v23;
	v9 =	vmul.f32 v10, v9  }
0xe1: {  	v13 =	vmax.f32 v13, $0.0e+00;
	(erf) = vpow2.f32 v18;
	v18 =	vld [tilespmem:s17+$0x120]  }
0xe2: {  	v13 =	vadd.f32 $1.000000010e-07, v13  }
0xe3: {  	s6 =	simm.s32 $0x8900;
	v24 =	vld [tilespmem:s24+$0xFFFFFE20];
	v8 =	vmax.f32 v8, $0.0e+00  }
0xe4: {  	v1 =	vld [tilespmem:s17+$0xFFFFFE20];
	v7 =	vadd.f32 v7, v19;
	v8 =	vadd.f32 $1.000000010e-07, v8;
	v19 =	vmul.f32 $1.442695020e+00, v13;
	[tilespmem:s6+$0x1C0] =	vst v9;
	v9 =	vpop (erf)  }
0xe5: {  	v6 =	vld [tilespmem:s24+$0xA0];
	v16 =	vadd.f32 v16, v22;
	[tilespmem:s6+$0x180] =	vst v10;
	v12 =	vmul.f32 v9, v12  }
0xe6: {  	v22 =	vmul.f32 $1.442695020e+00, v8;
	(erf) = vpow2.f32 v19;
	v19 =	vld [tilespmem:s8+$0x190];
	[tilespmem:s6+$0xFFFFFE80] =	vst v9;
	v9 =	vadd.f32 v18, v21;
	v18 =	vpop (erf)  }
0xe7: {  	[tilespmem:s20+$0xFFFFFF60] =	vst v3;
	v3 =	vmax.f32 v16, $0.0e+00;
	v62 =	vld [tilespmem:s23+$0x190];
	v2 =	vmul.f32 v18, v2  }
0xe8: {  	v20 =	vld [tilespmem:s17+$0xA0];
	[tilespmem:s20+$0xFFFFFFA0] =	vst v17;
	v3 =	vadd.f32 $1.000000010e-07, v3;
	v7 =	vmax.f32 v7, $0.0e+00;
	(erf) = vpow2.f32 v22  }
0xe9: {  	v5 =	vmul.f32 v17, v5;
	v23 =	vadd.f32 $1.000000010e-07, v7;
	v1 =	vadd.f32 v1, v24;
	[tilespmem:s6+$0xFFFFFEC0] =	vst v12;
	v12 =	vpop (erf)  }
0xea: {  	v16 =	vld [tilespmem:s24+$0xFFFFFEB0];
	[tilespmem:s20+$0x20] =	vst v4;
	v17 =	vmul.f32 $1.442695020e+00, v3;
	v14 =	vmul.f32 v12, v14  }
0xeb: {  	v10 =	vld [tilespmem:s17+$0xFFFFFEB0];
	v1 =	vmax.f32 v1, $0.0e+00;
	v22 =	vmul.f32 $1.442695020e+00, v23;
	[tilespmem:s6+$0xFFFFFF40] =	vst v2;
	v2 =	vpop (erf)  }
0xec: {  	v7 =	vld [tilespmem:s24+$0xFFFFFF30];
	(erf) = vpow2.f32 v17;
	[tilespmem:s6+$0xFFFFFFC0] =	vst v14;
	v14 =	vmul.f32 v2, v15;
	v15 =	vadd.f32 v62, v19  }
0xed: {  	v6 =	vadd.f32 v20, v6;
	v17 =	vld [tilespmem:s17+$0xFFFFFF30];
	(erf) = vpow2.f32 v22;
	[tilespmem:s6+$0xFFFFFF00] =	vst v18;
	v18 =	vadd.f32 $1.000000010e-07, v1  }
0xee: {  	v4 =	vmul.f32 v4, v11;
	v1 =	vmax.f32 v9, $0.0e+00;
	v20 =	vld [tilespmem:s8+$0xFFFFFE90];
	[tilespmem:s6+$0x40] =	vst v14;
	v14 =	vmax.f32 v15, $0.0e+00  }
0xef: {  	v6 =	vmax.f32 v6, $0.0e+00;
	v9 =	vld [tilespmem:s23+$0xFFFFFE90];
	v11 =	vadd.f32 $1.000000010e-07, v1;
	v19 =	vmul.f32 $1.442695020e+00, v18  }
0xf0: {  	v6 =	vadd.f32 $1.000000010e-07, v6;
	v10 =	vadd.f32 v10, v16;
	v16 =	vld [tilespmem:s8+$0xFFFFFF10];
	[tilespmem:s6+$0xFFFFFF80] =	vst v12;
	v15 =	vpop (erf)  }
0xf1: {  	v1 =	vld [tilespmem:s23+$0xFFFFFF10];
	[tilespmem:s6+$0x0] =	vst v2;
	(erf) = vpow2.f32 v19;
	v19 =	vmul.f32 $1.442695020e+00, v11;
	v2 =	vadd.f32 $1.000000010e-07, v14;
	v14 =	vpop (erf)  }
0xf2: {  	v12 =	vadd.f32 v17, v7;
	v7 =	vmul.f32 $1.442695020e+00, v6;
	v17 =	vld [tilespmem:s8+$0xFFFFFF90];
	v8 =	vmul.f32 v14, v8  }
0xf3: {  	[tilespmem:s20+$0xFFFFFFE0] =	vst v5;
	v21 =	vld [tilespmem:s23+$0xFFFFFF90]  }
0xf4: {  	v5 =	vadd.f32 v9, v20;
	v20 =	vld [tilespmem:s24+$0xFFFFFFB0];
	(erf) = vpow2.f32 v7  }
0xf5: {  	v9 =	vld [tilespmem:s8+$0x10];
	(erf) = vpow2.f32 v19;
	v13 =	vmul.f32 v15, v13;
	[tilespmem:s6+$0x80] =	vst v14;
	v19 =	vpop (erf)  }
0xf6: {  	v7 =	vmax.f32 v10, $0.0e+00;
	v10 =	vld [tilespmem:s23+$0x10];
	v14 =	vmul.f32 $1.442695020e+00, v2;
	[tilespmem:s6+$0xC0] =	vst v8;
	v8 =	vpop (erf)  }
0xf7: {  	v1 =	vadd.f32 v1, v16;
	v5 =	vmax.f32 v5, $0.0e+00;
	[tilespmem:s20+$0x1F0] =	vst v13;
	v16 =	vld [tilespmem:s8+$0x90];
	v13 =	vmul.f32 v8, v23  }
0xf8: {  	v5 =	vadd.f32 $1.000000010e-07, v5;
	(erf) = vpow2.f32 v14;
	v14 =	vld [tilespmem:s23+$0x90];
	[tilespmem:s6+$0xFFFFFE00] =	vst v8  }
0xf9: {  	v12 =	vmax.f32 v12, $0.0e+00;
	v3 =	vmul.f32 v19, v3;
	v8 =	vadd.f32 v21, v17;
	v17 =	vld [tilespmem:s17+$0xFFFFFFB0];
	[tilespmem:s6+$0xFFFFFE40] =	vst v13  }
0xfa: {  	v21 =	vmax.f32 v1, $0.0e+00;
	v1 =	vadd.f32 $1.000000010e-07, v12;
	v12 =	vmul.f32 $1.442695020e+00, v5;
	v13 =	vld [tilespmem:s8+$0xFFFFFE10]  }
0xfb: {  	[tilespmem:s6+$0x100] =	vst v19;
	v9 =	vadd.f32 v10, v9;
	v19 =	vld [tilespmem:s23+$0xFFFFFE10]  }
0xfc: {  	v7 =	vadd.f32 $1.000000010e-07, v7;
	[tilespmem:s6+$0x140] =	vst v3;
	v3 =	vadd.f32 $1.000000010e-07, v21;
	v8 =	vmax.f32 v8, $0.0e+00  }
0xfd: {  	[tilespmem:s20+$0x60] =	vst v4;
	v4 =	vmax.f32 v9, $0.0e+00;
	(erf) = vpow2.f32 v12;
	v8 =	vadd.f32 $1.000000010e-07, v8  }
0xfe: {  	v4 =	vadd.f32 $1.000000010e-07, v4;
	v21 =	vmul.f32 $1.442695020e+00, v3;
	v14 =	vadd.f32 v14, v16;
	v12 =	vpop (erf)  }
0xff: {  	v9 =	vld [tilespmem:s8+$0x110];
	v18 =	vmul.f32 v12, v18;
	[tilespmem:s20+$0xFFFFFE20] =	vst v12;
	v12 =	vpop (erf);
	v22 =	vmul.f32 $1.442695020e+00, v8;
	v17 =	vadd.f32 v17, v20  }
0x100: {  	v16 =	vld [tilespmem:s23+$0x110];
	(erf) = vpow2.f32 v21;
	v20 =	vmul.f32 $1.442695020e+00, v4;
	[tilespmem:s20+$0xA0] =	vst v12;
	v13 =	vadd.f32 v19, v13  }
0x101: {  	v14 =	vmax.f32 v14, $0.0e+00;
	v6 =	vmul.f32 v12, v6;
	v12 =	vpop (erf);
	[tilespmem:s20+$0xFFFFFE60] =	vst v18;
	v18 =	vld [tilespmem:s24+$0x30];
	(erf) = vpow2.f32 v22  }
0x102: {  	[tilespmem:s20+$0x1B0] =	vst v15;
	v14 =	vadd.f32 $1.000000010e-07, v14;
	v21 =	vld [tilespmem:s24+$0xFFFFFE30];
	v19 =	vpop (erf);
	(erf) = vpow2.f32 v20;
	v13 =	vmax.f32 v13, $0.0e+00  }
0x103: {  	v11 =	vmul.f32 v12, v11;
	v23 =	vld [tilespmem:s17+$0xFFFFFE30];
	v2 =	vmul.f32 v19, v2;
	[tilespmem:s6+$0x190] =	vst v19;
	v19 =	vadd.f32 $1.000000010e-07, v13  }
0x104: {  	v10 =	vmul.f32 $1.442695020e+00, v7;
	[tilespmem:s20+$0xE0] =	vst v6;
	v6 =	vld [tilespmem:s17+$0x30]  }
0x105: {  	v20 =	vmul.f32 $1.442695020e+00, v14;
	v9 =	vadd.f32 v16, v9;
	v16 =	vld [tilespmem:s24+$0xB0];
	[tilespmem:s20+$0x160] =	vst v11;
	v11 =	vmul.f32 $1.442695020e+00, v19  }
0x106: {  	v22 =	vmul.f32 $1.442695020e+00, v1;
	[tilespmem:s20+$0x120] =	vst v12;
	v17 =	vmax.f32 v17, $0.0e+00;
	v12 =	vld [tilespmem:s17+$0xB0];
	(erf) = vpow2.f32 v10;
	v13 =	vpop (erf)  }
0x107: {  	(erf) = vpow2.f32 v20;
	[tilespmem:s6+$0x1D0] =	vst v2;
	v2 =	vadd.f32 $1.000000010e-07, v17;
	v17 =	vld [tilespmem:s24+$0x130];
	v5 =	vmul.f32 v13, v5  }
0x108: {  	v10 =	vld [tilespmem:s8+$0x1A0];
	(erf) = vpow2.f32 v22;
	[tilespmem:s6+$0xFFFFFE90] =	vst v13  }
0x109: {  	v9 =	vmax.f32 v9, $0.0e+00;
	v15 =	vld [tilespmem:s23+$0x1A0];
	(erf) = vpow2.f32 v11;
	[tilespmem:s6+$0xFFFFFED0] =	vst v5;
	v11 =	vpop (erf)  }
0x10a: {  	v9 =	vadd.f32 $1.000000010e-07, v9;
	v6 =	vadd.f32 v6, v18;
	v18 =	vld [tilespmem:s17+$0x130];
	[tilespmem:s6+$0xFFFFFF10] =	vst v11;
	v3 =	vmul.f32 v11, v3;
	v11 =	vpop (erf)  }
0x10b: {  	v13 =	vadd.f32 v23, v21;
	v21 =	vld [tilespmem:s8+$0xFFFFFEA0];
	[tilespmem:s6+$0xFFFFFF90] =	vst v11;
	v8 =	vmul.f32 v11, v8;
	v11 =	vpop (erf)  }
0x10c: {  	v12 =	vadd.f32 v12, v16;
	v5 =	vmul.f32 $1.442695020e+00, v9;
	v16 =	vld [tilespmem:s23+$0xFFFFFEA0];
	v4 =	vmul.f32 v11, v4  }
0x10d: {  	v13 =	vmax.f32 v13, $0.0e+00  }
0x10e: {  	(erf) = vpow2.f32 v5;
	v5 =	vmax.f32 v6, $0.0e+00;
	v6 =	vadd.f32 $1.000000010e-07, v13;
	[tilespmem:s6+$0xFFFFFF50] =	vst v3  }
0x10f: {  	v20 =	vmul.f32 $1.442695020e+00, v2;
	v10 =	vadd.f32 v15, v10;
	v17 =	vadd.f32 v18, v17;
	[tilespmem:s6+$0x10] =	vst v11;
	v63 =	vpop (erf)  }
0x110: {  	v5 =	vadd.f32 $1.000000010e-07, v5;
	v3 =	vmax.f32 v12, $0.0e+00;
	v11 =	vmul.f32 $1.442695020e+00, v6;
	v22 =	vld [tilespmem:s8+$0xFFFFFF20];
	[tilespmem:s6+$0x50] =	vst v4;
	v4 =	vpop (erf)  }
0x111: {  	[tilespmem:s6+$0xFFFFFFD0] =	vst v8;
	v23 =	vld [tilespmem:s23+$0xFFFFFF20];
	v8 =	vmax.f32 v10, $0.0e+00;
	v18 =	vadd.f32 v16, v21;
	v21 =	vmul.f32 v4, v14  }
0x112: {  	v3 =	vadd.f32 $1.000000010e-07, v3;
	v15 =	vmul.f32 $1.442695020e+00, v5;
	v13 =	vld [tilespmem:s8+$0xFFFFFFA0];
	v10 =	vadd.f32 $1.000000010e-07, v8  }
0x113: {  	[tilespmem:s20+$0xFFFFFEB0] =	vst v63;
	v16 =	vld [tilespmem:s23+$0xFFFFFFA0];
	(erf) = vpow2.f32 v11;
	v11 =	vmul.f32 v63, v7  }
0x114: {  	v12 =	vmul.f32 $1.442695020e+00, v3;
	v25 =	vmul.f32 $1.442695020e+00, v10;
	[tilespmem:s6+$0x90] =	vst v4;
	v4 =	vmax.f32 v17, $0.0e+00;
	v14 =	vld [tilespmem:s8+$0x20];
	v8 =	vpop (erf)  }
0x115: {  	s14 =	simm.s32 $0x8;
	v18 =	vmax.f32 v18, $0.0e+00;
	v17 =	vld [tilespmem:s23+$0x20];
	v4 =	vadd.f32 $1.000000010e-07, v4;
	[tilespmem:s6+$0xD0] =	vst v21;
	v21 =	vpop (erf);
	(erf) = vpow2.f32 v20  }
0x116: {  	s11 =	simm.s32 $0x4900;
	s10 =	simm.s32 $0x8900;
	s17 =	sadd.s32 $0x400, s8;
	v7 =	vld [tilespmem:s8+$0xA0];
	[tilespmem:s6+$0xFFFFFE10] =	vst v21;
	v20 =	vmul.f32 v21, v19;
	v19 =	vadd.f32 v23, v22;
	(erf) = vpow2.f32 v25  }
.LBB2_5:
0x117: {  	v21 =	vld [tilespmem:s17+$0x180];
	v18 =	vadd.f32 $1.000000010e-07, v18;
	s23 =	sadd.s32 $0x400, s23;
	v22 =	vpop (erf);
	[tilespmem:s20+$0xFFFFFEF0] =	vst v11;
	v1 =	vmul.f32 v8, v1;
	(erf) = vpow2.f32 v15  }
0x118: {  	v11 =	vld [tilespmem:s23+$0x180];
	[tilespmem:s6+$0xFFFFFE50] =	vst v20;
	v15 =	vmax.f32 v19, $0.0e+00;
	v13 =	vadd.f32 v16, v13;
	v9 =	vmul.f32 v22, v9  }
0x119: {  	v20 =	vmul.f32 $1.442695020e+00, v4;
	v16 =	vld [tilespmem:s23+$0xFFFFFE00];
	v19 =	vmul.f32 $1.442695020e+00, v18;
	v15 =	vadd.f32 $1.000000010e-07, v15;
	[tilespmem:s6+$0x110] =	vst v22  }
0x11a: {  	v22 =	vld [tilespmem:s17+$0xFFFFFE80];
	v13 =	vmax.f32 v13, $0.0e+00;
	v14 =	vadd.f32 v17, v14;
	[tilespmem:s6+$0x150] =	vst v9;
	(erf) = vpow2.f32 v12  }
0x11b: {  	s14 =	sadd.s32 $0x8, s14;
	v9 =	vld [tilespmem:s23+$0xFFFFFE80];
	v23 =	vmul.f32 $1.442695020e+00, v15;
	v13 =	vadd.f32 $1.000000010e-07, v13;
	(erf) = vpow2.f32 v19;
	[tilespmem:s20+$0xFFFFFF70] =	vst v1  }
0x11c: {  	p1 =	slt.u32 s14, $0x38;
	v17 =	vld [tilespmem:s17+$0xFFFFFF00];
	v1 =	vmax.f32 v14, $0.0e+00;
	[tilespmem:s20+$0xFFFFFF30] =	vst v8;
	(erf) = vpow2.f32 v20  }
0x11d: {  	v8 =	vld [tilespmem:s23+$0xFFFFFF00];
	v11 =	vadd.f32 v11, v21;
	v24 =	vmul.f32 $1.442695020e+00, v13;
	v1 =	vadd.f32 $1.000000010e-07, v1;
	v19 =	vpop (erf)  }
0x11e: {  	v20 =	vld [tilespmem:s17+$0xFFFFFF80];
	(erf) = vpow2.f32 v23;
	[tilespmem:s20+$0xFFFFFE30] =	vst v19;
	v23 =	vmul.f32 v19, v6;
	v12 =	vpop (erf)  }
0x11f: {  	v19 =	vld [tilespmem:s23+$0xFFFFFF80];
	v11 =	vmax.f32 v11, $0.0e+00;
	v21 =	vmul.f32 $1.442695020e+00, v1;
	(erf) = vpow2.f32 v24;
	v14 =	vpop (erf);
	[tilespmem:s20+$0xFFFFFFB0] =	vst v12  }
0x120: {  	v9 =	vadd.f32 v9, v22;
	v22 =	vld [tilespmem:s17+$0x0];
	v11 =	vadd.f32 $1.000000010e-07, v11;
	v10 =	vmul.f32 v14, v10;
	[tilespmem:s20+$0xFFFFFE70] =	vst v23;
	v6 =	vpop (erf)  }
0x121: {  	v2 =	vmul.f32 v12, v2;
	v23 =	vld [tilespmem:s23+$0x0];
	[tilespmem:s6+$0x1A0] =	vst v14;
	(erf) = vpow2.f32 v21  }
0x122: {  	v9 =	vmax.f32 v9, $0.0e+00;
	v8 =	vadd.f32 v8, v17;
	v12 =	vld [tilespmem:s17+$0x80];
	v14 =	vmul.f32 $1.442695020e+00, v11;
	[tilespmem:s6+$0x1E0] =	vst v10  }
0x123: {  	v9 =	vadd.f32 $1.000000010e-07, v9;
	v10 =	vld [tilespmem:s8+$0x1B0];
	[tilespmem:s20+$0xFFFFFFF0] =	vst v2;
	v2 =	vmul.f32 v6, v5;
	v5 =	vpop (erf)  }
0x124: {  	v8 =	vmax.f32 v8, $0.0e+00;
	v17 =	vadd.f32 v19, v20;
	(erf) = vpow2.f32 v14;
	v14 =	vld [tilespmem:s11+$0x1B0];
	v19 =	vpop (erf);
	[tilespmem:s20+$0x30] =	vst v6  }
0x125: {  	v24 =	vmul.f32 $1.442695020e+00, v9;
	v8 =	vadd.f32 $1.000000010e-07, v8;
	v20 =	vld [tilespmem:s23+$0x80];
	[tilespmem:s6+$0xFFFFFEA0] =	vst v19;
	v18 =	vmul.f32 v19, v18;
	v19 =	vpop (erf)  }
0x126: {  	v17 =	vmax.f32 v17, $0.0e+00;
	v21 =	vadd.f32 v23, v22;
	v22 =	vld [tilespmem:s17+$0x100];
	[tilespmem:s20+$0x70] =	vst v2;
	v2 =	vmul.f32 v5, v3  }
0x127: {  	v3 =	vmul.f32 $1.442695020e+00, v8;
	v17 =	vadd.f32 $1.000000010e-07, v17;
	v23 =	vld [tilespmem:s23+$0x100];
	(erf) = vpow2.f32 v24;
	[tilespmem:s6+$0xFFFFFEE0] =	vst v18;
	v6 =	vpop (erf)  }
0x128: {  	v4 =	vmul.f32 v19, v4;
	v18 =	vld [tilespmem:s17+$0xFFFFFE00];
	v21 =	vmax.f32 v21, $0.0e+00;
	[tilespmem:s6+$0xFFFFFF20] =	vst v6;
	v6 =	vmul.f32 v6, v15;
	v15 =	vpop (erf)  }
0x129: {  	v24 =	vmul.f32 $1.442695020e+00, v17;
	v21 =	vadd.f32 $1.000000010e-07, v21;
	v25 =	vld [tilespmem:s8+$0xFFFFFE20];
	[tilespmem:s6+$0xFFFFFFA0] =	vst v15;
	v10 =	vadd.f32 v14, v10  }
0x12a: {  	v12 =	vadd.f32 v20, v12;
	(erf) = vpow2.f32 v3;
	v3 =	vld [tilespmem:s11+$0xFFFFFE20];
	[tilespmem:s6+$0xFFFFFF60] =	vst v6;
	v6 =	vmul.f32 v15, v13;
	v13 =	vpop (erf)  }
0x12b: {  	v26 =	vmul.f32 $1.442695020e+00, v21;
	(erf) = vpow2.f32 v24;
	[tilespmem:s6+$0x20] =	vst v13;
	v15 =	vld [tilespmem:s11+$0xA0];
	v10 =	vmax.f32 v10, $0.0e+00  }
0x12c: {  	v12 =	vmax.f32 v12, $0.0e+00;
	v20 =	vadd.f32 v23, v22;
	[tilespmem:s6+$0xFFFFFFE0] =	vst v6;
	v6 =	vld [tilespmem:s8+$0x120];
	v10 =	vadd.f32 $1.000000010e-07, v10  }
0x12d: {  	v16 =	vadd.f32 v16, v18;
	v12 =	vadd.f32 $1.000000010e-07, v12;
	(erf) = vpow2.f32 v26;
	v14 =	vpop (erf);
	v18 =	vld [tilespmem:s11+$0x120];
	[tilespmem:s20+$0xF0] =	vst v2  }
0x12e: {  	s6 =	sadd.s32 $0x400, s6;
	v2 =	vmax.f32 v20, $0.0e+00;
	v23 =	vmul.f32 v14, v11;
	v20 =	vld [tilespmem:s8+$0xFFFFFEB0];
	v22 =	vmul.f32 $1.442695020e+00, v10;
	[tilespmem:s20+$0x170] =	vst v4  }
0x12f: {  	v4 =	vmax.f32 v16, $0.0e+00;
	v16 =	vmul.f32 $1.442695020e+00, v12;
	v2 =	vadd.f32 $1.000000010e-07, v2;
	[tilespmem:s6+$0x180] =	vst v14;
	v14 =	vld [tilespmem:s11+$0xFFFFFEB0]  }
0x130: {  	v3 =	vadd.f32 v3, v25;
	v4 =	vadd.f32 $1.000000010e-07, v4;
	[tilespmem:s6+$0x1C0] =	vst v23;
	v11 =	vpop (erf);
	v23 =	vld [tilespmem:s8+$0xFFFFFF30];
	(erf) = vpow2.f32 v22  }
0x131: {  	v7 =	vadd.f32 v15, v7;
	[tilespmem:s6+$0xFFFFFE80] =	vst v11;
	v22 =	vmul.f32 $1.442695020e+00, v2;
	v24 =	vld [tilespmem:s17+$0x190];
	(erf) = vpow2.f32 v16  }
0x132: {  	v25 =	vmul.f32 v11, v9;
	v15 =	vmul.f32 $1.442695020e+00, v4;
	v11 =	vld [tilespmem:s23+$0x190];
	v6 =	vadd.f32 v18, v6;
	[tilespmem:s20+$0xB0] =	vst v5  }
0x133: {  	v3 =	vmax.f32 v3, $0.0e+00;
	v7 =	vmax.f32 v7, $0.0e+00;
	v5 =	vpop (erf);
	(erf) = vpow2.f32 v22;
	v16 =	vld [tilespmem:s11+$0xFFFFFF30];
	[tilespmem:s20+$0x130] =	vst v19;
	s20 =	smov.u32 s10;
	s10 =	smov.u32 s6  }
0x134: {  	[tilespmem:s6+$0xFFFFFEC0] =	vst v25;
	v19 =	vmul.f32 v5, v8;
	(erf) = vpow2.f32 v15;
	v9 =	vpop (erf);
	v15 =	vld [tilespmem:s8+$0xFFFFFFB0];
	v6 =	vmax.f32 v6, $0.0e+00  }
0x135: {  	v3 =	vadd.f32 $1.000000010e-07, v3;
	v18 =	vld [tilespmem:s17+$0xFFFFFE90];
	[tilespmem:s6+$0xFFFFFF00] =	vst v5;
	v5 =	vmul.f32 v9, v17;
	v17 =	vadd.f32 $1.000000010e-07, v7  }
0x136: {  	v13 =	vmul.f32 v13, v1;
	v25 =	vadd.f32 v14, v20;
	v6 =	vadd.f32 $1.000000010e-07, v6;
	v7 =	vld [tilespmem:s23+$0xFFFFFE90];
	[tilespmem:s6+$0xFFFFFF40] =	vst v19;
	v8 =	vpop (erf)  }
0x137: {  	v19 =	vmul.f32 $1.442695020e+00, v3;
	v1 =	vld [tilespmem:s17+$0xFFFFFF10];
	[tilespmem:s6+$0xFFFFFFC0] =	vst v5;
	v5 =	vmul.f32 v8, v21;
	v11 =	vadd.f32 v11, v24  }
0x138: {  	v21 =	vmul.f32 $1.442695020e+00, v6;
	v20 =	vld [tilespmem:s23+$0xFFFFFF10];
	[tilespmem:s6+$0xFFFFFF80] =	vst v9;
	v9 =	vadd.f32 v16, v23;
	v16 =	vmul.f32 $1.442695020e+00, v17  }
0x139: {  	v22 =	vld [tilespmem:s17+$0xFFFFFF90];
	[tilespmem:s6+$0x40] =	vst v5;
	v5 =	vmax.f32 v11, $0.0e+00;
	v11 =	vmax.f32 v25, $0.0e+00;
	(erf) = vpow2.f32 v19;
	v14 =	vpop (erf)  }
0x13a: {  	v19 =	vld [tilespmem:s23+$0xFFFFFF90];
	[tilespmem:s6+$0x0] =	vst v8;
	v5 =	vadd.f32 $1.000000010e-07, v5;
	v8 =	vpop (erf);
	v10 =	vmul.f32 v14, v10;
	(erf) = vpow2.f32 v16  }
0x13b: {  	v16 =	vadd.f32 v7, v18;
	v18 =	vld [tilespmem:s17+$0x10];
	[tilespmem:s6+$0x80] =	vst v8;
	v24 =	vmul.f32 v8, v12;
	(erf) = vpow2.f32 v21  }
0x13c: {  	v9 =	vmax.f32 v9, $0.0e+00;
	v7 =	vadd.f32 $1.000000010e-07, v11;
	v12 =	vld [tilespmem:s23+$0x10];
	v21 =	vmul.f32 $1.442695020e+00, v5;
	v23 =	vpop (erf);
	[tilespmem:s20+$0x1F0] =	vst v10  }
0x13d: {  	v10 =	vmax.f32 v16, $0.0e+00;
	v1 =	vadd.f32 v20, v1;
	[tilespmem:s6+$0xC0] =	vst v24;
	v2 =	vmul.f32 v23, v2;
	v8 =	vpop (erf);
	v11 =	vld [tilespmem:s11+$0xFFFFFFB0]  }
0x13e: {  	[tilespmem:s6+$0xFFFFFE00] =	vst v8;
	v4 =	vmul.f32 v8, v4;
	v8 =	vadd.f32 $1.000000010e-07, v10;
	v10 =	vld [tilespmem:s17+$0x90];
	(erf) = vpow2.f32 v21  }
0x13f: {  	v16 =	vmax.f32 v1, $0.0e+00;
	v19 =	vadd.f32 v19, v22;
	v20 =	vld [tilespmem:s23+$0x90];
	[tilespmem:s6+$0x140] =	vst v2;
	v1 =	vadd.f32 $1.000000010e-07, v9  }
0x140: {  	v9 =	vmul.f32 $1.442695020e+00, v7;
	[tilespmem:s6+$0xFFFFFE40] =	vst v4;
	v24 =	vmul.f32 $1.442695020e+00, v8;
	v4 =	vadd.f32 $1.000000010e-07, v16  }
0x141: {  	v16 =	vld [tilespmem:s17+$0xFFFFFE10];
	v19 =	vmax.f32 v19, $0.0e+00;
	v12 =	vadd.f32 v12, v18;
	[tilespmem:s6+$0x100] =	vst v23;
	v18 =	vmul.f32 $1.442695020e+00, v1  }
0x142: {  	v21 =	vld [tilespmem:s23+$0xFFFFFE10];
	v22 =	vmul.f32 $1.442695020e+00, v4;
	v19 =	vadd.f32 $1.000000010e-07, v19;
	(erf) = vpow2.f32 v24;
	[tilespmem:s20+$0x60] =	vst v13;
	v2 =	vpop (erf)  }
0x143: {  	v12 =	vmax.f32 v12, $0.0e+00;
	v13 =	vld [tilespmem:s17+$0x110];
	[tilespmem:s20+$0xFFFFFE20] =	vst v2;
	v2 =	vmul.f32 v2, v3;
	v3 =	vadd.f32 v11, v15;
	v11 =	vpop (erf)  }
0x144: {  	v15 =	vmul.f32 $1.442695020e+00, v19;
	v12 =	vadd.f32 $1.000000010e-07, v12;
	v24 =	vadd.f32 v20, v10;
	v20 =	vld [tilespmem:s23+$0x110];
	[tilespmem:s20+$0xA0] =	vst v11;
	v23 =	vpop (erf)  }
0x145: {  	v11 =	vmul.f32 v11, v17;
	(erf) = vpow2.f32 v22;
	[tilespmem:s20+$0xFFFFFE60] =	vst v2;
	v2 =	vmax.f32 v3, $0.0e+00;
	v3 =	vld [tilespmem:s8+$0x30]  }
0x146: {  	v17 =	vmul.f32 $1.442695020e+00, v12;
	v22 =	vmax.f32 v24, $0.0e+00;
	(erf) = vpow2.f32 v15;
	v15 =	vld [tilespmem:s8+$0xFFFFFE30];
	[tilespmem:s20+$0x120] =	vst v23  }
0x147: {  	v6 =	vmul.f32 v23, v6;
	v16 =	vadd.f32 v21, v16;
	v21 =	vadd.f32 $1.000000010e-07, v22;
	v10 =	vpop (erf);
	v22 =	vld [tilespmem:s11+$0xFFFFFE30];
	[tilespmem:s20+$0xE0] =	vst v11  }
0x148: {  	v2 =	vadd.f32 $1.000000010e-07, v2;
	v5 =	vmul.f32 v10, v5;
	(erf) = vpow2.f32 v17;
	v11 =	vld [tilespmem:s11+$0x30];
	[tilespmem:s20+$0x1B0] =	vst v14  }
0x149: {  	v17 =	vmax.f32 v16, $0.0e+00;
	v16 =	vmul.f32 $1.442695020e+00, v21;
	v13 =	vadd.f32 v20, v13;
	[tilespmem:s6+$0x190] =	vst v10;
	v10 =	vld [tilespmem:s8+$0xB0]  }
0x14a: {  	v23 =	vmul.f32 $1.442695020e+00, v2;
	v20 =	vadd.f32 $1.000000010e-07, v17;
	[tilespmem:s6+$0x1D0] =	vst v5;
	v5 =	vld [tilespmem:s11+$0xB0];
	(erf) = vpow2.f32 v9  }
0x14b: {  	v9 =	vmax.f32 v13, $0.0e+00;
	v13 =	vld [tilespmem:s17+$0x1A0];
	v14 =	vpop (erf);
	(erf) = vpow2.f32 v16;
	[tilespmem:s20+$0x160] =	vst v6  }
0x14c: {  	v16 =	vmul.f32 $1.442695020e+00, v20;
	[tilespmem:s6+$0xFFFFFE90] =	vst v14;
	v8 =	vmul.f32 v14, v8;
	v9 =	vadd.f32 $1.000000010e-07, v9;
	v14 =	vld [tilespmem:s23+$0x1A0]  }
0x14d: {  	v15 =	vadd.f32 v22, v15;
	v3 =	vadd.f32 v11, v3;
	v11 =	vld [tilespmem:s8+$0x130];
	(erf) = vpow2.f32 v18;
	s8 =	smov.u32 s17  }
0x14e: {  	[tilespmem:s6+$0xFFFFFED0] =	vst v8;
	v22 =	vmul.f32 $1.442695020e+00, v9;
	(erf) = vpow2.f32 v16;
	v6 =	vpop (erf);
	v16 =	vld [tilespmem:s11+$0x130];
	s11 =	smov.u32 s23  }
0x14f: {  	v15 =	vmax.f32 v15, $0.0e+00;
	v17 =	vld [tilespmem:s17+$0xFFFFFEA0];
	[tilespmem:s6+$0xFFFFFF10] =	vst v6;
	v4 =	vmul.f32 v6, v4;
	v6 =	vpop (erf);
	v5 =	vadd.f32 v5, v10  }
0x150: {  	v3 =	vmax.f32 v3, $0.0e+00;
	v18 =	vld [tilespmem:s23+$0xFFFFFEA0];
	[tilespmem:s6+$0xFFFFFF90] =	vst v6;
	v10 =	vmul.f32 v6, v19;
	(erf) = vpow2.f32 v22  }
0x151: {  	v6 =	vadd.f32 $1.000000010e-07, v15;
	[tilespmem:s6+$0xFFFFFF50] =	vst v4;
	v14 =	vadd.f32 v14, v13;
	v8 =	vpop (erf);
	v13 =	vmax.f32 v5, $0.0e+00  }
0x152: {  	v5 =	vadd.f32 $1.000000010e-07, v3;
	v19 =	vld [tilespmem:s17+$0xFFFFFF20];
	[tilespmem:s6+$0xFFFFFFD0] =	vst v10;
	v10 =	vmul.f32 v8, v12;
	v3 =	vadd.f32 $1.000000010e-07, v13  }
0x153: {  	v26 =	vmul.f32 $1.442695020e+00, v6;
	v22 =	vld [tilespmem:s23+$0xFFFFFF20];
	[tilespmem:s6+$0x10] =	vst v8;
	v12 =	vmax.f32 v14, $0.0e+00;
	v11 =	vadd.f32 v16, v11;
	v24 =	vpop (erf)  }
0x154: {  	v13 =	vld [tilespmem:s17+$0xFFFFFFA0]  }
.Ltmp1:
0x155: {  	v15 =	vmul.f32 $1.442695020e+00, v5;
	[tilespmem:s6+$0x50] =	vst v10;
	v10 =	vadd.f32 $1.000000010e-07, v12;
	v4 =	vpop (erf);
	v12 =	vmul.f32 $1.442695020e+00, v3;
	(pc) =	sbr.rel @p1 .LBB2_5-.Ltmp1, $4  }
0x156: {  	v17 =	vadd.f32 v18, v17;
	v16 =	vld [tilespmem:s23+$0xFFFFFFA0];
	[tilespmem:s6+$0x90] =	vst v4;
	v27 =	vmul.f32 v4, v21;
	v4 =	vmax.f32 v11, $0.0e+00  }
0x157: {  	v14 =	vld [tilespmem:s17+$0x20];
	v25 =	vmul.f32 $1.442695020e+00, v10;
	[tilespmem:s20+$0xFFFFFEB0] =	vst v24;
	v4 =	vadd.f32 $1.000000010e-07, v4;
	(erf) = vpow2.f32 v26;
	v8 =	vpop (erf)  }
0x158: {  	v11 =	vmul.f32 v24, v7;
	v18 =	vmax.f32 v17, $0.0e+00;
	v17 =	vld [tilespmem:s23+$0x20];
	[tilespmem:s6+$0xD0] =	vst v27;
	v21 =	vpop (erf);
	(erf) = vpow2.f32 v23  }
0x159: {  	s17 =	sadd.s32 $0x400, s17;
	[tilespmem:s6+$0xFFFFFE10] =	vst v21;
	v20 =	vmul.f32 v21, v20;
	v19 =	vadd.f32 v22, v19;
	v7 =	vld [tilespmem:s8+$0xA0];
	(erf) = vpow2.f32 v25  }
0x15a: {  	_ =	sdelay $0x4  }
0x15b: {  	v21 =	vpop (erf)  }
0x15c: {  	v22 =	vpop (erf)  }
0x15d: {  	v23 =	vpop (erf)  }
0x15e: {  	v24 =	vpop (erf)  }
0x15f: {  	[tilespmem:s6+$0xFFFFFE50] =	vst v20;
	v10 =	vmul.f32 v24, v10  }
0x160: {  	[tilespmem:s6+$0x1A0] =	vst v24  }
0x161: {  	v56 =	vld [tilespmem:s8+$0xFFFFFE20];
	[tilespmem:s6+$0x1E0] =	vst v10  }
0x162: {  	v10 =	vld [tilespmem:s8+$0x1B0]  }
0x163: {  	v18 =	vadd.f32 $1.000000010e-07, v18;
	v20 =	vld [tilespmem:s11+$0x1B0]  }
0x164: {  	(erf) = vpow2.f32 v15;
	v15 =	vmax.f32 v19, $0.0e+00;
	v13 =	vadd.f32 v16, v13;
	v16 =	vld [tilespmem:s11+$0xFFFFFE20]  }
0x165: {  	v9 =	vmul.f32 v21, v9;
	[tilespmem:s6+$0x110] =	vst v21;
	v21 =	vmul.f32 $1.442695020e+00, v4;
	v15 =	vadd.f32 $1.000000010e-07, v15  }
0x166: {  	v19 =	vmul.f32 $1.442695020e+00, v18;
	v13 =	vmax.f32 v13, $0.0e+00;
	v14 =	vadd.f32 v17, v14  }
0x167: {  	[tilespmem:s6+$0x150] =	vst v9;
	v9 =	vmul.f32 $1.442695020e+00, v15;
	(erf) = vpow2.f32 v12;
	v12 =	vadd.f32 $1.000000010e-07, v13;
	v13 =	vld [tilespmem:s11+$0xA0]  }
0x168: {  	v17 =	vld [tilespmem:s8+$0x120];
	v14 =	vmax.f32 v14, $0.0e+00;
	(erf) = vpow2.f32 v19;
	v10 =	vadd.f32 v20, v10  }
0x169: {  	v14 =	vadd.f32 $1.000000010e-07, v14;
	v19 =	vld [tilespmem:s11+$0x120];
	v16 =	vadd.f32 v16, v56;
	(erf) = vpow2.f32 v21  }
0x16a: {  	(erf) = vpow2.f32 v9;
	v20 =	vmul.f32 $1.442695020e+00, v12;
	v9 =	vmax.f32 v10, $0.0e+00  }
0x16b: {  	v16 =	vmax.f32 v16, $0.0e+00;
	v10 =	vmul.f32 $1.442695020e+00, v14;
	v9 =	vadd.f32 $1.000000010e-07, v9  }
0x16c: {  	v7 =	vadd.f32 v13, v7;
	v13 =	vadd.f32 $1.000000010e-07, v16;
	(erf) = vpow2.f32 v20  }
0x16d: {  	(erf) = vpow2.f32 v10;
	v10 =	vmul.f32 $1.442695020e+00, v9  }
0x16e: {  	v16 =	vadd.f32 v19, v17;
	v17 =	vmul.f32 $1.442695020e+00, v13;
	_ =	sdelay $0x1  }
0x16f: {  	v19 =	vpop (erf)  }
0x170: {  	(erf) = vpow2.f32 v10;
	v10 =	vpop (erf)  }
0x171: {  	(erf) = vpow2.f32 v17;
	v17 =	vpop (erf)  }
0x172: {  	v18 =	vmul.f32 v17, v18  }
0x173: {  	v7 =	vmax.f32 v7, $0.0e+00  }
0x174: {  	v7 =	vadd.f32 $1.000000010e-07, v7  }
0x175: {  	v16 =	vmax.f32 v16, $0.0e+00;
	[tilespmem:s6+$0xFFFFFEA0] =	vst v17;
	v17 =	vpop (erf)  }
0x176: {  	v16 =	vadd.f32 $1.000000010e-07, v16;
	v20 =	vmul.f32 $1.442695020e+00, v7;
	[tilespmem:s6+$0xFFFFFEE0] =	vst v18;
	v18 =	vpop (erf)  }
0x177: {  	v15 =	vmul.f32 v18, v15  }
0x178: {  	v21 =	vmul.f32 $1.442695020e+00, v16;
	(erf) = vpow2.f32 v20  }
0x179: {  	[tilespmem:s6+$0xFFFFFF20] =	vst v18;
	v18 =	vpop (erf)  }
0x17a: {  	(erf) = vpow2.f32 v21;
	[tilespmem:s6+$0xFFFFFFA0] =	vst v18  }
0x17b: {  	v20 =	vld [tilespmem:s8+$0xFFFFFEB0];
	[tilespmem:s6+$0xFFFFFF60] =	vst v15;
	v15 =	vpop (erf)  }
0x17c: {  	v12 =	vmul.f32 v18, v12;
	v18 =	vld [tilespmem:s11+$0xFFFFFEB0];
	[tilespmem:s6+$0x20] =	vst v15;
	v14 =	vmul.f32 v15, v14;
	v15 =	vpop (erf)  }
0x17d: {  	[tilespmem:s20+$0xFFFFFEF0] =	vst v11;
	v57 =	vpop (erf)  }
0x17e: {  	v21 =	vld [tilespmem:s8+$0xFFFFFF30];
	[tilespmem:s6+$0xFFFFFFE0] =	vst v12;
	v13 =	vmul.f32 v57, v13  }
0x17f: {  	v12 =	vld [tilespmem:s11+$0xFFFFFF30];
	[tilespmem:s10+$0xFFFFFE20] =	vst v57  }
0x180: {  	v25 =	vld [tilespmem:s8+$0xFFFFFFB0];
	[tilespmem:s10+$0xFFFFFE60] =	vst v13  }
0x181: {  	[tilespmem:s20+$0xFFFFFF30] =	vst v8;
	v11 =	vadd.f32 v18, v20;
	v58 =	vpop (erf);
	v18 =	vld [tilespmem:s8+$0xFFFFFE30]  }
0x182: {  	[tilespmem:s10+$0x60] =	vst v14;
	v7 =	vmul.f32 v58, v7;
	v59 =	vld [tilespmem:s11+$0xFFFFFE30]  }
0x183: {  	v14 =	vld [tilespmem:s11+$0xFFFFFFB0];
	[tilespmem:s10+$0xA0] =	vst v58;
	v20 =	vpop (erf)  }
0x184: {  	v12 =	vadd.f32 v12, v21;
	v11 =	vmax.f32 v11, $0.0e+00;
	v13 =	vld [tilespmem:s8+$0x30];
	[tilespmem:s10+$0xE0] =	vst v7;
	v7 =	vmul.f32 v20, v16  }
0x185: {  	v1 =	vmul.f32 v8, v1;
	v11 =	vadd.f32 $1.000000010e-07, v11;
	[tilespmem:s10+$0x120] =	vst v20;
	v20 =	vld [tilespmem:s8+$0xB0]  }
0x186: {  	v6 =	vmul.f32 v22, v6;
	v12 =	vmax.f32 v12, $0.0e+00;
	[tilespmem:s10+$0x160] =	vst v7;
	v7 =	vld [tilespmem:s11+$0xB0]  }
0x187: {  	[tilespmem:s20+$0xFFFFFF70] =	vst v1;
	v16 =	vld [tilespmem:s11+$0x30];
	v1 =	vadd.f32 $1.000000010e-07, v12;
	v12 =	vmul.f32 $1.442695020e+00, v11;
	v8 =	vadd.f32 v59, v18  }
0x188: {  	v2 =	vmul.f32 v23, v2;
	v5 =	vmul.f32 v19, v5;
	v14 =	vadd.f32 v14, v25  }
0x189: {  	(erf) = vpow2.f32 v12;
	v12 =	vmul.f32 $1.442695020e+00, v1;
	v8 =	vmax.f32 v8, $0.0e+00  }
0x18a: {  	[tilespmem:s20+$0xFFFFFFF0] =	vst v2;
	v2 =	vmul.f32 v17, v4;
	v14 =	vmax.f32 v14, $0.0e+00;
	v8 =	vadd.f32 $1.000000010e-07, v8  }
0x18b: {  	v21 =	vld [tilespmem:s8+$0x130];
	(erf) = vpow2.f32 v12;
	v4 =	vadd.f32 $1.000000010e-07, v14;
	v7 =	vadd.f32 v7, v20  }
0x18c: {  	[tilespmem:s20+$0xFFFFFE70] =	vst v6;
	v3 =	vmul.f32 v10, v3;
	v18 =	vld [tilespmem:s11+$0x130];
	v6 =	vadd.f32 v16, v13;
	v12 =	vmul.f32 $1.442695020e+00, v8  }
0x18d: {  	[tilespmem:s20+$0x70] =	vst v5;
	v5 =	vmul.f32 $1.442695020e+00, v4;
	v7 =	vmax.f32 v7, $0.0e+00  }
0x18e: {  	[tilespmem:s20+$0xF0] =	vst v3;
	v6 =	vmax.f32 v6, $0.0e+00;
	v3 =	vadd.f32 $1.000000010e-07, v7;
	(erf) = vpow2.f32 v12  }
0x18f: {  	[tilespmem:s20+$0xFFFFFE30] =	vst v22;
	v6 =	vadd.f32 $1.000000010e-07, v6;
	(erf) = vpow2.f32 v5;
	v5 =	vmul.f32 v15, v9  }
0x190: {  	[tilespmem:s20+$0xFFFFFFB0] =	vst v23;
	v9 =	vmul.f32 $1.442695020e+00, v3  }
0x191: {  	[tilespmem:s20+$0x170] =	vst v2;
	v13 =	vadd.f32 v18, v21;
	v2 =	vmul.f32 $1.442695020e+00, v6  }
0x192: {  	[tilespmem:s20+$0x30] =	vst v19  }
0x193: {  	v7 =	vmax.f32 v13, $0.0e+00;
	(erf) = vpow2.f32 v2;
	[tilespmem:s10+$0x1F0] =	vst v5;
	v5 =	vpop (erf)  }
0x194: {  	[tilespmem:s20+$0xB0] =	vst v10;
	v7 =	vadd.f32 $1.000000010e-07, v7;
	(erf) = vpow2.f32 v9;
	v9 =	vpop (erf)  }
0x195: {  	[tilespmem:s20+$0x130] =	vst v17;
	v1 =	vmul.f32 v9, v1  }
0x196: {  	[tilespmem:s10+$0x1B0] =	vst v15;
	v2 =	vmul.f32 $1.442695020e+00, v7  }
0x197: {  	[tilespmem:s10+$0xFFFFFEB0] =	vst v5  }
0x198: {  	(erf) = vpow2.f32 v2;
	[tilespmem:s10+$0xFFFFFF30] =	vst v9  }
0x199: {  	v10 =	vmul.f32 v5, v11;
	[tilespmem:s10+$0xFFFFFF70] =	vst v1;
	v1 =	vpop (erf)  }
0x19a: {  	[tilespmem:s10+$0xFFFFFE30] =	vst v1;
	v1 =	vmul.f32 v1, v8  }
0x19b: {  	[tilespmem:s10+$0xFFFFFEF0] =	vst v10;
	v2 =	vpop (erf)  }
0x19c: {  	[tilespmem:s10+$0xFFFFFFB0] =	vst v2;
	v2 =	vmul.f32 v2, v4  }
0x19d: {  	[tilespmem:s10+$0xFFFFFE70] =	vst v1  }
0x19e: {  	[tilespmem:s10+$0xFFFFFFF0] =	vst v2;
	v1 =	vpop (erf)  }
0x19f: {  	v2 =	vmul.f32 v1, v6;
	v4 =	vpop (erf);
	[tilespmem:s10+$0x30] =	vst v1  }
0x1a0: {  	[tilespmem:s10+$0xB0] =	vst v4  }
0x1a1: {  	v1 =	vpop (erf);
	v3 =	vmul.f32 v4, v3;
	[tilespmem:s10+$0x70] =	vst v2  }
0x1a2: {  	v2 =	vmul.f32 v1, v7;
	[tilespmem:s10+$0x130] =	vst v1  }
0x1a3: {  	[tilespmem:s10+$0xF0] =	vst v3  }
0x1a4: {  	s23 =	simm.s32 $0x200;
	s6 =	simm.s32 @!p0 $0x7;
	[tilespmem:s10+$0x170] =	vst v2  }
0x1a5: {  	[spmem:s5] =	stream.indirect.scatter.add.f32 [tilespmem:s30], [sflag:$0x5], $0x80, s23, s0, $0xb8;
	[tilespmem:$0x1FF00] =	vst v63  }
0x1a6: {  	_ =	swait.ge @!p0 [sflag:s6], $0x40  }
0x1a7: {  	[sflag:s6] =	ssyncset.done @!p0 $0x0  }
0x1a8: {  	[sflag:s6] =	ssyncadd.s32 @!p0 $0xFFFFFFC0  }
0x1a9: {  	_ =	swait.ge @!p0 [sflag:s6], $0x40  }
0x1aa: {  	s8 =	simm.s32 @!p0 $0x40;
	[sflag:s6] =	ssyncset.done @!p0 $0x0  }
0x1ab: {  	s10 =	simm.s32 @!p0 $0x300;
	[sflag:s6] =	ssyncadd.s32 @!p0 $0xFFFFFFC0;
	s6 =	simm.s32 @!p0 $0x0  }
0x1ac: {  	[tilespmem:s10], [sflag:$0x1] =	stream.indirect.gather @!p0 [hbm4b:s1+s8], $0x80, s6, s8, $0xb8;
	[tilespmem:$0x1FF00] =	vst v63  }
0x1ad: {  	p1 =	seq.s32 @!p0 s26, $0x0;
	s8 =	sshll.u32 @!p0 s28, $0xA  }
0x1ae: {  	p1 =	por p0, !p1;
	s10 =	simm.s32 @!p0 $0x4300;
	s8 =	sadd.s32 @!p0 s8, s18  }
0x1af: {  	[tilespmem:s10], [sflag:$0x3] =	stream.linear.gather @!p0 [hbm4b:s8+s6], $0x2000, $0x38;
	[tilespmem:$0x1FF00] =	vst v63  }
0x1b0: {  	_ =	swait.ge @p1 [sflag:s22], $0x2000  }
0x1b1: {  	[sflag:s22] =	ssyncset.done @p1 $0x0  }
0x1b2: {  	[sflag:s22] =	ssyncadd.s32 @p1 $0xFFFFE000  }
0x1b3: {  	v1 =	vld [tilespmem:$0x180]  }
0x1b4: {  	v2 =	vld [tilespmem:$0x190]  }
0x1b5: {  	v3 =	vld [tilespmem:$0x1A0]  }
0x1b6: {  	v4 =	vld [tilespmem:$0x1B0];
	_ =	sdelay $0x1  }
0x1b7: {  	[tilespmem:$0x280] =	vst v1  }
0x1b8: {  	[tilespmem:$0x290] =	vst v2  }
0x1b9: {  	[tilespmem:$0x2A0] =	vst v3  }
0x1ba: {  	s8 =	sshll.u32 @!p0 s26, $0x7;
	[tilespmem:$0x2B0] =	vst v4  }
0x1bb: {  	s8 =	sadd.s32 @!p0 s8, s29;
	_ =	swait.ge [sflag:s15], $0x2000  }
0x1bc: {  	s8 =	sshrl.u32 @!p0 s8, $0x3;
	[sflag:s15] =	ssyncset.done $0x0  }
0x1bd: {  	s11 =	simm.s32 @!p0 $0x80;
	s10 =	sadd.s32 @!p0 s3, s8;
	[sflag:s15] =	ssyncadd.s32 $0xFFFFE000  }
0x1be: {  	[tilespmem:s11], [sflag:$0x7] =	stream.linear.gather @!p0 [hbm4b:s10+s6], $0x40, $0x38;
	[tilespmem:$0x1FF00] =	vst v63  }
0x1bf: {  	s8 =	sadd.s32 @!p0 s7, s8;
	s10 =	simm.s32 @!p0 $0x180  }
0x1c0: {  	[tilespmem:s10], [sflag:$0x7] =	stream.linear.gather @!p0 [hbm4b:s8+s6], $0x40, $0x38;
	[tilespmem:$0x1FF00] =	vst v63  }
0x1c1: {  	_ =	swait.ge [sflag:s16], $0x2000  }
0x1c2: {  	[sflag:s16] =	ssyncset.done $0x0  }
0x1c3: {  	[sflag:s16] =	ssyncadd.s32 $0xFFFFE000  }
0x1c4: {  	s28 =	simm.s32 $0x66B0;
	v1 =	vld [tilespmem:s25+$0xFFFFFFD0]  }
0x1c5: {  	v2 =	vld [tilespmem:s28+$0xFFFFFFD0];
	_ =	sdelay $0x1  }
0x1c6: {  	v3 =	vld [tilespmem:s25+$0xFFFFFCD0]  }
0x1c7: {  	v4 =	vld [tilespmem:s28+$0xFFFFFCD0]  }
0x1c8: {  	v5 =	vld [tilespmem:s25+$0xFFFFFD50]  }
0x1c9: {  	v1 =	vadd.f32 v2, v1;
	v2 =	vld [tilespmem:s28+$0xFFFFFD50]  }
0x1ca: {  	v6 =	vld [tilespmem:s25+$0xFFFFFDD0]  }
0x1cb: {  	v7 =	vld [tilespmem:s28+$0xFFFFFDD0]  }
0x1cc: {  	v1 =	vmax.f32 v1, $0.0e+00  }
0x1cd: {  	v8 =	vld [tilespmem:s28+$0xFFFFFE50];
	v3 =	vadd.f32 v4, v3;
	v1 =	vadd.f32 $1.000000010e-07, v1  }
0x1ce: {  	v4 =	vld [tilespmem:s25+$0xFFFFFE50];
	v2 =	vadd.f32 v2, v5  }
0x1cf: {  	v3 =	vmax.f32 v3, $0.0e+00;
	v9 =	vmul.f32 $1.442695020e+00, v1  }
0x1d0: {  	v6 =	vadd.f32 v7, v6;
	v7 =	vld [tilespmem:s28+$0xFFFFFED0];
	v3 =	vadd.f32 $1.000000010e-07, v3;
	v2 =	vmax.f32 v2, $0.0e+00  }
0x1d1: {  	v5 =	vld [tilespmem:s25+$0xFFFFFED0];
	(erf) = vpow2.f32 v9;
	v2 =	vadd.f32 $1.000000010e-07, v2  }
0x1d2: {  	v9 =	vmul.f32 $1.442695020e+00, v3  }
0x1d3: {  	v6 =	vmax.f32 v6, $0.0e+00;
	v4 =	vadd.f32 v8, v4;
	v8 =	vmul.f32 $1.442695020e+00, v2  }
0x1d4: {  	v6 =	vadd.f32 $1.000000010e-07, v6;
	(erf) = vpow2.f32 v9  }
0x1d5: {  	v4 =	vmax.f32 v4, $0.0e+00;
	v9 =	vld [tilespmem:s28+$0xFFFFFC50];
	(erf) = vpow2.f32 v8  }
0x1d6: {  	v10 =	vmul.f32 $1.442695020e+00, v6;
	v4 =	vadd.f32 $1.000000010e-07, v4;
	v5 =	vadd.f32 v7, v5;
	v7 =	vld [tilespmem:s25+$0xFFFFFF50]  }
0x1d7: {  	v8 =	vld [tilespmem:s28+$0xFFFFFF50]  }
0x1d8: {  	v11 =	vmul.f32 $1.442695020e+00, v4;
	(erf) = vpow2.f32 v10;
	v10 =	vld [tilespmem:s25+$0xFFFFFC50];
	_ =	sdelay $0x1  }
0x1d9: {  	v5 =	vmax.f32 v5, $0.0e+00;
	(erf) = vpow2.f32 v11;
	v12 =	vpop (erf)  }
0x1da: {  	v5 =	vadd.f32 $1.000000010e-07, v5;
	v1 =	vmul.f32 v12, v1  }
0x1db: {  	s20 =	simm.s32 $0xA6F0  }
0x1dc: {  	v11 =	vmul.f32 $1.442695020e+00, v5;
	[tilespmem:s20+$0xFFFFFFD0] =	vst v1;
	v1 =	vadd.f32 v8, v7;
	v8 =	vadd.f32 v9, v10;
	v9 =	vpop (erf)  }
0x1dd: {  	v3 =	vmul.f32 v9, v3;
	[tilespmem:s20+$0xFFFFFC90] =	vst v9;
	v9 =	vpop (erf)  }
0x1de: {  	[tilespmem:s20+$0xFFFFFF90] =	vst v12;
	(erf) = vpow2.f32 v11;
	v2 =	vmul.f32 v9, v2  }
0x1df: {  	v7 =	vld [tilespmem:s25+$0xFFFFFFE0]  }
0x1e0: {  	v10 =	vld [tilespmem:s28+$0xFFFFFFE0]  }
0x1e1: {  	[tilespmem:s20+$0xFFFFFCD0] =	vst v3;
	v3 =	vpop (erf)  }
0x1e2: {  	v1 =	vmax.f32 v1, $0.0e+00;
	[tilespmem:s20+$0xFFFFFD50] =	vst v2;
	v2 =	vpop (erf)  }
0x1e3: {  	v8 =	vmax.f32 v8, $0.0e+00;
	v1 =	vadd.f32 $1.000000010e-07, v1;
	v12 =	vld [tilespmem:s25+$0xFFFFFCE0];
	v4 =	vmul.f32 v2, v4  }
0x1e4: {  	v8 =	vadd.f32 $1.000000010e-07, v8;
	[tilespmem:s20+$0xFFFFFD10] =	vst v9;
	v13 =	vld [tilespmem:s28+$0xFFFFFCE0];
	v6 =	vmul.f32 v3, v6  }
0x1e5: {  	v11 =	vmul.f32 $1.442695020e+00, v1;
	v7 =	vadd.f32 v10, v7;
	v10 =	vld [tilespmem:s25+$0xFFFFFD60];
	[tilespmem:s20+$0xFFFFFD90] =	vst v3  }
0x1e6: {  	v9 =	vmul.f32 $1.442695020e+00, v8;
	[tilespmem:s20+$0xFFFFFDD0] =	vst v6;
	v6 =	vld [tilespmem:s28+$0xFFFFFD60]  }
0x1e7: {  	(erf) = vpow2.f32 v11;
	v3 =	vmax.f32 v7, $0.0e+00;
	v7 =	vld [tilespmem:s25+$0xFFFFFDE0];
	[tilespmem:s20+$0xFFFFFE50] =	vst v4;
	v4 =	vpop (erf)  }
0x1e8: {  	(erf) = vpow2.f32 v9;
	[tilespmem:s20+$0xFFFFFE10] =	vst v2;
	v3 =	vadd.f32 $1.000000010e-07, v3;
	v9 =	vld [tilespmem:s28+$0xFFFFFDE0];
	v2 =	vmul.f32 v4, v5  }
0x1e9: {  	v11 =	vld [tilespmem:s25+$0xFFFFFE60];
	v5 =	vadd.f32 v13, v12;
	[tilespmem:s20+$0xFFFFFE90] =	vst v4  }
0x1ea: {  	v4 =	vmul.f32 $1.442695020e+00, v3;
	v12 =	vld [tilespmem:s28+$0xFFFFFE60];
	[tilespmem:s20+$0xFFFFFED0] =	vst v2  }
0x1eb: {  	v2 =	vmax.f32 v5, $0.0e+00;
	v5 =	vadd.f32 v6, v10;
	v6 =	vld [tilespmem:s25+$0xFFFFFEE0]  }
0x1ec: {  	(erf) = vpow2.f32 v4;
	v4 =	vld [tilespmem:s28+$0xFFFFFEE0]  }
0x1ed: {  	v7 =	vadd.f32 v9, v7;
	v2 =	vadd.f32 $1.000000010e-07, v2;
	v5 =	vmax.f32 v5, $0.0e+00  }
0x1ee: {  	v5 =	vadd.f32 $1.000000010e-07, v5  }
0x1ef: {  	v7 =	vmax.f32 v7, $0.0e+00;
	v10 =	vmul.f32 $1.442695020e+00, v2;
	v11 =	vadd.f32 v12, v11  }
0x1f0: {  	v9 =	vpop (erf);
	v7 =	vadd.f32 $1.000000010e-07, v7;
	v13 =	vmul.f32 $1.442695020e+00, v5  }
0x1f1: {  	v12 =	vpop (erf);
	(erf) = vpow2.f32 v10;
	v10 =	vmax.f32 v11, $0.0e+00;
	v4 =	vadd.f32 v4, v6  }
0x1f2: {  	v8 =	vmul.f32 v12, v8;
	v6 =	vmul.f32 $1.442695020e+00, v7;
	v10 =	vadd.f32 $1.000000010e-07, v10  }
0x1f3: {  	v1 =	vmul.f32 v9, v1;
	[tilespmem:s20+$0xFFFFFF10] =	vst v9;
	(erf) = vpow2.f32 v13;
	v4 =	vmax.f32 v4, $0.0e+00  }
0x1f4: {  	[tilespmem:s20+$0xFFFFFC50] =	vst v8;
	v8 =	vmul.f32 $1.442695020e+00, v10;
	v4 =	vadd.f32 $1.000000010e-07, v4  }
0x1f5: {  	[tilespmem:s20+$0xFFFFFF50] =	vst v1;
	(erf) = vpow2.f32 v6  }
0x1f6: {  	[tilespmem:s20+$0xFFFFFC10] =	vst v12;
	v11 =	vld [tilespmem:s25+$0xFFFFFF60];
	v6 =	vpop (erf);
	(erf) = vpow2.f32 v8;
	v8 =	vmul.f32 $1.442695020e+00, v4  }
0x1f7: {  	v1 =	vld [tilespmem:s25+$0xFFFFFC60];
	v3 =	vmul.f32 v6, v3  }
0x1f8: {  	[tilespmem:s20+$0xFFFFFFA0] =	vst v6;
	v6 =	vld [tilespmem:s28+$0xFFFFFF60]  }
0x1f9: {  	v9 =	vld [tilespmem:s28+$0xFFFFFC60];
	[tilespmem:s20+$0xFFFFFFE0] =	vst v3  }
0x1fa: {  	(erf) = vpow2.f32 v8;
	v3 =	vld [tilespmem:s25+$0xFFFFFFF0];
	v8 =	vpop (erf)  }
0x1fb: {  	v12 =	vld [tilespmem:s28+$0xFFFFFFF0];
	v2 =	vmul.f32 v8, v2  }
0x1fc: {  	[tilespmem:s20+$0xFFFFFCA0] =	vst v8;
	v8 =	vpop (erf)  }
0x1fd: {  	[tilespmem:s20+$0xFFFFFCE0] =	vst v2;
	v2 =	vmul.f32 v8, v5;
	v5 =	vadd.f32 v6, v11  }
0x1fe: {  	v1 =	vadd.f32 v9, v1  }
0x1ff: {  	[tilespmem:s20+$0xFFFFFD20] =	vst v8;
	v8 =	vpop (erf);
	v6 =	vld [tilespmem:s25+$0xFFFFFCF0]  }
0x200: {  	v1 =	vmax.f32 v1, $0.0e+00;
	v9 =	vld [tilespmem:s28+$0xFFFFFCF0];
	v7 =	vmul.f32 v8, v7;
	[tilespmem:s20+$0xFFFFFD60] =	vst v2;
	v2 =	vadd.f32 v12, v3  }
0x201: {  	v1 =	vadd.f32 $1.000000010e-07, v1;
	[tilespmem:s20+$0xFFFFFDA0] =	vst v8;
	v3 =	vmax.f32 v5, $0.0e+00;
	v8 =	vld [tilespmem:s25+$0xFFFFFD70];
	v5 =	vpop (erf)  }
0x202: {  	v3 =	vadd.f32 $1.000000010e-07, v3;
	[tilespmem:s20+$0xFFFFFDE0] =	vst v7;
	v2 =	vmax.f32 v2, $0.0e+00;
	v7 =	vmul.f32 v5, v10;
	v10 =	vld [tilespmem:s28+$0xFFFFFD70]  }
0x203: {  	v11 =	vmul.f32 $1.442695020e+00, v1;
	[tilespmem:s20+$0xFFFFFE20] =	vst v5;
	v5 =	vld [tilespmem:s25+$0xFFFFFDF0];
	v2 =	vadd.f32 $1.000000010e-07, v2;
	v12 =	vpop (erf)  }
0x204: {  	v13 =	vmul.f32 $1.442695020e+00, v3;
	v4 =	vmul.f32 v12, v4;
	[tilespmem:s20+$0xFFFFFE60] =	vst v7;
	v7 =	vld [tilespmem:s28+$0xFFFFFDF0]  }
0x205: {  	(erf) = vpow2.f32 v11;
	[tilespmem:s20+$0xFFFFFEA0] =	vst v12;
	v12 =	vmul.f32 $1.442695020e+00, v2;
	v11 =	vld [tilespmem:s25+$0xFFFFFE70]  }
0x206: {  	s8 =	sadd.s32 $0x400, s25;
	(erf) = vpow2.f32 v13;
	v13 =	vld [tilespmem:s28+$0xFFFFFE70];
	[tilespmem:s20+$0xFFFFFEE0] =	vst v4;
	v4 =	vadd.f32 v9, v6  }
0x207: {  	s23 =	simm.s32 $0x6AB0;
	v9 =	vld [tilespmem:s8+$0xFFFFFFD0];
	(erf) = vpow2.f32 v12  }
0x208: {  	v4 =	vmax.f32 v4, $0.0e+00;
	v8 =	vadd.f32 v10, v8;
	v10 =	vld [tilespmem:s23+$0xFFFFFFD0]  }
0x209: {  	v4 =	vadd.f32 $1.000000010e-07, v4  }
0x20a: {  	v5 =	vadd.f32 v7, v5  }
0x20b: {  	v8 =	vmax.f32 v8, $0.0e+00;
	v14 =	vmul.f32 $1.442695020e+00, v4  }
0x20c: {  	v15 =	vld [tilespmem:s23+$0xFFFFFCD0];
	v8 =	vadd.f32 $1.000000010e-07, v8;
	v11 =	vadd.f32 v13, v11;
	v5 =	vmax.f32 v5, $0.0e+00  }
0x20d: {  	v12 =	vld [tilespmem:s8+$0xFFFFFCD0];
	v5 =	vadd.f32 $1.000000010e-07, v5;
	v9 =	vadd.f32 v10, v9  }
0x20e: {  	v16 =	vpop (erf);
	v13 =	vld [tilespmem:s8+$0xFFFFFD50];
	v17 =	vmul.f32 $1.442695020e+00, v8;
	(erf) = vpow2.f32 v14;
	v11 =	vmax.f32 v11, $0.0e+00  }
0x20f: {  	v14 =	vld [tilespmem:s23+$0xFFFFFD50];
	v10 =	vpop (erf);
	v11 =	vadd.f32 $1.000000010e-07, v11;
	v9 =	vmax.f32 v9, $0.0e+00  }
0x210: {  	v19 =	vld [tilespmem:s8+$0xFFFFFDD0];
	v18 =	vmul.f32 $1.442695020e+00, v5;
	(erf) = vpow2.f32 v17;
	v20 =	vpop (erf);
	v9 =	vadd.f32 $1.000000010e-07, v9  }
0x211: {  	v17 =	vld [tilespmem:s23+$0xFFFFFDD0];
	v21 =	vmul.f32 $1.442695020e+00, v11;
	v2 =	vmul.f32 v20, v2  }
0x212: {  	v22 =	vld [tilespmem:s23+$0xFFFFFE50];
	v12 =	vadd.f32 v15, v12;
	[tilespmem:s20+$0xFFFFFFB0] =	vst v20;
	(erf) = vpow2.f32 v18;
	v20 =	vmul.f32 $1.442695020e+00, v9  }
0x213: {  	v15 =	vld [tilespmem:s8+$0xFFFFFE50];
	(erf) = vpow2.f32 v21  }
0x214: {  	v12 =	vmax.f32 v12, $0.0e+00;
	[tilespmem:s20+$0xFFFFFFF0] =	vst v2;
	v2 =	vadd.f32 v14, v13;
	(erf) = vpow2.f32 v20  }
0x215: {  	v12 =	vadd.f32 $1.000000010e-07, v12;
	v13 =	vld [tilespmem:s25+$0x0]  }
0x216: {  	v14 =	vadd.f32 v17, v19;
	v17 =	vld [tilespmem:s28+$0x0];
	v2 =	vmax.f32 v2, $0.0e+00  }
0x217: {  	v1 =	vmul.f32 v16, v1;
	v18 =	vld [tilespmem:s8+$0xFFFFFED0];
	v19 =	vmul.f32 $1.442695020e+00, v12;
	v21 =	vpop (erf);
	v2 =	vadd.f32 $1.000000010e-07, v2  }
0x218: {  	[tilespmem:s20+$0xFFFFFC20] =	vst v16;
	v3 =	vmul.f32 v10, v3;
	v15 =	vadd.f32 v22, v15;
	v20 =	vld [tilespmem:s23+$0xFFFFFED0];
	v4 =	vmul.f32 v21, v4  }
0x219: {  	[tilespmem:s20+$0xFFFFFC60] =	vst v1;
	v14 =	vmax.f32 v14, $0.0e+00;
	(erf) = vpow2.f32 v19;
	v1 =	vmul.f32 $1.442695020e+00, v2  }
0x21a: {  	v7 =	vld [tilespmem:s23+$0xFFFFFC50];
	[tilespmem:s20+$0xFFFFFF20] =	vst v10;
	v15 =	vmax.f32 v15, $0.0e+00;
	v14 =	vadd.f32 $1.000000010e-07, v14;
	v10 =	vpop (erf)  }
0x21b: {  	v16 =	vld [tilespmem:s23+$0xFFFFFF50];
	[tilespmem:s20+$0xFFFFFF60] =	vst v3;
	v15 =	vadd.f32 $1.000000010e-07, v15;
	v13 =	vadd.f32 v17, v13;
	(erf) = vpow2.f32 v1;
	v17 =	vpop (erf)  }
0x21c: {  	v22 =	vld [tilespmem:s8+$0xFFFFFF50];
	v23 =	vmul.f32 $1.442695020e+00, v14;
	[tilespmem:s20+$0xFFFFFCF0] =	vst v4;
	v4 =	vpop (erf)  }
0x21d: {  	v19 =	vld [tilespmem:s8+$0xFFFFFC50];
	v3 =	vmul.f32 v10, v8;
	v8 =	vadd.f32 v20, v18;
	v18 =	vmul.f32 $1.442695020e+00, v15;
	[tilespmem:s20+$0xFFFFFD30] =	vst v10;
	v10 =	vpop (erf)  }
0x21e: {  	[tilespmem:s20+$0xFFFFFCB0] =	vst v21;
	v21 =	vld [tilespmem:s25+$0xFFFFFF70];
	(erf) = vpow2.f32 v23;
	v9 =	vmul.f32 v10, v9  }
0x21f: {  	v13 =	vmax.f32 v13, $0.0e+00;
	(erf) = vpow2.f32 v18;
	v18 =	vld [tilespmem:s28+$0xFFFFFF70]  }
0x220: {  	v13 =	vadd.f32 $1.000000010e-07, v13  }
0x221: {  	s6 =	simm.s32 $0xAAF0;
	v60 =	vld [tilespmem:s25+$0xFFFFFC70];
	v8 =	vmax.f32 v8, $0.0e+00  }
0x222: {  	v1 =	vld [tilespmem:s28+$0xFFFFFC70];
	v7 =	vadd.f32 v7, v19;
	v8 =	vadd.f32 $1.000000010e-07, v8;
	v19 =	vmul.f32 $1.442695020e+00, v13;
	[tilespmem:s6+$0xFFFFFFD0] =	vst v9;
	v9 =	vpop (erf)  }
0x223: {  	v6 =	vld [tilespmem:s25+$0xFFFFFEF0];
	v16 =	vadd.f32 v16, v22;
	[tilespmem:s6+$0xFFFFFF90] =	vst v10;
	v12 =	vmul.f32 v9, v12  }
0x224: {  	v22 =	vmul.f32 $1.442695020e+00, v8;
	(erf) = vpow2.f32 v19;
	v19 =	vld [tilespmem:s8+$0xFFFFFFE0];
	[tilespmem:s6+$0xFFFFFC90] =	vst v9;
	v9 =	vadd.f32 v18, v21;
	v18 =	vpop (erf)  }
0x225: {  	[tilespmem:s20+$0xFFFFFD70] =	vst v3;
	v3 =	vmax.f32 v16, $0.0e+00;
	v61 =	vld [tilespmem:s23+$0xFFFFFFE0];
	v2 =	vmul.f32 v18, v2  }
0x226: {  	v20 =	vld [tilespmem:s28+$0xFFFFFEF0];
	[tilespmem:s20+$0xFFFFFDB0] =	vst v17;
	v3 =	vadd.f32 $1.000000010e-07, v3;
	v7 =	vmax.f32 v7, $0.0e+00;
	(erf) = vpow2.f32 v22  }
0x227: {  	v5 =	vmul.f32 v17, v5;
	v23 =	vadd.f32 $1.000000010e-07, v7;
	v1 =	vadd.f32 v1, v60;
	[tilespmem:s6+$0xFFFFFCD0] =	vst v12;
	v12 =	vpop (erf)  }
0x228: {  	v16 =	vld [tilespmem:s25+$0xFFFFFD00];
	[tilespmem:s20+$0xFFFFFE30] =	vst v4;
	v17 =	vmul.f32 $1.442695020e+00, v3;
	v14 =	vmul.f32 v12, v14  }
0x229: {  	v10 =	vld [tilespmem:s28+$0xFFFFFD00];
	v22 =	vmul.f32 $1.442695020e+00, v23;
	v1 =	vmax.f32 v1, $0.0e+00;
	[tilespmem:s6+$0xFFFFFD50] =	vst v2;
	v2 =	vpop (erf)  }
0x22a: {  	v7 =	vld [tilespmem:s25+$0xFFFFFD80];
	(erf) = vpow2.f32 v17;
	[tilespmem:s6+$0xFFFFFDD0] =	vst v14;
	v14 =	vmul.f32 v2, v15;
	v15 =	vadd.f32 v61, v19  }
0x22b: {  	v6 =	vadd.f32 v20, v6;
	v17 =	vld [tilespmem:s28+$0xFFFFFD80];
	(erf) = vpow2.f32 v22;
	[tilespmem:s6+$0xFFFFFD10] =	vst v18;
	v18 =	vadd.f32 $1.000000010e-07, v1  }
0x22c: {  	v4 =	vmul.f32 v4, v11;
	v1 =	vmax.f32 v9, $0.0e+00;
	v20 =	vld [tilespmem:s8+$0xFFFFFCE0];
	[tilespmem:s6+$0xFFFFFE50] =	vst v14;
	v14 =	vmax.f32 v15, $0.0e+00  }
0x22d: {  	v6 =	vmax.f32 v6, $0.0e+00;
	v9 =	vld [tilespmem:s23+$0xFFFFFCE0];
	v11 =	vadd.f32 $1.000000010e-07, v1;
	v19 =	vmul.f32 $1.442695020e+00, v18  }
0x22e: {  	v6 =	vadd.f32 $1.000000010e-07, v6;
	v10 =	vadd.f32 v10, v16;
	v16 =	vld [tilespmem:s8+$0xFFFFFD60];
	[tilespmem:s6+$0xFFFFFD90] =	vst v12;
	v15 =	vpop (erf)  }
0x22f: {  	v1 =	vld [tilespmem:s23+$0xFFFFFD60];
	[tilespmem:s6+$0xFFFFFE10] =	vst v2;
	(erf) = vpow2.f32 v19;
	v19 =	vmul.f32 $1.442695020e+00, v11;
	v2 =	vadd.f32 $1.000000010e-07, v14;
	v14 =	vpop (erf)  }
0x230: {  	v12 =	vadd.f32 v17, v7;
	v7 =	vmul.f32 $1.442695020e+00, v6;
	v17 =	vld [tilespmem:s8+$0xFFFFFDE0];
	v8 =	vmul.f32 v14, v8  }
0x231: {  	[tilespmem:s20+$0xFFFFFDF0] =	vst v5;
	v21 =	vld [tilespmem:s23+$0xFFFFFDE0]  }
0x232: {  	v5 =	vadd.f32 v9, v20;
	v20 =	vld [tilespmem:s25+$0xFFFFFE00];
	(erf) = vpow2.f32 v7  }
0x233: {  	v9 =	vld [tilespmem:s8+$0xFFFFFE60];
	(erf) = vpow2.f32 v19;
	v13 =	vmul.f32 v15, v13;
	[tilespmem:s6+$0xFFFFFE90] =	vst v14;
	v19 =	vpop (erf)  }
0x234: {  	v7 =	vmax.f32 v10, $0.0e+00;
	v10 =	vld [tilespmem:s23+$0xFFFFFE60];
	v14 =	vmul.f32 $1.442695020e+00, v2;
	[tilespmem:s6+$0xFFFFFED0] =	vst v8;
	v8 =	vpop (erf)  }
0x235: {  	v1 =	vadd.f32 v1, v16;
	v5 =	vmax.f32 v5, $0.0e+00;
	[tilespmem:s20+$0x0] =	vst v13;
	v16 =	vld [tilespmem:s8+$0xFFFFFEE0];
	v13 =	vmul.f32 v8, v23  }
0x236: {  	v5 =	vadd.f32 $1.000000010e-07, v5;
	(erf) = vpow2.f32 v14;
	v14 =	vld [tilespmem:s23+$0xFFFFFEE0];
	[tilespmem:s6+$0xFFFFFC10] =	vst v8  }
0x237: {  	v12 =	vmax.f32 v12, $0.0e+00;
	v3 =	vmul.f32 v19, v3;
	v8 =	vadd.f32 v21, v17;
	v17 =	vld [tilespmem:s28+$0xFFFFFE00];
	[tilespmem:s6+$0xFFFFFC50] =	vst v13  }
0x238: {  	v21 =	vmax.f32 v1, $0.0e+00;
	v1 =	vadd.f32 $1.000000010e-07, v12;
	v12 =	vmul.f32 $1.442695020e+00, v5;
	v13 =	vld [tilespmem:s8+$0xFFFFFC60]  }
0x239: {  	[tilespmem:s6+$0xFFFFFF10] =	vst v19;
	v9 =	vadd.f32 v10, v9;
	v19 =	vld [tilespmem:s23+$0xFFFFFC60]  }
0x23a: {  	v7 =	vadd.f32 $1.000000010e-07, v7;
	[tilespmem:s6+$0xFFFFFF50] =	vst v3;
	v3 =	vadd.f32 $1.000000010e-07, v21;
	v8 =	vmax.f32 v8, $0.0e+00  }
0x23b: {  	[tilespmem:s20+$0xFFFFFE70] =	vst v4;
	v4 =	vmax.f32 v9, $0.0e+00;
	(erf) = vpow2.f32 v12;
	v8 =	vadd.f32 $1.000000010e-07, v8  }
0x23c: {  	v4 =	vadd.f32 $1.000000010e-07, v4;
	v21 =	vmul.f32 $1.442695020e+00, v3;
	v14 =	vadd.f32 v14, v16;
	v12 =	vpop (erf)  }
0x23d: {  	v9 =	vld [tilespmem:s8+$0xFFFFFF60];
	v18 =	vmul.f32 v12, v18;
	[tilespmem:s20+$0xFFFFFC30] =	vst v12;
	v12 =	vpop (erf);
	v22 =	vmul.f32 $1.442695020e+00, v8;
	v17 =	vadd.f32 v17, v20  }
0x23e: {  	v16 =	vld [tilespmem:s23+$0xFFFFFF60];
	(erf) = vpow2.f32 v21;
	v20 =	vmul.f32 $1.442695020e+00, v4;
	[tilespmem:s20+$0xFFFFFEB0] =	vst v12;
	v13 =	vadd.f32 v19, v13  }
0x23f: {  	v14 =	vmax.f32 v14, $0.0e+00;
	v6 =	vmul.f32 v12, v6;
	v12 =	vpop (erf);
	[tilespmem:s20+$0xFFFFFC70] =	vst v18;
	v18 =	vld [tilespmem:s25+$0xFFFFFE80];
	(erf) = vpow2.f32 v22  }
0x240: {  	[tilespmem:s20+$0xFFFFFFC0] =	vst v15;
	v14 =	vadd.f32 $1.000000010e-07, v14;
	v21 =	vld [tilespmem:s25+$0xFFFFFC80];
	v19 =	vpop (erf);
	(erf) = vpow2.f32 v20;
	v13 =	vmax.f32 v13, $0.0e+00  }
0x241: {  	v11 =	vmul.f32 v12, v11;
	v23 =	vld [tilespmem:s28+$0xFFFFFC80];
	v2 =	vmul.f32 v19, v2;
	[tilespmem:s6+$0xFFFFFFA0] =	vst v19;
	v19 =	vadd.f32 $1.000000010e-07, v13  }
0x242: {  	v10 =	vmul.f32 $1.442695020e+00, v7;
	[tilespmem:s20+$0xFFFFFEF0] =	vst v6;
	v6 =	vld [tilespmem:s28+$0xFFFFFE80]  }
0x243: {  	v20 =	vmul.f32 $1.442695020e+00, v14;
	v9 =	vadd.f32 v16, v9;
	v16 =	vld [tilespmem:s25+$0xFFFFFF00];
	[tilespmem:s20+$0xFFFFFF70] =	vst v11;
	v11 =	vmul.f32 $1.442695020e+00, v19  }
0x244: {  	v22 =	vmul.f32 $1.442695020e+00, v1;
	[tilespmem:s20+$0xFFFFFF30] =	vst v12;
	v17 =	vmax.f32 v17, $0.0e+00;
	v12 =	vld [tilespmem:s28+$0xFFFFFF00];
	(erf) = vpow2.f32 v10;
	v13 =	vpop (erf)  }
0x245: {  	(erf) = vpow2.f32 v20;
	[tilespmem:s6+$0xFFFFFFE0] =	vst v2;
	v2 =	vadd.f32 $1.000000010e-07, v17;
	v17 =	vld [tilespmem:s25+$0xFFFFFF80];
	v5 =	vmul.f32 v13, v5  }
0x246: {  	v10 =	vld [tilespmem:s8+$0xFFFFFFF0];
	(erf) = vpow2.f32 v22;
	[tilespmem:s6+$0xFFFFFCA0] =	vst v13  }
0x247: {  	v9 =	vmax.f32 v9, $0.0e+00;
	v15 =	vld [tilespmem:s23+$0xFFFFFFF0];
	(erf) = vpow2.f32 v11;
	[tilespmem:s6+$0xFFFFFCE0] =	vst v5;
	v11 =	vpop (erf)  }
0x248: {  	v9 =	vadd.f32 $1.000000010e-07, v9;
	v6 =	vadd.f32 v6, v18;
	v18 =	vld [tilespmem:s28+$0xFFFFFF80];
	[tilespmem:s6+$0xFFFFFD20] =	vst v11;
	v3 =	vmul.f32 v11, v3;
	v11 =	vpop (erf)  }
0x249: {  	v13 =	vadd.f32 v23, v21;
	v21 =	vld [tilespmem:s8+$0xFFFFFCF0];
	[tilespmem:s6+$0xFFFFFDA0] =	vst v11;
	v8 =	vmul.f32 v11, v8;
	v11 =	vpop (erf)  }
0x24a: {  	v12 =	vadd.f32 v12, v16;
	v5 =	vmul.f32 $1.442695020e+00, v9;
	v16 =	vld [tilespmem:s23+$0xFFFFFCF0];
	v4 =	vmul.f32 v11, v4  }
0x24b: {  	v13 =	vmax.f32 v13, $0.0e+00  }
0x24c: {  	(erf) = vpow2.f32 v5;
	v5 =	vmax.f32 v6, $0.0e+00;
	v6 =	vadd.f32 $1.000000010e-07, v13;
	[tilespmem:s6+$0xFFFFFD60] =	vst v3  }
0x24d: {  	v20 =	vmul.f32 $1.442695020e+00, v2;
	v10 =	vadd.f32 v15, v10;
	v17 =	vadd.f32 v18, v17;
	[tilespmem:s6+$0xFFFFFE20] =	vst v11;
	v62 =	vpop (erf)  }
0x24e: {  	v5 =	vadd.f32 $1.000000010e-07, v5;
	v3 =	vmax.f32 v12, $0.0e+00;
	v11 =	vmul.f32 $1.442695020e+00, v6;
	v22 =	vld [tilespmem:s8+$0xFFFFFD70];
	[tilespmem:s6+$0xFFFFFE60] =	vst v4;
	v4 =	vpop (erf)  }
0x24f: {  	[tilespmem:s6+$0xFFFFFDE0] =	vst v8;
	v23 =	vld [tilespmem:s23+$0xFFFFFD70];
	v8 =	vmax.f32 v10, $0.0e+00;
	v18 =	vadd.f32 v16, v21;
	v21 =	vmul.f32 v4, v14  }
0x250: {  	v3 =	vadd.f32 $1.000000010e-07, v3;
	v15 =	vmul.f32 $1.442695020e+00, v5;
	v13 =	vld [tilespmem:s8+$0xFFFFFDF0];
	v10 =	vadd.f32 $1.000000010e-07, v8  }
0x251: {  	[tilespmem:s20+$0xFFFFFCC0] =	vst v62;
	v16 =	vld [tilespmem:s23+$0xFFFFFDF0];
	(erf) = vpow2.f32 v11;
	v11 =	vmul.f32 v62, v7  }
0x252: {  	v12 =	vmul.f32 $1.442695020e+00, v3;
	v63 =	vmul.f32 $1.442695020e+00, v10;
	[tilespmem:s6+$0xFFFFFEA0] =	vst v4;
	v4 =	vmax.f32 v17, $0.0e+00;
	v14 =	vld [tilespmem:s8+$0xFFFFFE70];
	v8 =	vpop (erf)  }
0x253: {  	s14 =	simm.s32 $0x8;
	v18 =	vmax.f32 v18, $0.0e+00;
	v17 =	vld [tilespmem:s23+$0xFFFFFE70];
	v4 =	vadd.f32 $1.000000010e-07, v4;
	[tilespmem:s6+$0xFFFFFEE0] =	vst v21;
	v21 =	vpop (erf);
	(erf) = vpow2.f32 v20  }
0x254: {  	s11 =	simm.s32 $0x6AB0;
	s10 =	simm.s32 $0xAAF0;
	s17 =	sadd.s32 $0x400, s8;
	v7 =	vld [tilespmem:s8+$0xFFFFFEF0];
	[tilespmem:s6+$0xFFFFFC20] =	vst v21;
	v20 =	vmul.f32 v21, v19;
	v19 =	vadd.f32 v23, v22;
	(erf) = vpow2.f32 v63  }
.LBB2_7:
0x255: {  	v21 =	vld [tilespmem:s17+$0xFFFFFFD0];
	v18 =	vadd.f32 $1.000000010e-07, v18;
	s23 =	sadd.s32 $0x400, s23;
	v22 =	vpop (erf);
	[tilespmem:s20+$0xFFFFFD00] =	vst v11;
	v1 =	vmul.f32 v8, v1;
	(erf) = vpow2.f32 v15  }
0x256: {  	v11 =	vld [tilespmem:s23+$0xFFFFFFD0];
	[tilespmem:s6+$0xFFFFFC60] =	vst v20;
	v15 =	vmax.f32 v19, $0.0e+00;
	v13 =	vadd.f32 v16, v13;
	v9 =	vmul.f32 v22, v9  }
0x257: {  	v20 =	vmul.f32 $1.442695020e+00, v4;
	v16 =	vld [tilespmem:s23+$0xFFFFFC50];
	v19 =	vmul.f32 $1.442695020e+00, v18;
	v15 =	vadd.f32 $1.000000010e-07, v15;
	[tilespmem:s6+$0xFFFFFF20] =	vst v22  }
0x258: {  	v22 =	vld [tilespmem:s17+$0xFFFFFCD0];
	v13 =	vmax.f32 v13, $0.0e+00;
	v14 =	vadd.f32 v17, v14;
	[tilespmem:s6+$0xFFFFFF60] =	vst v9;
	(erf) = vpow2.f32 v12  }
0x259: {  	s14 =	sadd.s32 $0x8, s14;
	v9 =	vld [tilespmem:s23+$0xFFFFFCD0];
	v23 =	vmul.f32 $1.442695020e+00, v15;
	v13 =	vadd.f32 $1.000000010e-07, v13;
	(erf) = vpow2.f32 v19;
	[tilespmem:s20+$0xFFFFFD80] =	vst v1  }
0x25a: {  	p0 =	slt.u32 s14, $0x38;
	v17 =	vld [tilespmem:s17+$0xFFFFFD50];
	v1 =	vmax.f32 v14, $0.0e+00;
	[tilespmem:s20+$0xFFFFFD40] =	vst v8;
	(erf) = vpow2.f32 v20  }
0x25b: {  	v8 =	vld [tilespmem:s23+$0xFFFFFD50];
	v11 =	vadd.f32 v11, v21;
	v24 =	vmul.f32 $1.442695020e+00, v13;
	v1 =	vadd.f32 $1.000000010e-07, v1;
	v19 =	vpop (erf)  }
0x25c: {  	v20 =	vld [tilespmem:s17+$0xFFFFFDD0];
	(erf) = vpow2.f32 v23;
	[tilespmem:s20+$0xFFFFFC40] =	vst v19;
	v23 =	vmul.f32 v19, v6;
	v12 =	vpop (erf)  }
0x25d: {  	v19 =	vld [tilespmem:s23+$0xFFFFFDD0];
	v11 =	vmax.f32 v11, $0.0e+00;
	v21 =	vmul.f32 $1.442695020e+00, v1;
	(erf) = vpow2.f32 v24;
	v14 =	vpop (erf);
	[tilespmem:s20+$0xFFFFFDC0] =	vst v12  }
0x25e: {  	v9 =	vadd.f32 v9, v22;
	v22 =	vld [tilespmem:s17+$0xFFFFFE50];
	v11 =	vadd.f32 $1.000000010e-07, v11;
	v10 =	vmul.f32 v14, v10;
	[tilespmem:s20+$0xFFFFFC80] =	vst v23;
	v6 =	vpop (erf)  }
0x25f: {  	v2 =	vmul.f32 v12, v2;
	v23 =	vld [tilespmem:s23+$0xFFFFFE50];
	[tilespmem:s6+$0xFFFFFFB0] =	vst v14;
	(erf) = vpow2.f32 v21  }
0x260: {  	v9 =	vmax.f32 v9, $0.0e+00;
	v8 =	vadd.f32 v8, v17;
	v12 =	vld [tilespmem:s17+$0xFFFFFED0];
	v14 =	vmul.f32 $1.442695020e+00, v11;
	[tilespmem:s6+$0xFFFFFFF0] =	vst v10  }
0x261: {  	v9 =	vadd.f32 $1.000000010e-07, v9;
	v10 =	vld [tilespmem:s8+$0x0];
	[tilespmem:s20+$0xFFFFFE00] =	vst v2;
	v2 =	vmul.f32 v6, v5;
	v5 =	vpop (erf)  }
0x262: {  	v8 =	vmax.f32 v8, $0.0e+00;
	v17 =	vadd.f32 v19, v20;
	(erf) = vpow2.f32 v14;
	v14 =	vld [tilespmem:s11+$0x0];
	v19 =	vpop (erf);
	[tilespmem:s20+$0xFFFFFE40] =	vst v6  }
0x263: {  	v24 =	vmul.f32 $1.442695020e+00, v9;
	v8 =	vadd.f32 $1.000000010e-07, v8;
	v20 =	vld [tilespmem:s23+$0xFFFFFED0];
	[tilespmem:s6+$0xFFFFFCB0] =	vst v19;
	v18 =	vmul.f32 v19, v18;
	v19 =	vpop (erf)  }
0x264: {  	v17 =	vmax.f32 v17, $0.0e+00;
	v21 =	vadd.f32 v23, v22;
	v22 =	vld [tilespmem:s17+$0xFFFFFF50];
	[tilespmem:s20+$0xFFFFFE80] =	vst v2;
	v2 =	vmul.f32 v5, v3  }
0x265: {  	v3 =	vmul.f32 $1.442695020e+00, v8;
	v17 =	vadd.f32 $1.000000010e-07, v17;
	v23 =	vld [tilespmem:s23+$0xFFFFFF50];
	(erf) = vpow2.f32 v24;
	[tilespmem:s6+$0xFFFFFCF0] =	vst v18;
	v6 =	vpop (erf)  }
0x266: {  	v4 =	vmul.f32 v19, v4;
	v18 =	vld [tilespmem:s17+$0xFFFFFC50];
	v21 =	vmax.f32 v21, $0.0e+00;
	[tilespmem:s6+$0xFFFFFD30] =	vst v6;
	v6 =	vmul.f32 v6, v15;
	v15 =	vpop (erf)  }
0x267: {  	v24 =	vmul.f32 $1.442695020e+00, v17;
	v21 =	vadd.f32 $1.000000010e-07, v21;
	v25 =	vld [tilespmem:s8+$0xFFFFFC70];
	[tilespmem:s6+$0xFFFFFDB0] =	vst v15;
	v10 =	vadd.f32 v14, v10  }
0x268: {  	v12 =	vadd.f32 v20, v12;
	(erf) = vpow2.f32 v3;
	v3 =	vld [tilespmem:s11+$0xFFFFFC70];
	[tilespmem:s6+$0xFFFFFD70] =	vst v6;
	v6 =	vmul.f32 v15, v13;
	v13 =	vpop (erf)  }
0x269: {  	v26 =	vmul.f32 $1.442695020e+00, v21;
	(erf) = vpow2.f32 v24;
	[tilespmem:s6+$0xFFFFFE30] =	vst v13;
	v15 =	vld [tilespmem:s11+$0xFFFFFEF0];
	v10 =	vmax.f32 v10, $0.0e+00  }
0x26a: {  	v12 =	vmax.f32 v12, $0.0e+00;
	v20 =	vadd.f32 v23, v22;
	[tilespmem:s6+$0xFFFFFDF0] =	vst v6;
	v6 =	vld [tilespmem:s8+$0xFFFFFF70];
	v10 =	vadd.f32 $1.000000010e-07, v10  }
0x26b: {  	v16 =	vadd.f32 v16, v18;
	v12 =	vadd.f32 $1.000000010e-07, v12;
	(erf) = vpow2.f32 v26;
	v14 =	vpop (erf);
	v18 =	vld [tilespmem:s11+$0xFFFFFF70];
	[tilespmem:s20+$0xFFFFFF00] =	vst v2  }
0x26c: {  	s6 =	sadd.s32 $0x400, s6;
	v2 =	vmax.f32 v20, $0.0e+00;
	v23 =	vmul.f32 v14, v11;
	v20 =	vld [tilespmem:s8+$0xFFFFFD00];
	v22 =	vmul.f32 $1.442695020e+00, v10;
	[tilespmem:s20+$0xFFFFFF80] =	vst v4  }
0x26d: {  	v4 =	vmax.f32 v16, $0.0e+00;
	v16 =	vmul.f32 $1.442695020e+00, v12;
	v2 =	vadd.f32 $1.000000010e-07, v2;
	[tilespmem:s6+$0xFFFFFF90] =	vst v14;
	v14 =	vld [tilespmem:s11+$0xFFFFFD00]  }
0x26e: {  	v3 =	vadd.f32 v3, v25;
	v4 =	vadd.f32 $1.000000010e-07, v4;
	[tilespmem:s6+$0xFFFFFFD0] =	vst v23;
	v11 =	vpop (erf);
	v23 =	vld [tilespmem:s8+$0xFFFFFD80];
	(erf) = vpow2.f32 v22  }
0x26f: {  	v7 =	vadd.f32 v15, v7;
	[tilespmem:s6+$0xFFFFFC90] =	vst v11;
	v22 =	vmul.f32 $1.442695020e+00, v2;
	v24 =	vld [tilespmem:s17+$0xFFFFFFE0];
	(erf) = vpow2.f32 v16  }
0x270: {  	v25 =	vmul.f32 v11, v9;
	v15 =	vmul.f32 $1.442695020e+00, v4;
	v11 =	vld [tilespmem:s23+$0xFFFFFFE0];
	v6 =	vadd.f32 v18, v6;
	[tilespmem:s20+$0xFFFFFEC0] =	vst v5  }
0x271: {  	v3 =	vmax.f32 v3, $0.0e+00;
	v7 =	vmax.f32 v7, $0.0e+00;
	v5 =	vpop (erf);
	(erf) = vpow2.f32 v22;
	v16 =	vld [tilespmem:s11+$0xFFFFFD80];
	[tilespmem:s20+$0xFFFFFF40] =	vst v19;
	s20 =	smov.u32 s10;
	s10 =	smov.u32 s6  }
0x272: {  	[tilespmem:s6+$0xFFFFFCD0] =	vst v25;
	v19 =	vmul.f32 v5, v8;
	(erf) = vpow2.f32 v15;
	v9 =	vpop (erf);
	v15 =	vld [tilespmem:s8+$0xFFFFFE00];
	v6 =	vmax.f32 v6, $0.0e+00  }
0x273: {  	v3 =	vadd.f32 $1.000000010e-07, v3;
	v18 =	vld [tilespmem:s17+$0xFFFFFCE0];
	[tilespmem:s6+$0xFFFFFD10] =	vst v5;
	v5 =	vmul.f32 v9, v17;
	v17 =	vadd.f32 $1.000000010e-07, v7  }
0x274: {  	v13 =	vmul.f32 v13, v1;
	v25 =	vadd.f32 v14, v20;
	v6 =	vadd.f32 $1.000000010e-07, v6;
	v7 =	vld [tilespmem:s23+$0xFFFFFCE0];
	[tilespmem:s6+$0xFFFFFD50] =	vst v19;
	v8 =	vpop (erf)  }
0x275: {  	v19 =	vmul.f32 $1.442695020e+00, v3;
	v1 =	vld [tilespmem:s17+$0xFFFFFD60];
	[tilespmem:s6+$0xFFFFFDD0] =	vst v5;
	v5 =	vmul.f32 v8, v21;
	v11 =	vadd.f32 v11, v24  }
0x276: {  	v21 =	vmul.f32 $1.442695020e+00, v6;
	v20 =	vld [tilespmem:s23+$0xFFFFFD60];
	[tilespmem:s6+$0xFFFFFD90] =	vst v9;
	v9 =	vadd.f32 v16, v23;
	v16 =	vmul.f32 $1.442695020e+00, v17  }
0x277: {  	v22 =	vld [tilespmem:s17+$0xFFFFFDE0];
	[tilespmem:s6+$0xFFFFFE50] =	vst v5;
	v5 =	vmax.f32 v11, $0.0e+00;
	v11 =	vmax.f32 v25, $0.0e+00;
	(erf) = vpow2.f32 v19;
	v14 =	vpop (erf)  }
0x278: {  	v19 =	vld [tilespmem:s23+$0xFFFFFDE0];
	[tilespmem:s6+$0xFFFFFE10] =	vst v8;
	v5 =	vadd.f32 $1.000000010e-07, v5;
	v8 =	vpop (erf);
	v10 =	vmul.f32 v14, v10;
	(erf) = vpow2.f32 v16  }
0x279: {  	v16 =	vadd.f32 v7, v18;
	v18 =	vld [tilespmem:s17+$0xFFFFFE60];
	[tilespmem:s6+$0xFFFFFE90] =	vst v8;
	v24 =	vmul.f32 v8, v12;
	(erf) = vpow2.f32 v21  }
0x27a: {  	v9 =	vmax.f32 v9, $0.0e+00;
	v7 =	vadd.f32 $1.000000010e-07, v11;
	v12 =	vld [tilespmem:s23+$0xFFFFFE60];
	v21 =	vmul.f32 $1.442695020e+00, v5;
	v23 =	vpop (erf);
	[tilespmem:s20+$0x0] =	vst v10  }
0x27b: {  	v10 =	vmax.f32 v16, $0.0e+00;
	v1 =	vadd.f32 v20, v1;
	[tilespmem:s6+$0xFFFFFED0] =	vst v24;
	v2 =	vmul.f32 v23, v2;
	v8 =	vpop (erf);
	v11 =	vld [tilespmem:s11+$0xFFFFFE00]  }
0x27c: {  	[tilespmem:s6+$0xFFFFFC10] =	vst v8;
	v4 =	vmul.f32 v8, v4;
	v8 =	vadd.f32 $1.000000010e-07, v10;
	v10 =	vld [tilespmem:s17+$0xFFFFFEE0];
	(erf) = vpow2.f32 v21  }
0x27d: {  	v16 =	vmax.f32 v1, $0.0e+00;
	v19 =	vadd.f32 v19, v22;
	v20 =	vld [tilespmem:s23+$0xFFFFFEE0];
	[tilespmem:s6+$0xFFFFFF50] =	vst v2;
	v1 =	vadd.f32 $1.000000010e-07, v9  }
0x27e: {  	v9 =	vmul.f32 $1.442695020e+00, v7;
	[tilespmem:s6+$0xFFFFFC50] =	vst v4;
	v24 =	vmul.f32 $1.442695020e+00, v8;
	v4 =	vadd.f32 $1.000000010e-07, v16  }
0x27f: {  	v16 =	vld [tilespmem:s17+$0xFFFFFC60];
	v19 =	vmax.f32 v19, $0.0e+00;
	v12 =	vadd.f32 v12, v18;
	[tilespmem:s6+$0xFFFFFF10] =	vst v23;
	v18 =	vmul.f32 $1.442695020e+00, v1  }
0x280: {  	v21 =	vld [tilespmem:s23+$0xFFFFFC60];
	v22 =	vmul.f32 $1.442695020e+00, v4;
	v19 =	vadd.f32 $1.000000010e-07, v19;
	(erf) = vpow2.f32 v24;
	[tilespmem:s20+$0xFFFFFE70] =	vst v13;
	v2 =	vpop (erf)  }
0x281: {  	v12 =	vmax.f32 v12, $0.0e+00;
	v13 =	vld [tilespmem:s17+$0xFFFFFF60];
	[tilespmem:s20+$0xFFFFFC30] =	vst v2;
	v2 =	vmul.f32 v2, v3;
	v3 =	vadd.f32 v11, v15;
	v11 =	vpop (erf)  }
0x282: {  	v15 =	vmul.f32 $1.442695020e+00, v19;
	v12 =	vadd.f32 $1.000000010e-07, v12;
	v24 =	vadd.f32 v20, v10;
	v20 =	vld [tilespmem:s23+$0xFFFFFF60];
	[tilespmem:s20+$0xFFFFFEB0] =	vst v11;
	v23 =	vpop (erf)  }
0x283: {  	v11 =	vmul.f32 v11, v17;
	(erf) = vpow2.f32 v22;
	[tilespmem:s20+$0xFFFFFC70] =	vst v2;
	v2 =	vmax.f32 v3, $0.0e+00;
	v3 =	vld [tilespmem:s8+$0xFFFFFE80]  }
0x284: {  	v17 =	vmul.f32 $1.442695020e+00, v12;
	v22 =	vmax.f32 v24, $0.0e+00;
	(erf) = vpow2.f32 v15;
	v15 =	vld [tilespmem:s8+$0xFFFFFC80];
	[tilespmem:s20+$0xFFFFFF30] =	vst v23  }
0x285: {  	v6 =	vmul.f32 v23, v6;
	v16 =	vadd.f32 v21, v16;
	v21 =	vadd.f32 $1.000000010e-07, v22;
	v10 =	vpop (erf);
	v22 =	vld [tilespmem:s11+$0xFFFFFC80];
	[tilespmem:s20+$0xFFFFFEF0] =	vst v11  }
0x286: {  	v2 =	vadd.f32 $1.000000010e-07, v2;
	v5 =	vmul.f32 v10, v5;
	(erf) = vpow2.f32 v17;
	v11 =	vld [tilespmem:s11+$0xFFFFFE80];
	[tilespmem:s20+$0xFFFFFFC0] =	vst v14  }
0x287: {  	v17 =	vmax.f32 v16, $0.0e+00;
	v16 =	vmul.f32 $1.442695020e+00, v21;
	v13 =	vadd.f32 v20, v13;
	[tilespmem:s6+$0xFFFFFFA0] =	vst v10;
	v10 =	vld [tilespmem:s8+$0xFFFFFF00]  }
0x288: {  	v23 =	vmul.f32 $1.442695020e+00, v2;
	v20 =	vadd.f32 $1.000000010e-07, v17;
	[tilespmem:s6+$0xFFFFFFE0] =	vst v5;
	v5 =	vld [tilespmem:s11+$0xFFFFFF00];
	(erf) = vpow2.f32 v9  }
0x289: {  	v9 =	vmax.f32 v13, $0.0e+00;
	v13 =	vld [tilespmem:s17+$0xFFFFFFF0];
	v14 =	vpop (erf);
	(erf) = vpow2.f32 v16;
	[tilespmem:s20+$0xFFFFFF70] =	vst v6  }
0x28a: {  	v16 =	vmul.f32 $1.442695020e+00, v20;
	[tilespmem:s6+$0xFFFFFCA0] =	vst v14;
	v8 =	vmul.f32 v14, v8;
	v9 =	vadd.f32 $1.000000010e-07, v9;
	v14 =	vld [tilespmem:s23+$0xFFFFFFF0]  }
0x28b: {  	v15 =	vadd.f32 v22, v15;
	v3 =	vadd.f32 v11, v3;
	v11 =	vld [tilespmem:s8+$0xFFFFFF80];
	(erf) = vpow2.f32 v18;
	s8 =	smov.u32 s17  }
0x28c: {  	[tilespmem:s6+$0xFFFFFCE0] =	vst v8;
	v22 =	vmul.f32 $1.442695020e+00, v9;
	(erf) = vpow2.f32 v16;
	v6 =	vpop (erf);
	v16 =	vld [tilespmem:s11+$0xFFFFFF80];
	s11 =	smov.u32 s23  }
0x28d: {  	v15 =	vmax.f32 v15, $0.0e+00;
	v17 =	vld [tilespmem:s17+$0xFFFFFCF0];
	[tilespmem:s6+$0xFFFFFD20] =	vst v6;
	v4 =	vmul.f32 v6, v4;
	v6 =	vpop (erf);
	v5 =	vadd.f32 v5, v10  }
0x28e: {  	v3 =	vmax.f32 v3, $0.0e+00;
	v18 =	vld [tilespmem:s23+$0xFFFFFCF0];
	[tilespmem:s6+$0xFFFFFDA0] =	vst v6;
	v10 =	vmul.f32 v6, v19;
	(erf) = vpow2.f32 v22  }
0x28f: {  	v6 =	vadd.f32 $1.000000010e-07, v15;
	[tilespmem:s6+$0xFFFFFD60] =	vst v4;
	v14 =	vadd.f32 v14, v13;
	v8 =	vpop (erf);
	v13 =	vmax.f32 v5, $0.0e+00  }
0x290: {  	v5 =	vadd.f32 $1.000000010e-07, v3;
	v19 =	vld [tilespmem:s17+$0xFFFFFD70];
	[tilespmem:s6+$0xFFFFFDE0] =	vst v10;
	v10 =	vmul.f32 v8, v12;
	v3 =	vadd.f32 $1.000000010e-07, v13  }
0x291: {  	v26 =	vmul.f32 $1.442695020e+00, v6;
	v22 =	vld [tilespmem:s23+$0xFFFFFD70];
	[tilespmem:s6+$0xFFFFFE20] =	vst v8;
	v12 =	vmax.f32 v14, $0.0e+00;
	v11 =	vadd.f32 v16, v11;
	v24 =	vpop (erf)  }
0x292: {  	v13 =	vld [tilespmem:s17+$0xFFFFFDF0]  }
.Ltmp2:
0x293: {  	v15 =	vmul.f32 $1.442695020e+00, v5;
	[tilespmem:s6+$0xFFFFFE60] =	vst v10;
	v10 =	vadd.f32 $1.000000010e-07, v12;
	v4 =	vpop (erf);
	v12 =	vmul.f32 $1.442695020e+00, v3;
	(pc) =	sbr.rel @p0 .LBB2_7-.Ltmp2, $4  }
0x294: {  	v17 =	vadd.f32 v18, v17;
	v16 =	vld [tilespmem:s23+$0xFFFFFDF0];
	[tilespmem:s6+$0xFFFFFEA0] =	vst v4;
	v27 =	vmul.f32 v4, v21;
	v4 =	vmax.f32 v11, $0.0e+00  }
0x295: {  	v14 =	vld [tilespmem:s17+$0xFFFFFE70];
	v25 =	vmul.f32 $1.442695020e+00, v10;
	[tilespmem:s20+$0xFFFFFCC0] =	vst v24;
	v4 =	vadd.f32 $1.000000010e-07, v4;
	(erf) = vpow2.f32 v26;
	v8 =	vpop (erf)  }
0x296: {  	v11 =	vmul.f32 v24, v7;
	v18 =	vmax.f32 v17, $0.0e+00;
	v17 =	vld [tilespmem:s23+$0xFFFFFE70];
	[tilespmem:s6+$0xFFFFFEE0] =	vst v27;
	v21 =	vpop (erf);
	(erf) = vpow2.f32 v23  }
0x297: {  	s17 =	sadd.s32 $0x400, s17;
	[tilespmem:s6+$0xFFFFFC20] =	vst v21;
	v20 =	vmul.f32 v21, v20;
	v19 =	vadd.f32 v22, v19;
	v7 =	vld [tilespmem:s8+$0xFFFFFEF0];
	(erf) = vpow2.f32 v25  }
0x298: {  	_ =	sdelay $0x4  }
0x299: {  	v21 =	vpop (erf)  }
0x29a: {  	v22 =	vpop (erf)  }
0x29b: {  	v23 =	vpop (erf)  }
0x29c: {  	v24 =	vpop (erf)  }
0x29d: {  	[tilespmem:s6+$0xFFFFFC60] =	vst v20;
	v10 =	vmul.f32 v24, v10  }
0x29e: {  	[tilespmem:s6+$0xFFFFFFB0] =	vst v24  }
0x29f: {  	v42 =	vld [tilespmem:s8+$0xFFFFFC70];
	[tilespmem:s6+$0xFFFFFFF0] =	vst v10  }
0x2a0: {  	v10 =	vld [tilespmem:s8+$0x0]  }
0x2a1: {  	v41 =	vld [tilespmem:s11+$0x0]  }
0x2a2: {  	v18 =	vadd.f32 $1.000000010e-07, v18;
	(erf) = vpow2.f32 v15;
	v43 =	vmax.f32 v19, $0.0e+00;
	v44 =	vld [tilespmem:s11+$0xFFFFFC70]  }
0x2a3: {  	v46 =	vmul.f32 $1.442695020e+00, v4;
	v13 =	vadd.f32 v16, v13;
	v15 =	vadd.f32 $1.000000010e-07, v43  }
0x2a4: {  	v9 =	vmul.f32 v21, v9;
	v45 =	vmul.f32 $1.442695020e+00, v18;
	v14 =	vadd.f32 v17, v14  }
0x2a5: {  	v13 =	vmax.f32 v13, $0.0e+00;
	v47 =	vmul.f32 $1.442695020e+00, v15;
	(erf) = vpow2.f32 v12  }
0x2a6: {  	v48 =	vadd.f32 $1.000000010e-07, v13;
	v14 =	vmax.f32 v14, $0.0e+00;
	v10 =	vadd.f32 v41, v10  }
0x2a7: {  	[tilespmem:s6+$0xFFFFFF20] =	vst v21;
	v14 =	vadd.f32 $1.000000010e-07, v14;
	(erf) = vpow2.f32 v45;
	v16 =	vadd.f32 v44, v42  }
0x2a8: {  	v49 =	vld [tilespmem:s11+$0xFFFFFEF0];
	[tilespmem:s6+$0xFFFFFF60] =	vst v9;
	v52 =	vmul.f32 $1.442695020e+00, v48;
	(erf) = vpow2.f32 v46;
	v53 =	vmax.f32 v10, $0.0e+00  }
0x2a9: {  	v50 =	vld [tilespmem:s8+$0xFFFFFF70];
	(erf) = vpow2.f32 v47;
	v16 =	vmax.f32 v16, $0.0e+00;
	v9 =	vadd.f32 $1.000000010e-07, v53  }
0x2aa: {  	v51 =	vld [tilespmem:s11+$0xFFFFFF70];
	v54 =	vmul.f32 $1.442695020e+00, v14;
	v55 =	vadd.f32 $1.000000010e-07, v16  }
0x2ab: {  	(erf) = vpow2.f32 v52;
	v56 =	vmul.f32 $1.442695020e+00, v9  }
0x2ac: {  	(erf) = vpow2.f32 v54;
	v58 =	vmul.f32 $1.442695020e+00, v55  }
0x2ad: {  	v7 =	vadd.f32 v49, v7;
	v59 =	vpop (erf);
	(erf) = vpow2.f32 v56  }
0x2ae: {  	v60 =	vpop (erf);
	(erf) = vpow2.f32 v58  }
0x2af: {  	v7 =	vmax.f32 v7, $0.0e+00;
	v57 =	vadd.f32 v51, v50  }
0x2b0: {  	v7 =	vadd.f32 $1.000000010e-07, v7;
	v61 =	vpop (erf)  }
0x2b1: {  	v16 =	vmax.f32 v57, $0.0e+00;
	v18 =	vmul.f32 v61, v18;
	v63 =	vpop (erf)  }
0x2b2: {  	v62 =	vmul.f32 $1.442695020e+00, v7;
	v16 =	vadd.f32 $1.000000010e-07, v16;
	[tilespmem:s6+$0xFFFFFCB0] =	vst v61;
	v27 =	vpop (erf)  }
0x2b3: {  	[tilespmem:s6+$0xFFFFFCF0] =	vst v18;
	v15 =	vmul.f32 v27, v15  }
0x2b4: {  	v26 =	vmul.f32 $1.442695020e+00, v16;
	[tilespmem:s6+$0xFFFFFD30] =	vst v27;
	v28 =	vpop (erf);
	v29 =	vld [tilespmem:s8+$0xFFFFFD00];
	(erf) = vpow2.f32 v62  }
0x2b5: {  	v30 =	vpop (erf);
	v31 =	vld [tilespmem:s11+$0xFFFFFD00];
	[tilespmem:s6+$0xFFFFFD70] =	vst v15  }
0x2b6: {  	[tilespmem:s20+$0xFFFFFD00] =	vst v11;
	v1 =	vmul.f32 v8, v1;
	v32 =	vld [tilespmem:s8+$0xFFFFFD80];
	(erf) = vpow2.f32 v26;
	v33 =	vpop (erf)  }
0x2b7: {  	[tilespmem:s20+$0xFFFFFD40] =	vst v8;
	v34 =	vld [tilespmem:s11+$0xFFFFFD80];
	v35 =	vpop (erf)  }
0x2b8: {  	[tilespmem:s20+$0xFFFFFD80] =	vst v1;
	v13 =	vmul.f32 v35, v55  }
0x2b9: {  	[tilespmem:s10+$0xFFFFFC30] =	vst v35  }
0x2ba: {  	v12 =	vmul.f32 v28, v48;
	[tilespmem:s10+$0xFFFFFC70] =	vst v13  }
0x2bb: {  	[tilespmem:s6+$0xFFFFFDB0] =	vst v28;
	v39 =	vadd.f32 v31, v29;
	v40 =	vld [tilespmem:s8+$0xFFFFFC80]  }
0x2bc: {  	v14 =	vmul.f32 v30, v14;
	[tilespmem:s6+$0xFFFFFDF0] =	vst v12;
	v12 =	vadd.f32 v34, v32;
	v42 =	vld [tilespmem:s11+$0xFFFFFC80]  }
0x2bd: {  	[tilespmem:s6+$0xFFFFFE30] =	vst v30;
	v25 =	vld [tilespmem:s8+$0xFFFFFE00];
	v11 =	vmax.f32 v39, $0.0e+00;
	v37 =	vpop (erf)  }
0x2be: {  	[tilespmem:s10+$0xFFFFFE70] =	vst v14;
	v36 =	vld [tilespmem:s11+$0xFFFFFE00];
	v11 =	vadd.f32 $1.000000010e-07, v11;
	v12 =	vmax.f32 v12, $0.0e+00;
	v7 =	vmul.f32 v37, v7  }
0x2bf: {  	v38 =	vld [tilespmem:s8+$0xFFFFFE80];
	v1 =	vadd.f32 $1.000000010e-07, v12;
	[tilespmem:s10+$0xFFFFFEB0] =	vst v37;
	v41 =	vpop (erf)  }
0x2c0: {  	v44 =	vld [tilespmem:s11+$0xFFFFFE80];
	v47 =	vmul.f32 $1.442695020e+00, v11;
	v43 =	vmul.f32 v41, v16;
	[tilespmem:s10+$0xFFFFFEF0] =	vst v7  }
0x2c1: {  	v51 =	vmul.f32 $1.442695020e+00, v1;
	[tilespmem:s10+$0xFFFFFF30] =	vst v41;
	v45 =	vld [tilespmem:s8+$0xFFFFFF00];
	v49 =	vadd.f32 v42, v40  }
0x2c2: {  	v6 =	vmul.f32 v22, v6;
	(erf) = vpow2.f32 v47;
	[tilespmem:s10+$0xFFFFFF70] =	vst v43;
	v46 =	vld [tilespmem:s11+$0xFFFFFF00]  }
0x2c3: {  	[tilespmem:s20+$0xFFFFFC40] =	vst v22;
	v14 =	vadd.f32 v36, v25;
	(erf) = vpow2.f32 v51;
	v48 =	vld [tilespmem:s8+$0xFFFFFF80];
	v8 =	vmax.f32 v49, $0.0e+00  }
0x2c4: {  	v2 =	vmul.f32 v23, v2;
	[tilespmem:s20+$0xFFFFFDC0] =	vst v23;
	v50 =	vld [tilespmem:s11+$0xFFFFFF80];
	v8 =	vadd.f32 $1.000000010e-07, v8  }
0x2c5: {  	[tilespmem:s20+$0xFFFFFC80] =	vst v6;
	v5 =	vmul.f32 v59, v5;
	v14 =	vmax.f32 v14, $0.0e+00  }
0x2c6: {  	[tilespmem:s20+$0xFFFFFE00] =	vst v2;
	v52 =	vadd.f32 v44, v38;
	v53 =	vadd.f32 $1.000000010e-07, v14;
	v54 =	vmul.f32 $1.442695020e+00, v8  }
0x2c7: {  	[tilespmem:s20+$0xFFFFFE40] =	vst v59;
	v3 =	vmul.f32 v60, v3;
	v2 =	vmul.f32 v63, v4;
	v7 =	vadd.f32 v46, v45  }
0x2c8: {  	[tilespmem:s20+$0xFFFFFE80] =	vst v5;
	v6 =	vmax.f32 v52, $0.0e+00;
	v56 =	vmul.f32 $1.442695020e+00, v53;
	(erf) = vpow2.f32 v54  }
0x2c9: {  	[tilespmem:s20+$0xFFFFFEC0] =	vst v60;
	v6 =	vadd.f32 $1.000000010e-07, v6;
	v55 =	vadd.f32 v50, v48;
	v7 =	vmax.f32 v7, $0.0e+00  }
0x2ca: {  	[tilespmem:s20+$0xFFFFFF00] =	vst v3;
	v3 =	vadd.f32 $1.000000010e-07, v7;
	(erf) = vpow2.f32 v56  }
0x2cb: {  	[tilespmem:s20+$0xFFFFFF80] =	vst v2;
	v2 =	vmul.f32 $1.442695020e+00, v6;
	v60 =	vpop (erf);
	v57 =	vmax.f32 v55, $0.0e+00  }
0x2cc: {  	[tilespmem:s20+$0xFFFFFF40] =	vst v63;
	v58 =	vmul.f32 v33, v9;
	v61 =	vpop (erf);
	v7 =	vadd.f32 $1.000000010e-07, v57;
	v59 =	vmul.f32 $1.442695020e+00, v3  }
0x2cd: {  	[tilespmem:s10+$0xFFFFFFC0] =	vst v33;
	v1 =	vmul.f32 v61, v1;
	(erf) = vpow2.f32 v2  }
0x2ce: {  	[tilespmem:s10+$0x0] =	vst v58;
	v2 =	vmul.f32 $1.442695020e+00, v7;
	(erf) = vpow2.f32 v59  }
0x2cf: {  	[tilespmem:s10+$0xFFFFFCC0] =	vst v60  }
0x2d0: {  	[tilespmem:s10+$0xFFFFFD40] =	vst v61;
	(erf) = vpow2.f32 v2  }
0x2d1: {  	v62 =	vmul.f32 v60, v11;
	[tilespmem:s10+$0xFFFFFD80] =	vst v1;
	v1 =	vpop (erf)  }
0x2d2: {  	[tilespmem:s10+$0xFFFFFC40] =	vst v1;
	v1 =	vmul.f32 v1, v8  }
0x2d3: {  	[tilespmem:s10+$0xFFFFFD00] =	vst v62;
	v2 =	vpop (erf)  }
0x2d4: {  	[tilespmem:s10+$0xFFFFFDC0] =	vst v2;
	v2 =	vmul.f32 v2, v53  }
0x2d5: {  	[tilespmem:s10+$0xFFFFFC80] =	vst v1  }
0x2d6: {  	[tilespmem:s10+$0xFFFFFE00] =	vst v2;
	v1 =	vpop (erf)  }
0x2d7: {  	s26 =	sadd.s32 $0x1, s26;
	v2 =	vmul.f32 v1, v6;
	v63 =	vpop (erf);
	[tilespmem:s10+$0xFFFFFE40] =	vst v1  }
0x2d8: {  	p0 =	sne.s32 s26, $0x9D;
	[tilespmem:s10+$0xFFFFFEC0] =	vst v63  }
.Ltmp3:
0x2d9: {  	v1 =	vpop (erf);
	v3 =	vmul.f32 v63, v3;
	[tilespmem:s10+$0xFFFFFE80] =	vst v2;
	(pc) =	sbr.rel @p0 .LBB2_4-.Ltmp3, $4  }
0x2da: {  	v2 =	vmul.f32 v1, v7;
	[tilespmem:s10+$0xFFFFFF40] =	vst v1  }
0x2db: {  	[tilespmem:s10+$0xFFFFFF00] =	vst v3  }
0x2dc: {  	s28 =	simm.s32 $0x280;
	[tilespmem:s10+$0xFFFFFF80] =	vst v2  }
0x2dd: {  	[spmem:s5] =	stream.indirect.scatter.add.f32 [tilespmem:s19], [sflag:$0x6], $0x80, s28, s0, $0xb8;
	[tilespmem:$0x1FF00] =	vst v63  }
0x2de: {  	s6 =	simm.s32 $0x5  }
0x2df: {  	_ =	swait.ge [sflag:s6], $0x2000  }
0x2e0: {  	[sflag:s6] =	ssyncset.done $0x0  }
0x2e1: {  	[sflag:s6] =	ssyncadd.s32 $0xFFFFE000  }
0x2e2: {  	_ =	swait.ge [sflag:s22], $0x2000  }
0x2e3: {  	[sflag:s22] =	ssyncset.done $0x0  }
0x2e4: {  	[sflag:s22] =	ssyncadd.s32 $0xFFFFE000  }
0x2e5: {  	s23 =	stileid.u32;
	[bflag:$0x0] =	sbarrier.arrive $0xFFFF  }
0x2e6: {  	s6 =	sshll.u32 s23, $0x6;
	s10 =	rddreg [dreg:$0x5]  }
0x2e7: {  	s6 =	sor.u32 $0x1C08, s6;
	s11 =	rddreg [dreg:$0x11];
	s8 =	sshrl.u32 s10, $0x3  }
0x2e8: {  	[hbm:s11], [sflag:s6] =	dma.local [spmem:s8], $0x2780  }
0x2e9: {  	_ =	swait.ge [sflag:s31], $0x2780  }
0x2ea: {  	s26 =	rddreg [dreg:$0x15]  }
0x2eb: {  	s28 =	rddreg [dreg:$0x12];
	s8 =	sadd.s32 $0x1, s26  }
0x2ec: {  	p0 =	sne.s32 s8, s28  }
.Ltmp4:
0x2ed: {  	_ = 	snop;
	(pc) =	sbr.rel @p0 .LBB2_1-.Ltmp4, $3  }
0x2ee: {  	_ =	sdelay $0x1  }
0x2ef: {  	[sflag:s31] =	ssyncset.done $0x0  }
0x2f0: {  	[sflag:s31] =	ssyncadd.s32 $0xFFFFD880  }
0x2f1: {  	_ =	sfence.sel $0x180000  }
0x2f2: {  	[bflag:$0x0] =	sbarrier.arrive $0xFFFF  }
0x2f3: {  	_ =	strace $0x90000047  }
0x2f4: {  	s0 =	stileid.u32;
	[bflag:$0x2] =	sbarrier.arrive $0xFFFF  }
0x2f5: {  	p0 =	sne.s32 s0, $0x0;
	s0 =	rddreg [dreg:$0x4]  }
0x2f6: {  	s0 =	sadd.s32 @!p0 $0x100000, s0  }
0x2f7: {  	[sflag:s0] =	ssyncadd.tile.s32 @!p0 $0x1;
	_ =	shalt  }
.Lfunc_end2:
_tile_overlayer_lowered:
.L_overlay_start_2:
0x2f8: {  	(tag) =	ssettag $0x2  }
0x2f9: {  	s0 =	rddreg [dreg:$0x0];
	s2 =	stileid.u32  }
0x2fa: {  	s1 =	rddreg [dreg:$0x1];
	p0 =	sne.s32 s2, $0x0  }
0x2fb: {  	s3 =	rddreg [dreg:$0x2];
	[bflag:$0x3] =	sbarrier.arrive $0xFFFF;
	s2 =	simm.s32 @!p0 $0x1C08  }
0x2fc: {  	[timem:s3], [sflag:s2] =	dma.local @!p0 [hbm:s0], s1  }
0x2fd: {  	s0 =	simm.s32 @!p0 $0x8  }
0x2fe: {  	_ =	swait.ge @!p0 [sflag:s0], s1  }
0x2ff: {  	s1 =	ssub.s32 @!p0 $0x0, s1;
	[sflag:s0] =	ssyncset.done @!p0 $0x0  }
0x300: {  	[sflag:s0] =	ssyncadd.s32 @!p0 s1  }
0x301: {  	[bflag:$0x3] =	sbarrier.arrive $0xFFFF  }
0x302: {  	_ =	shalt  }

</sc_bundles>
